<compile_context>
chip_gen: v7x
topology: tpu7x:2x2x1
jax: 0.10.2.dev20260603
libtpu: 0.0.44.dev20260713+nightly
codegen_flags: <defaults>
</compile_context>

<pallas_src>
import functools

import jax
import jax.numpy as jnp
from jax import lax
from jax.experimental import pallas as pl
from jax.experimental.pallas import tpu as pltpu
from jax.experimental.pallas import tpu_sc as plsc

B = 16384
D = 32
NC = 2
NS = 16
NW = NC * NS
BPW = B // NW
L = 16
IDX_CHUNK = 128
NCHUNK = BPW // IDX_CHUNK

_mesh = plsc.VectorSubcoreMesh(core_axis_name="c", subcore_axis_name="s")


@functools.partial(
    pl.kernel,
    mesh=_mesh,
    out_type=jax.ShapeDtypeStruct((B,), jnp.float32),
    compiler_params=pltpu.CompilerParams(
        needs_layout_passes=False, use_tc_tiling_on_sc=False
    ),
    scratch_types=[
        pltpu.VMEM((NCHUNK, IDX_CHUNK), jnp.int32),
        pltpu.VMEM((NCHUNK, IDX_CHUNK), jnp.int32),
        pltpu.VMEM((BPW, D), jnp.float32),
        pltpu.VMEM((BPW, D), jnp.float32),
        pltpu.VMEM((BPW,), jnp.float32),
        pltpu.SemaphoreType.DMA,
        pltpu.SemaphoreType.DMA,
    ],
)
def _sc_dot_kernel(t_idx_hbm, h_idx_hbm, t_tab_hbm, h_tab_hbm, out_hbm,
                   t_idx_v, h_idx_v, t_rows, h_rows, out_v, sem_t, sem_h):
    wid = lax.axis_index("s") * NC + lax.axis_index("c")
    base = wid * BPW

    pltpu.sync_copy(t_idx_hbm.at[wid], t_idx_v)
    pltpu.sync_copy(h_idx_hbm.at[wid], h_idx_v)

    for j in range(NCHUNK):
        pltpu.async_copy(
            t_tab_hbm.at[t_idx_v.at[j]],
            t_rows.at[pl.ds(j * IDX_CHUNK, IDX_CHUNK)],
            sem_t,
        )
        pltpu.async_copy(
            h_tab_hbm.at[h_idx_v.at[j]],
            h_rows.at[pl.ds(j * IDX_CHUNK, IDX_CHUNK)],
            sem_h,
        )

    lane = lax.iota(jnp.int32, L)

    def chunk_body(c, carry):
        row_ids = c * L + lane
        acc = jnp.zeros((L,), jnp.float32)
        for d in range(D):
            col = jnp.full((L,), d, jnp.int32)
            tv = plsc.load_gather(t_rows, [row_ids, col])
            hv = plsc.load_gather(h_rows, [row_ids, col])
            acc = acc + tv * hv
        out_v[pl.ds(c * L, L)] = acc
        return carry

    nrow = IDX_CHUNK // L
    for j in range(NCHUNK):
        pltpu.make_async_copy(
            t_tab_hbm.at[t_idx_v.at[j]],
            t_rows.at[pl.ds(j * IDX_CHUNK, IDX_CHUNK)],
            sem_t,
        ).wait()
        pltpu.make_async_copy(
            h_tab_hbm.at[h_idx_v.at[j]],
            h_rows.at[pl.ds(j * IDX_CHUNK, IDX_CHUNK)],
            sem_h,
        ).wait()
        lax.fori_loop(j * nrow, (j + 1) * nrow, chunk_body, 0)

    pltpu.sync_copy(out_v, out_hbm.at[pl.ds(base, BPW)])


def kernel(inputs, tumor_table, hospital_table):
    t_idx = inputs[:, 0].reshape(NW, NCHUNK, IDX_CHUNK)
    h_idx = inputs[:, 1].reshape(NW, NCHUNK, IDX_CHUNK)
    out = _sc_dot_kernel(t_idx, h_idx, tumor_table, hospital_table)
    return out[:, None]

# --- scband reference (transcript-rebuilt; emitter-appended) ---
"""Pipeline reference for scband-recommender-model-90606630076988 (READ-ONLY COPY).

The authoritative reference and input builder live on the scoring server;
editing this copy changes nothing except your own understanding.
"""

import jax, jax.numpy as jnp
import numpy as np

NUM_TUMOR_TYPES = 100000
NUM_HOSPITALS = 100000
EMBEDDING_DIM = 32
BATCH = 16384


def setup_inputs(seed: int = 0) -> dict:
    key = jax.random.key(seed)
    k1, k2, k3 = jax.random.split(key, 3)
    inputs = jax.random.randint(k1, (BATCH, 2), 0, NUM_TUMOR_TYPES, dtype=jnp.int64 if jax.config.jax_enable_x64 else jnp.int32).astype(jnp.int32)
    tumor_table = jax.random.normal(k2, (NUM_TUMOR_TYPES, EMBEDDING_DIM), dtype=jnp.float32) * 0.05
    hospital_table = jax.random.normal(k3, (NUM_HOSPITALS, EMBEDDING_DIM), dtype=jnp.float32) * 0.05
    return {"inputs": inputs, "tumor_table": tumor_table, "hospital_table": hospital_table}


def reference(inputs, tumor_table, hospital_table):
    # tumor_vec = tumor_embedding(inputs[:, 0])
    tumor_vec = jnp.take(tumor_table, inputs[:, 0], axis=0)
    # hospital_vec = hospital_embedding(inputs[:, 1])
    hospital_vec = jnp.take(hospital_table, inputs[:, 1], axis=0)
    # Dot(axes=1)([tumor_vec, hospital_vec]) -> [B, 1]
    out = jnp.sum(tumor_vec * hospital_vec, axis=1, keepdims=True)
    return out

if __name__ == "__main__":
    import jax
    _d = setup_inputs()
    print(jax.jit(kernel)(*tuple(_d.values())))

</pallas_src>

<mosaic_0001>
#map = affine_map<(d0, d1) -> (0, 0, 0)>
#map1 = affine_map<(d0, d1) -> (0, 0)>
#map2 = affine_map<(d0, d1) -> (0)>
module attributes {stable_mosaic.version = 14 : i64} {
  func.func @_sc_dot_kernel(%arg0: i32, %arg1: i32, %arg2: memref<32x4x128xi32, #tpu.memory_space<hbm>>, %arg3: memref<32x4x128xi32, #tpu.memory_space<hbm>>, %arg4: memref<100000x32xf32, #tpu.memory_space<hbm>>, %arg5: memref<100000x32xf32, #tpu.memory_space<hbm>>, %arg6: memref<16384xf32, #tpu.memory_space<hbm>>, %arg7: memref<4x128xi32, #tpu.memory_space<vmem>>, %arg8: memref<4x128xi32, #tpu.memory_space<vmem>>, %arg9: memref<512x32xf32, #tpu.memory_space<vmem>>, %arg10: memref<512x32xf32, #tpu.memory_space<vmem>>, %arg11: memref<512xf32, #tpu.memory_space<vmem>>, %arg12: memref<!tpu.dma_semaphore, #tpu.memory_space<semaphore_mem>>, %arg13: memref<!tpu.dma_semaphore, #tpu.memory_space<semaphore_mem>>) attributes {dimension_semantics = [#tpu.dimension_semantics<core_parallel>, #tpu.dimension_semantics<subcore_parallel>], iteration_bounds = array<i64: 2, 16>, scalar_prefetch = 0 : i64, scratch_operands = 7 : i64, tpu.core_type = #tpu.core_type<sc_vector_subcore>, window_params = [{transform_indices = #map}, {transform_indices = #map}, {transform_indices = #map1}, {transform_indices = #map1}, {transform_indices = #map2}]} {
    %mul3A = arith.constant 2 : i32
    %mul3A_0 = arith.muli %arg1, %mul3A : i32
    %add3A = arith.addi %mul3A_0, %arg0 : i32
    %mul3A_1 = arith.constant 512 : i32
    %mul3A_2 = arith.muli %add3A, %mul3A_1 : i32
    "tpu.region"() ({
      %run_scoped3A = tpu.sem_alloc : memref<!tpu.dma_semaphore, #tpu.memory_space<semaphore_mem>>
      %dma_start3A_184 = arith.constant 0 : i32
      %dma_start3A_185 = arith.constant 0 : i32
      %dma_start3A_186 = tpu.memref_slice %arg2[%add3A, %dma_start3A_184, %dma_start3A_185] : memref<32x4x128xi32, #tpu.memory_space<hbm>> -> memref<1x4x128xi32, #tpu.memory_space<hbm>>
      %dma_start3A_187 = tpu.memref_squeeze %dma_start3A_186 : memref<1x4x128xi32, #tpu.memory_space<hbm>> -> memref<4x128xi32, #tpu.memory_space<hbm>>
      %dma_start3A_188 = arith.constant 0 : i32
      %dma_start3A_189 = arith.constant 0 : i32
      %dma_start3A_190 = tpu.memref_slice %arg2[%add3A, %dma_start3A_188, %dma_start3A_189] : memref<32x4x128xi32, #tpu.memory_space<hbm>> -> memref<1x4x128xi32, #tpu.memory_space<hbm>>
      %dma_start3A_191 = tpu.memref_squeeze %dma_start3A_190 : memref<1x4x128xi32, #tpu.memory_space<hbm>> -> memref<4x128xi32, #tpu.memory_space<hbm>>
      tpu.enqueue_dma source(%dma_start3A_191 : memref<4x128xi32, #tpu.memory_space<hbm>>) target(%arg7 : memref<4x128xi32, #tpu.memory_space<vmem>>) target_semaphore(%run_scoped3A : memref<!tpu.dma_semaphore, #tpu.memory_space<semaphore_mem>>)
      %dma_wait3A_192 = arith.constant 0 : i32
      %dma_wait3A_193 = arith.constant 0 : i32
      %dma_wait3A_194 = tpu.memref_slice %arg2[%add3A, %dma_wait3A_192, %dma_wait3A_193] : memref<32x4x128xi32, #tpu.memory_space<hbm>> -> memref<1x4x128xi32, #tpu.memory_space<hbm>>
      %dma_wait3A_195 = tpu.memref_squeeze %dma_wait3A_194 : memref<1x4x128xi32, #tpu.memory_space<hbm>> -> memref<4x128xi32, #tpu.memory_space<hbm>>
      %dma_wait3A_196 = arith.constant 0 : i32
      %dma_wait3A_197 = arith.constant 0 : i32
      %dma_wait3A_198 = tpu.memref_slice %arg2[%add3A, %dma_wait3A_196, %dma_wait3A_197] : memref<32x4x128xi32, #tpu.memory_space<hbm>> -> memref<1x4x128xi32, #tpu.memory_space<hbm>>
      %dma_wait3A_199 = tpu.memref_squeeze %dma_wait3A_198 : memref<1x4x128xi32, #tpu.memory_space<hbm>> -> memref<4x128xi32, #tpu.memory_space<hbm>>
      tpu.wait_dma2 semaphore(%run_scoped3A : memref<!tpu.dma_semaphore, #tpu.memory_space<semaphore_mem>>) src(%dma_wait3A_199 : memref<4x128xi32, #tpu.memory_space<hbm>>) dst(%arg7 : memref<4x128xi32, #tpu.memory_space<vmem>>)
      tpu.yield
    }) : () -> ()
    "tpu.region"() ({
      %run_scoped3A = tpu.sem_alloc : memref<!tpu.dma_semaphore, #tpu.memory_space<semaphore_mem>>
      %dma_start3A_184 = arith.constant 0 : i32
      %dma_start3A_185 = arith.constant 0 : i32
      %dma_start3A_186 = tpu.memref_slice %arg3[%add3A, %dma_start3A_184, %dma_start3A_185] : memref<32x4x128xi32, #tpu.memory_space<hbm>> -> memref<1x4x128xi32, #tpu.memory_space<hbm>>
      %dma_start3A_187 = tpu.memref_squeeze %dma_start3A_186 : memref<1x4x128xi32, #tpu.memory_space<hbm>> -> memref<4x128xi32, #tpu.memory_space<hbm>>
      %dma_start3A_188 = arith.constant 0 : i32
      %dma_start3A_189 = arith.constant 0 : i32
      %dma_start3A_190 = tpu.memref_slice %arg3[%add3A, %dma_start3A_188, %dma_start3A_189] : memref<32x4x128xi32, #tpu.memory_space<hbm>> -> memref<1x4x128xi32, #tpu.memory_space<hbm>>
      %dma_start3A_191 = tpu.memref_squeeze %dma_start3A_190 : memref<1x4x128xi32, #tpu.memory_space<hbm>> -> memref<4x128xi32, #tpu.memory_space<hbm>>
      tpu.enqueue_dma source(%dma_start3A_191 : memref<4x128xi32, #tpu.memory_space<hbm>>) target(%arg8 : memref<4x128xi32, #tpu.memory_space<vmem>>) target_semaphore(%run_scoped3A : memref<!tpu.dma_semaphore, #tpu.memory_space<semaphore_mem>>)
      %dma_wait3A_192 = arith.constant 0 : i32
      %dma_wait3A_193 = arith.constant 0 : i32
      %dma_wait3A_194 = tpu.memref_slice %arg3[%add3A, %dma_wait3A_192, %dma_wait3A_193] : memref<32x4x128xi32, #tpu.memory_space<hbm>> -> memref<1x4x128xi32, #tpu.memory_space<hbm>>
      %dma_wait3A_195 = tpu.memref_squeeze %dma_wait3A_194 : memref<1x4x128xi32, #tpu.memory_space<hbm>> -> memref<4x128xi32, #tpu.memory_space<hbm>>
      %dma_wait3A_196 = arith.constant 0 : i32
      %dma_wait3A_197 = arith.constant 0 : i32
      %dma_wait3A_198 = tpu.memref_slice %arg3[%add3A, %dma_wait3A_196, %dma_wait3A_197] : memref<32x4x128xi32, #tpu.memory_space<hbm>> -> memref<1x4x128xi32, #tpu.memory_space<hbm>>
      %dma_wait3A_199 = tpu.memref_squeeze %dma_wait3A_198 : memref<1x4x128xi32, #tpu.memory_space<hbm>> -> memref<4x128xi32, #tpu.memory_space<hbm>>
      tpu.wait_dma2 semaphore(%run_scoped3A : memref<!tpu.dma_semaphore, #tpu.memory_space<semaphore_mem>>) src(%dma_wait3A_199 : memref<4x128xi32, #tpu.memory_space<hbm>>) dst(%arg8 : memref<4x128xi32, #tpu.memory_space<vmem>>)
      tpu.yield
    }) : () -> ()
    %dma_start3A = arith.constant 0 : i32
    %dma_start3A_3 = arith.constant 0 : i32
    %dma_start3A_4 = arith.constant 0 : i32
    %dma_start3A_5 = tpu.memref_slice %arg9[%dma_start3A_3, %dma_start3A_4] : memref<512x32xf32, #tpu.memory_space<vmem>> -> memref<128x32xf32, #tpu.memory_space<vmem>>
    %dma_start3A_6 = arith.constant 0 : i32
    %dma_start3A_7 = tpu.memref_slice %arg7[%dma_start3A, %dma_start3A_6] : memref<4x128xi32, #tpu.memory_space<vmem>> -> memref<1x128xi32, #tpu.memory_space<vmem>>
    %dma_start3A_8 = tpu.memref_squeeze %dma_start3A_7 : memref<1x128xi32, #tpu.memory_space<vmem>> -> memref<128xi32, #tpu.memory_space<vmem>>
    %dma_start3A_9 = arith.constant 0 : i32
    %dma_start3A_10 = arith.constant 0 : i32
    %dma_start3A_11 = tpu.memref_slice %arg4[%dma_start3A_9, %dma_start3A_10] : memref<100000x32xf32, #tpu.memory_space<hbm>> -> memref<100000x32xf32, #tpu.memory_space<hbm>>
    tpu.enqueue_indirect_dma source(%dma_start3A_11 : memref<100000x32xf32, #tpu.memory_space<hbm>>) target(%dma_start3A_5 : memref<128x32xf32, #tpu.memory_space<vmem>>) offsets(%dma_start3A_8 : memref<128xi32, #tpu.memory_space<vmem>>) semaphore(%arg12 : memref<!tpu.dma_semaphore, #tpu.memory_space<semaphore_mem>>)
    %dma_start3A_12 = arith.constant 0 : i32
    %dma_start3A_13 = arith.constant 0 : i32
    %dma_start3A_14 = arith.constant 0 : i32
    %dma_start3A_15 = tpu.memref_slice %arg10[%dma_start3A_13, %dma_start3A_14] : memref<512x32xf32, #tpu.memory_space<vmem>> -> memref<128x32xf32, #tpu.memory_space<vmem>>
    %dma_start3A_16 = arith.constant 0 : i32
    %dma_start3A_17 = tpu.memref_slice %arg8[%dma_start3A_12, %dma_start3A_16] : memref<4x128xi32, #tpu.memory_space<vmem>> -> memref<1x128xi32, #tpu.memory_space<vmem>>
    %dma_start3A_18 = tpu.memref_squeeze %dma_start3A_17 : memref<1x128xi32, #tpu.memory_space<vmem>> -> memref<128xi32, #tpu.memory_space<vmem>>
    %dma_start3A_19 = arith.constant 0 : i32
    %dma_start3A_20 = arith.constant 0 : i32
    %dma_start3A_21 = tpu.memref_slice %arg5[%dma_start3A_19, %dma_start3A_20] : memref<100000x32xf32, #tpu.memory_space<hbm>> -> memref<100000x32xf32, #tpu.memory_space<hbm>>
    tpu.enqueue_indirect_dma source(%dma_start3A_21 : memref<100000x32xf32, #tpu.memory_space<hbm>>) target(%dma_start3A_15 : memref<128x32xf32, #tpu.memory_space<vmem>>) offsets(%dma_start3A_18 : memref<128xi32, #tpu.memory_space<vmem>>) semaphore(%arg13 : memref<!tpu.dma_semaphore, #tpu.memory_space<semaphore_mem>>)
    %dma_start3A_22 = arith.constant 1 : i32
    %dma_start3A_23 = arith.constant 128 : i32
    %dma_start3A_24 = arith.constant 0 : i32
    %dma_start3A_25 = tpu.memref_slice %arg9[%dma_start3A_23, %dma_start3A_24] : memref<512x32xf32, #tpu.memory_space<vmem>> -> memref<128x32xf32, #tpu.memory_space<vmem>>
    %dma_start3A_26 = arith.constant 0 : i32
    %dma_start3A_27 = tpu.memref_slice %arg7[%dma_start3A_22, %dma_start3A_26] : memref<4x128xi32, #tpu.memory_space<vmem>> -> memref<1x128xi32, #tpu.memory_space<vmem>>
    %dma_start3A_28 = tpu.memref_squeeze %dma_start3A_27 : memref<1x128xi32, #tpu.memory_space<vmem>> -> memref<128xi32, #tpu.memory_space<vmem>>
    %dma_start3A_29 = arith.constant 0 : i32
    %dma_start3A_30 = arith.constant 0 : i32
    %dma_start3A_31 = tpu.memref_slice %arg4[%dma_start3A_29, %dma_start3A_30] : memref<100000x32xf32, #tpu.memory_space<hbm>> -> memref<100000x32xf32, #tpu.memory_space<hbm>>
    tpu.enqueue_indirect_dma source(%dma_start3A_31 : memref<100000x32xf32, #tpu.memory_space<hbm>>) target(%dma_start3A_25 : memref<128x32xf32, #tpu.memory_space<vmem>>) offsets(%dma_start3A_28 : memref<128xi32, #tpu.memory_space<vmem>>) semaphore(%arg12 : memref<!tpu.dma_semaphore, #tpu.memory_space<semaphore_mem>>)
    %dma_start3A_32 = arith.constant 1 : i32
    %dma_start3A_33 = arith.constant 128 : i32
    %dma_start3A_34 = arith.constant 0 : i32
    %dma_start3A_35 = tpu.memref_slice %arg10[%dma_start3A_33, %dma_start3A_34] : memref<512x32xf32, #tpu.memory_space<vmem>> -> memref<128x32xf32, #tpu.memory_space<vmem>>
    %dma_start3A_36 = arith.constant 0 : i32
    %dma_start3A_37 = tpu.memref_slice %arg8[%dma_start3A_32, %dma_start3A_36] : memref<4x128xi32, #tpu.memory_space<vmem>> -> memref<1x128xi32, #tpu.memory_space<vmem>>
    %dma_start3A_38 = tpu.memref_squeeze %dma_start3A_37 : memref<1x128xi32, #tpu.memory_space<vmem>> -> memref<128xi32, #tpu.memory_space<vmem>>
    %dma_start3A_39 = arith.constant 0 : i32
    %dma_start3A_40 = arith.constant 0 : i32
    %dma_start3A_41 = tpu.memref_slice %arg5[%dma_start3A_39, %dma_start3A_40] : memref<100000x32xf32, #tpu.memory_space<hbm>> -> memref<100000x32xf32, #tpu.memory_space<hbm>>
    tpu.enqueue_indirect_dma source(%dma_start3A_41 : memref<100000x32xf32, #tpu.memory_space<hbm>>) target(%dma_start3A_35 : memref<128x32xf32, #tpu.memory_space<vmem>>) offsets(%dma_start3A_38 : memref<128xi32, #tpu.memory_space<vmem>>) semaphore(%arg13 : memref<!tpu.dma_semaphore, #tpu.memory_space<semaphore_mem>>)
    %dma_start3A_42 = arith.constant 2 : i32
    %dma_start3A_43 = arith.constant 256 : i32
    %dma_start3A_44 = arith.constant 0 : i32
    %dma_start3A_45 = tpu.memref_slice %arg9[%dma_start3A_43, %dma_start3A_44] : memref<512x32xf32, #tpu.memory_space<vmem>> -> memref<128x32xf32, #tpu.memory_space<vmem>>
    %dma_start3A_46 = arith.constant 0 : i32
    %dma_start3A_47 = tpu.memref_slice %arg7[%dma_start3A_42, %dma_start3A_46] : memref<4x128xi32, #tpu.memory_space<vmem>> -> memref<1x128xi32, #tpu.memory_space<vmem>>
    %dma_start3A_48 = tpu.memref_squeeze %dma_start3A_47 : memref<1x128xi32, #tpu.memory_space<vmem>> -> memref<128xi32, #tpu.memory_space<vmem>>
    %dma_start3A_49 = arith.constant 0 : i32
    %dma_start3A_50 = arith.constant 0 : i32
    %dma_start3A_51 = tpu.memref_slice %arg4[%dma_start3A_49, %dma_start3A_50] : memref<100000x32xf32, #tpu.memory_space<hbm>> -> memref<100000x32xf32, #tpu.memory_space<hbm>>
    tpu.enqueue_indirect_dma source(%dma_start3A_51 : memref<100000x32xf32, #tpu.memory_space<hbm>>) target(%dma_start3A_45 : memref<128x32xf32, #tpu.memory_space<vmem>>) offsets(%dma_start3A_48 : memref<128xi32, #tpu.memory_space<vmem>>) semaphore(%arg12 : memref<!tpu.dma_semaphore, #tpu.memory_space<semaphore_mem>>)
    %dma_start3A_52 = arith.constant 2 : i32
    %dma_start3A_53 = arith.constant 256 : i32
    %dma_start3A_54 = arith.constant 0 : i32
    %dma_start3A_55 = tpu.memref_slice %arg10[%dma_start3A_53, %dma_start3A_54] : memref<512x32xf32, #tpu.memory_space<vmem>> -> memref<128x32xf32, #tpu.memory_space<vmem>>
    %dma_start3A_56 = arith.constant 0 : i32
    %dma_start3A_57 = tpu.memref_slice %arg8[%dma_start3A_52, %dma_start3A_56] : memref<4x128xi32, #tpu.memory_space<vmem>> -> memref<1x128xi32, #tpu.memory_space<vmem>>
    %dma_start3A_58 = tpu.memref_squeeze %dma_start3A_57 : memref<1x128xi32, #tpu.memory_space<vmem>> -> memref<128xi32, #tpu.memory_space<vmem>>
    %dma_start3A_59 = arith.constant 0 : i32
    %dma_start3A_60 = arith.constant 0 : i32
    %dma_start3A_61 = tpu.memref_slice %arg5[%dma_start3A_59, %dma_start3A_60] : memref<100000x32xf32, #tpu.memory_space<hbm>> -> memref<100000x32xf32, #tpu.memory_space<hbm>>
    tpu.enqueue_indirect_dma source(%dma_start3A_61 : memref<100000x32xf32, #tpu.memory_space<hbm>>) target(%dma_start3A_55 : memref<128x32xf32, #tpu.memory_space<vmem>>) offsets(%dma_start3A_58 : memref<128xi32, #tpu.memory_space<vmem>>) semaphore(%arg13 : memref<!tpu.dma_semaphore, #tpu.memory_space<semaphore_mem>>)
    %dma_start3A_62 = arith.constant 3 : i32
    %dma_start3A_63 = arith.constant 384 : i32
    %dma_start3A_64 = arith.constant 0 : i32
    %dma_start3A_65 = tpu.memref_slice %arg9[%dma_start3A_63, %dma_start3A_64] : memref<512x32xf32, #tpu.memory_space<vmem>> -> memref<128x32xf32, #tpu.memory_space<vmem>>
    %dma_start3A_66 = arith.constant 0 : i32
    %dma_start3A_67 = tpu.memref_slice %arg7[%dma_start3A_62, %dma_start3A_66] : memref<4x128xi32, #tpu.memory_space<vmem>> -> memref<1x128xi32, #tpu.memory_space<vmem>>
    %dma_start3A_68 = tpu.memref_squeeze %dma_start3A_67 : memref<1x128xi32, #tpu.memory_space<vmem>> -> memref<128xi32, #tpu.memory_space<vmem>>
    %dma_start3A_69 = arith.constant 0 : i32
    %dma_start3A_70 = arith.constant 0 : i32
    %dma_start3A_71 = tpu.memref_slice %arg4[%dma_start3A_69, %dma_start3A_70] : memref<100000x32xf32, #tpu.memory_space<hbm>> -> memref<100000x32xf32, #tpu.memory_space<hbm>>
    tpu.enqueue_indirect_dma source(%dma_start3A_71 : memref<100000x32xf32, #tpu.memory_space<hbm>>) target(%dma_start3A_65 : memref<128x32xf32, #tpu.memory_space<vmem>>) offsets(%dma_start3A_68 : memref<128xi32, #tpu.memory_space<vmem>>) semaphore(%arg12 : memref<!tpu.dma_semaphore, #tpu.memory_space<semaphore_mem>>)
    %dma_start3A_72 = arith.constant 3 : i32
    %dma_start3A_73 = arith.constant 384 : i32
    %dma_start3A_74 = arith.constant 0 : i32
    %dma_start3A_75 = tpu.memref_slice %arg10[%dma_start3A_73, %dma_start3A_74] : memref<512x32xf32, #tpu.memory_space<vmem>> -> memref<128x32xf32, #tpu.memory_space<vmem>>
    %dma_start3A_76 = arith.constant 0 : i32
    %dma_start3A_77 = tpu.memref_slice %arg8[%dma_start3A_72, %dma_start3A_76] : memref<4x128xi32, #tpu.memory_space<vmem>> -> memref<1x128xi32, #tpu.memory_space<vmem>>
    %dma_start3A_78 = tpu.memref_squeeze %dma_start3A_77 : memref<1x128xi32, #tpu.memory_space<vmem>> -> memref<128xi32, #tpu.memory_space<vmem>>
    %dma_start3A_79 = arith.constant 0 : i32
    %dma_start3A_80 = arith.constant 0 : i32
    %dma_start3A_81 = tpu.memref_slice %arg5[%dma_start3A_79, %dma_start3A_80] : memref<100000x32xf32, #tpu.memory_space<hbm>> -> memref<100000x32xf32, #tpu.memory_space<hbm>>
    tpu.enqueue_indirect_dma source(%dma_start3A_81 : memref<100000x32xf32, #tpu.memory_space<hbm>>) target(%dma_start3A_75 : memref<128x32xf32, #tpu.memory_space<vmem>>) offsets(%dma_start3A_78 : memref<128xi32, #tpu.memory_space<vmem>>) semaphore(%arg13 : memref<!tpu.dma_semaphore, #tpu.memory_space<semaphore_mem>>)
    %iota3A = tpu.iota {dimensions = array<i32: 0>} : vector<16xi32>
    %dma_wait3A = arith.constant 0 : i32
    %dma_wait3A_82 = arith.constant 0 : i32
    %dma_wait3A_83 = arith.constant 0 : i32
    %dma_wait3A_84 = tpu.memref_slice %arg9[%dma_wait3A_82, %dma_wait3A_83] : memref<512x32xf32, #tpu.memory_space<vmem>> -> memref<128x32xf32, #tpu.memory_space<vmem>>
    %dma_wait3A_85 = arith.constant 0 : i32
    %dma_wait3A_86 = tpu.memref_slice %arg7[%dma_wait3A, %dma_wait3A_85] : memref<4x128xi32, #tpu.memory_space<vmem>> -> memref<1x128xi32, #tpu.memory_space<vmem>>
    %dma_wait3A_87 = tpu.memref_squeeze %dma_wait3A_86 : memref<1x128xi32, #tpu.memory_space<vmem>> -> memref<128xi32, #tpu.memory_space<vmem>>
    %dma_wait3A_88 = arith.constant 0 : i32
    %dma_wait3A_89 = arith.constant 0 : i32
    %dma_wait3A_90 = tpu.memref_slice %arg4[%dma_wait3A_88, %dma_wait3A_89] : memref<100000x32xf32, #tpu.memory_space<hbm>> -> memref<100000x32xf32, #tpu.memory_space<hbm>>
    tpu.wait_indirect_dma semaphore(%arg12 : memref<!tpu.dma_semaphore, #tpu.memory_space<semaphore_mem>>) src(%dma_wait3A_90 : memref<100000x32xf32, #tpu.memory_space<hbm>>) dst(%dma_wait3A_84 : memref<128x32xf32, #tpu.memory_space<vmem>>)
    %dma_wait3A_91 = arith.constant 0 : i32
    %dma_wait3A_92 = arith.constant 0 : i32
    %dma_wait3A_93 = arith.constant 0 : i32
    %dma_wait3A_94 = tpu.memref_slice %arg10[%dma_wait3A_92, %dma_wait3A_93] : memref<512x32xf32, #tpu.memory_space<vmem>> -> memref<128x32xf32, #tpu.memory_space<vmem>>
    %dma_wait3A_95 = arith.constant 0 : i32
    %dma_wait3A_96 = tpu.memref_slice %arg8[%dma_wait3A_91, %dma_wait3A_95] : memref<4x128xi32, #tpu.memory_space<vmem>> -> memref<1x128xi32, #tpu.memory_space<vmem>>
    %dma_wait3A_97 = tpu.memref_squeeze %dma_wait3A_96 : memref<1x128xi32, #tpu.memory_space<vmem>> -> memref<128xi32, #tpu.memory_space<vmem>>
    %dma_wait3A_98 = arith.constant 0 : i32
    %dma_wait3A_99 = arith.constant 0 : i32
    %dma_wait3A_100 = tpu.memref_slice %arg5[%dma_wait3A_98, %dma_wait3A_99] : memref<100000x32xf32, #tpu.memory_space<hbm>> -> memref<100000x32xf32, #tpu.memory_space<hbm>>
    tpu.wait_indirect_dma semaphore(%arg13 : memref<!tpu.dma_semaphore, #tpu.memory_space<semaphore_mem>>) src(%dma_wait3A_100 : memref<100000x32xf32, #tpu.memory_space<hbm>>) dst(%dma_wait3A_94 : memref<128x32xf32, #tpu.memory_space<vmem>>)
    %scan3A = arith.constant 0 : i32
    %scan3A_101 = arith.constant 0 : i32
    %scan3A_102 = arith.constant 8 : i32
    %scan3A_103 = arith.addi %scan3A_101, %scan3A_102 : i32
    %scan3A_104 = arith.constant 1 : i32
    scf.for %scan3A_184 = %scan3A_101 to %scan3A_103 step %scan3A_104  : i32 {
      %mul3A_185 = arith.constant 16 : i32
      %mul3A_186 = arith.muli %scan3A_184, %mul3A_185 : i32
      %add3A_187 = vector.broadcast %mul3A_186 : i32 to vector<16xi32>
      %add3A_188 = arith.addi %add3A_187, %iota3A : vector<16xi32>
      %broadcast_in_dim3A = arith.constant 0.000000e+00 : f32
      %broadcast_in_dim3A_189 = vector.broadcast %broadcast_in_dim3A : f32 to vector<16xf32>
      %broadcast_in_dim3A_190 = arith.constant 0 : i32
      %broadcast_in_dim3A_191 = vector.broadcast %broadcast_in_dim3A_190 : i32 to vector<16xi32>
      %gather3A = tpu.vector_load_idx %arg9[%add3A_188, %broadcast_in_dim3A_191] : memref<512x32xf32, #tpu.memory_space<vmem>>[vector<16xi32>, vector<16xi32>], vector<16xf32>,
      %gather3A_192 = tpu.vector_load_idx %arg10[%add3A_188, %broadcast_in_dim3A_191] : memref<512x32xf32, #tpu.memory_space<vmem>>[vector<16xi32>, vector<16xi32>], vector<16xf32>,
      %mul3A_193 = arith.mulf %gather3A, %gather3A_192 : vector<16xf32>
      %add3A_194 = arith.addf %broadcast_in_dim3A_189, %mul3A_193 : vector<16xf32>
      %broadcast_in_dim3A_195 = arith.constant 1 : i32
      %broadcast_in_dim3A_196 = vector.broadcast %broadcast_in_dim3A_195 : i32 to vector<16xi32>
      %gather3A_197 = tpu.vector_load_idx %arg9[%add3A_188, %broadcast_in_dim3A_196] : memref<512x32xf32, #tpu.memory_space<vmem>>[vector<16xi32>, vector<16xi32>], vector<16xf32>,
      %gather3A_198 = tpu.vector_load_idx %arg10[%add3A_188, %broadcast_in_dim3A_196] : memref<512x32xf32, #tpu.memory_space<vmem>>[vector<16xi32>, vector<16xi32>], vector<16xf32>,
      %mul3A_199 = arith.mulf %gather3A_197, %gather3A_198 : vector<16xf32>
      %add3A_200 = arith.addf %add3A_194, %mul3A_199 : vector<16xf32>
      %broadcast_in_dim3A_201 = arith.constant 2 : i32
      %broadcast_in_dim3A_202 = vector.broadcast %broadcast_in_dim3A_201 : i32 to vector<16xi32>
      %gather3A_203 = tpu.vector_load_idx %arg9[%add3A_188, %broadcast_in_dim3A_202] : memref<512x32xf32, #tpu.memory_space<vmem>>[vector<16xi32>, vector<16xi32>], vector<16xf32>,
      %gather3A_204 = tpu.vector_load_idx %arg10[%add3A_188, %broadcast_in_dim3A_202] : memref<512x32xf32, #tpu.memory_space<vmem>>[vector<16xi32>, vector<16xi32>], vector<16xf32>,
      %mul3A_205 = arith.mulf %gather3A_203, %gather3A_204 : vector<16xf32>
      %add3A_206 = arith.addf %add3A_200, %mul3A_205 : vector<16xf32>
      %broadcast_in_dim3A_207 = arith.constant 3 : i32
      %broadcast_in_dim3A_208 = vector.broadcast %broadcast_in_dim3A_207 : i32 to vector<16xi32>
      %gather3A_209 = tpu.vector_load_idx %arg9[%add3A_188, %broadcast_in_dim3A_208] : memref<512x32xf32, #tpu.memory_space<vmem>>[vector<16xi32>, vector<16xi32>], vector<16xf32>,
      %gather3A_210 = tpu.vector_load_idx %arg10[%add3A_188, %broadcast_in_dim3A_208] : memref<512x32xf32, #tpu.memory_space<vmem>>[vector<16xi32>, vector<16xi32>], vector<16xf32>,
      %mul3A_211 = arith.mulf %gather3A_209, %gather3A_210 : vector<16xf32>
      %add3A_212 = arith.addf %add3A_206, %mul3A_211 : vector<16xf32>
      %broadcast_in_dim3A_213 = arith.constant 4 : i32
      %broadcast_in_dim3A_214 = vector.broadcast %broadcast_in_dim3A_213 : i32 to vector<16xi32>
      %gather3A_215 = tpu.vector_load_idx %arg9[%add3A_188, %broadcast_in_dim3A_214] : memref<512x32xf32, #tpu.memory_space<vmem>>[vector<16xi32>, vector<16xi32>], vector<16xf32>,
      %gather3A_216 = tpu.vector_load_idx %arg10[%add3A_188, %broadcast_in_dim3A_214] : memref<512x32xf32, #tpu.memory_space<vmem>>[vector<16xi32>, vector<16xi32>], vector<16xf32>,
      %mul3A_217 = arith.mulf %gather3A_215, %gather3A_216 : vector<16xf32>
      %add3A_218 = arith.addf %add3A_212, %mul3A_217 : vector<16xf32>
      %broadcast_in_dim3A_219 = arith.constant 5 : i32
      %broadcast_in_dim3A_220 = vector.broadcast %broadcast_in_dim3A_219 : i32 to vector<16xi32>
      %gather3A_221 = tpu.vector_load_idx %arg9[%add3A_188, %broadcast_in_dim3A_220] : memref<512x32xf32, #tpu.memory_space<vmem>>[vector<16xi32>, vector<16xi32>], vector<16xf32>,
      %gather3A_222 = tpu.vector_load_idx %arg10[%add3A_188, %broadcast_in_dim3A_220] : memref<512x32xf32, #tpu.memory_space<vmem>>[vector<16xi32>, vector<16xi32>], vector<16xf32>,
      %mul3A_223 = arith.mulf %gather3A_221, %gather3A_222 : vector<16xf32>
      %add3A_224 = arith.addf %add3A_218, %mul3A_223 : vector<16xf32>
      %broadcast_in_dim3A_225 = arith.constant 6 : i32
      %broadcast_in_dim3A_226 = vector.broadcast %broadcast_in_dim3A_225 : i32 to vector<16xi32>
      %gather3A_227 = tpu.vector_load_idx %arg9[%add3A_188, %broadcast_in_dim3A_226] : memref<512x32xf32, #tpu.memory_space<vmem>>[vector<16xi32>, vector<16xi32>], vector<16xf32>,
      %gather3A_228 = tpu.vector_load_idx %arg10[%add3A_188, %broadcast_in_dim3A_226] : memref<512x32xf32, #tpu.memory_space<vmem>>[vector<16xi32>, vector<16xi32>], vector<16xf32>,
      %mul3A_229 = arith.mulf %gather3A_227, %gather3A_228 : vector<16xf32>
      %add3A_230 = arith.addf %add3A_224, %mul3A_229 : vector<16xf32>
      %broadcast_in_dim3A_231 = arith.constant 7 : i32
      %broadcast_in_dim3A_232 = vector.broadcast %broadcast_in_dim3A_231 : i32 to vector<16xi32>
      %gather3A_233 = tpu.vector_load_idx %arg9[%add3A_188, %broadcast_in_dim3A_232] : memref<512x32xf32, #tpu.memory_space<vmem>>[vector<16xi32>, vector<16xi32>], vector<16xf32>,
      %gather3A_234 = tpu.vector_load_idx %arg10[%add3A_188, %broadcast_in_dim3A_232] : memref<512x32xf32, #tpu.memory_space<vmem>>[vector<16xi32>, vector<16xi32>], vector<16xf32>,
      %mul3A_235 = arith.mulf %gather3A_233, %gather3A_234 : vector<16xf32>
      %add3A_236 = arith.addf %add3A_230, %mul3A_235 : vector<16xf32>
      %broadcast_in_dim3A_237 = arith.constant 8 : i32
      %broadcast_in_dim3A_238 = vector.broadcast %broadcast_in_dim3A_237 : i32 to vector<16xi32>
      %gather3A_239 = tpu.vector_load_idx %arg9[%add3A_188, %broadcast_in_dim3A_238] : memref<512x32xf32, #tpu.memory_space<vmem>>[vector<16xi32>, vector<16xi32>], vector<16xf32>,
      %gather3A_240 = tpu.vector_load_idx %arg10[%add3A_188, %broadcast_in_dim3A_238] : memref<512x32xf32, #tpu.memory_space<vmem>>[vector<16xi32>, vector<16xi32>], vector<16xf32>,
      %mul3A_241 = arith.mulf %gather3A_239, %gather3A_240 : vector<16xf32>
      %add3A_242 = arith.addf %add3A_236, %mul3A_241 : vector<16xf32>
      %broadcast_in_dim3A_243 = arith.constant 9 : i32
      %broadcast_in_dim3A_244 = vector.broadcast %broadcast_in_dim3A_243 : i32 to vector<16xi32>
      %gather3A_245 = tpu.vector_load_idx %arg9[%add3A_188, %broadcast_in_dim3A_244] : memref<512x32xf32, #tpu.memory_space<vmem>>[vector<16xi32>, vector<16xi32>], vector<16xf32>,
      %gather3A_246 = tpu.vector_load_idx %arg10[%add3A_188, %broadcast_in_dim3A_244] : memref<512x32xf32, #tpu.memory_space<vmem>>[vector<16xi32>, vector<16xi32>], vector<16xf32>,
      %mul3A_247 = arith.mulf %gather3A_245, %gather3A_246 : vector<16xf32>
      %add3A_248 = arith.addf %add3A_242, %mul3A_247 : vector<16xf32>
      %broadcast_in_dim3A_249 = arith.constant 10 : i32
      %broadcast_in_dim3A_250 = vector.broadcast %broadcast_in_dim3A_249 : i32 to vector<16xi32>
      %gather3A_251 = tpu.vector_load_idx %arg9[%add3A_188, %broadcast_in_dim3A_250] : memref<512x32xf32, #tpu.memory_space<vmem>>[vector<16xi32>, vector<16xi32>], vector<16xf32>,
      %gather3A_252 = tpu.vector_load_idx %arg10[%add3A_188, %broadcast_in_dim3A_250] : memref<512x32xf32, #tpu.memory_space<vmem>>[vector<16xi32>, vector<16xi32>], vector<16xf32>,
      %mul3A_253 = arith.mulf %gather3A_251, %gather3A_252 : vector<16xf32>
      %add3A_254 = arith.addf %add3A_248, %mul3A_253 : vector<16xf32>
      %broadcast_in_dim3A_255 = arith.constant 11 : i32
      %broadcast_in_dim3A_256 = vector.broadcast %broadcast_in_dim3A_255 : i32 to vector<16xi32>
      %gather3A_257 = tpu.vector_load_idx %arg9[%add3A_188, %broadcast_in_dim3A_256] : memref<512x32xf32, #tpu.memory_space<vmem>>[vector<16xi32>, vector<16xi32>], vector<16xf32>,
      %gather3A_258 = tpu.vector_load_idx %arg10[%add3A_188, %broadcast_in_dim3A_256] : memref<512x32xf32, #tpu.memory_space<vmem>>[vector<16xi32>, vector<16xi32>], vector<16xf32>,
      %mul3A_259 = arith.mulf %gather3A_257, %gather3A_258 : vector<16xf32>
      %add3A_260 = arith.addf %add3A_254, %mul3A_259 : vector<16xf32>
      %broadcast_in_dim3A_261 = arith.constant 12 : i32
      %broadcast_in_dim3A_262 = vector.broadcast %broadcast_in_dim3A_261 : i32 to vector<16xi32>
      %gather3A_263 = tpu.vector_load_idx %arg9[%add3A_188, %broadcast_in_dim3A_262] : memref<512x32xf32, #tpu.memory_space<vmem>>[vector<16xi32>, vector<16xi32>], vector<16xf32>,
      %gather3A_264 = tpu.vector_load_idx %arg10[%add3A_188, %broadcast_in_dim3A_262] : memref<512x32xf32, #tpu.memory_space<vmem>>[vector<16xi32>, vector<16xi32>], vector<16xf32>,
      %mul3A_265 = arith.mulf %gather3A_263, %gather3A_264 : vector<16xf32>
      %add3A_266 = arith.addf %add3A_260, %mul3A_265 : vector<16xf32>
      %broadcast_in_dim3A_267 = arith.constant 13 : i32
      %broadcast_in_dim3A_268 = vector.broadcast %broadcast_in_dim3A_267 : i32 to vector<16xi32>
      %gather3A_269 = tpu.vector_load_idx %arg9[%add3A_188, %broadcast_in_dim3A_268] : memref<512x32xf32, #tpu.memory_space<vmem>>[vector<16xi32>, vector<16xi32>], vector<16xf32>,
      %gather3A_270 = tpu.vector_load_idx %arg10[%add3A_188, %broadcast_in_dim3A_268] : memref<512x32xf32, #tpu.memory_space<vmem>>[vector<16xi32>, vector<16xi32>], vector<16xf32>,
      %mul3A_271 = arith.mulf %gather3A_269, %gather3A_270 : vector<16xf32>
      %add3A_272 = arith.addf %add3A_266, %mul3A_271 : vector<16xf32>
      %broadcast_in_dim3A_273 = arith.constant 14 : i32
      %broadcast_in_dim3A_274 = vector.broadcast %broadcast_in_dim3A_273 : i32 to vector<16xi32>
      %gather3A_275 = tpu.vector_load_idx %arg9[%add3A_188, %broadcast_in_dim3A_274] : memref<512x32xf32, #tpu.memory_space<vmem>>[vector<16xi32>, vector<16xi32>], vector<16xf32>,
      %gather3A_276 = tpu.vector_load_idx %arg10[%add3A_188, %broadcast_in_dim3A_274] : memref<512x32xf32, #tpu.memory_space<vmem>>[vector<16xi32>, vector<16xi32>], vector<16xf32>,
      %mul3A_277 = arith.mulf %gather3A_275, %gather3A_276 : vector<16xf32>
      %add3A_278 = arith.addf %add3A_272, %mul3A_277 : vector<16xf32>
      %broadcast_in_dim3A_279 = arith.constant 15 : i32
      %broadcast_in_dim3A_280 = vector.broadcast %broadcast_in_dim3A_279 : i32 to vector<16xi32>
      %gather3A_281 = tpu.vector_load_idx %arg9[%add3A_188, %broadcast_in_dim3A_280] : memref<512x32xf32, #tpu.memory_space<vmem>>[vector<16xi32>, vector<16xi32>], vector<16xf32>,
      %gather3A_282 = tpu.vector_load_idx %arg10[%add3A_188, %broadcast_in_dim3A_280] : memref<512x32xf32, #tpu.memory_space<vmem>>[vector<16xi32>, vector<16xi32>], vector<16xf32>,
      %mul3A_283 = arith.mulf %gather3A_281, %gather3A_282 : vector<16xf32>
      %add3A_284 = arith.addf %add3A_278, %mul3A_283 : vector<16xf32>
      %broadcast_in_dim3A_285 = arith.constant 16 : i32
      %broadcast_in_dim3A_286 = vector.broadcast %broadcast_in_dim3A_285 : i32 to vector<16xi32>
      %gather3A_287 = tpu.vector_load_idx %arg9[%add3A_188, %broadcast_in_dim3A_286] : memref<512x32xf32, #tpu.memory_space<vmem>>[vector<16xi32>, vector<16xi32>], vector<16xf32>,
      %gather3A_288 = tpu.vector_load_idx %arg10[%add3A_188, %broadcast_in_dim3A_286] : memref<512x32xf32, #tpu.memory_space<vmem>>[vector<16xi32>, vector<16xi32>], vector<16xf32>,
      %mul3A_289 = arith.mulf %gather3A_287, %gather3A_288 : vector<16xf32>
      %add3A_290 = arith.addf %add3A_284, %mul3A_289 : vector<16xf32>
      %broadcast_in_dim3A_291 = arith.constant 17 : i32
      %broadcast_in_dim3A_292 = vector.broadcast %broadcast_in_dim3A_291 : i32 to vector<16xi32>
      %gather3A_293 = tpu.vector_load_idx %arg9[%add3A_188, %broadcast_in_dim3A_292] : memref<512x32xf32, #tpu.memory_space<vmem>>[vector<16xi32>, vector<16xi32>], vector<16xf32>,
      %gather3A_294 = tpu.vector_load_idx %arg10[%add3A_188, %broadcast_in_dim3A_292] : memref<512x32xf32, #tpu.memory_space<vmem>>[vector<16xi32>, vector<16xi32>], vector<16xf32>,
      %mul3A_295 = arith.mulf %gather3A_293, %gather3A_294 : vector<16xf32>
      %add3A_296 = arith.addf %add3A_290, %mul3A_295 : vector<16xf32>
      %broadcast_in_dim3A_297 = arith.constant 18 : i32
      %broadcast_in_dim3A_298 = vector.broadcast %broadcast_in_dim3A_297 : i32 to vector<16xi32>
      %gather3A_299 = tpu.vector_load_idx %arg9[%add3A_188, %broadcast_in_dim3A_298] : memref<512x32xf32, #tpu.memory_space<vmem>>[vector<16xi32>, vector<16xi32>], vector<16xf32>,
      %gather3A_300 = tpu.vector_load_idx %arg10[%add3A_188, %broadcast_in_dim3A_298] : memref<512x32xf32, #tpu.memory_space<vmem>>[vector<16xi32>, vector<16xi32>], vector<16xf32>,
      %mul3A_301 = arith.mulf %gather3A_299, %gather3A_300 : vector<16xf32>
      %add3A_302 = arith.addf %add3A_296, %mul3A_301 : vector<16xf32>
      %broadcast_in_dim3A_303 = arith.constant 19 : i32
      %broadcast_in_dim3A_304 = vector.broadcast %broadcast_in_dim3A_303 : i32 to vector<16xi32>
      %gather3A_305 = tpu.vector_load_idx %arg9[%add3A_188, %broadcast_in_dim3A_304] : memref<512x32xf32, #tpu.memory_space<vmem>>[vector<16xi32>, vector<16xi32>], vector<16xf32>,
      %gather3A_306 = tpu.vector_load_idx %arg10[%add3A_188, %broadcast_in_dim3A_304] : memref<512x32xf32, #tpu.memory_space<vmem>>[vector<16xi32>, vector<16xi32>], vector<16xf32>,
      %mul3A_307 = arith.mulf %gather3A_305, %gather3A_306 : vector<16xf32>
      %add3A_308 = arith.addf %add3A_302, %mul3A_307 : vector<16xf32>
      %broadcast_in_dim3A_309 = arith.constant 20 : i32
      %broadcast_in_dim3A_310 = vector.broadcast %broadcast_in_dim3A_309 : i32 to vector<16xi32>
      %gather3A_311 = tpu.vector_load_idx %arg9[%add3A_188, %broadcast_in_dim3A_310] : memref<512x32xf32, #tpu.memory_space<vmem>>[vector<16xi32>, vector<16xi32>], vector<16xf32>,
      %gather3A_312 = tpu.vector_load_idx %arg10[%add3A_188, %broadcast_in_dim3A_310] : memref<512x32xf32, #tpu.memory_space<vmem>>[vector<16xi32>, vector<16xi32>], vector<16xf32>,
      %mul3A_313 = arith.mulf %gather3A_311, %gather3A_312 : vector<16xf32>
      %add3A_314 = arith.addf %add3A_308, %mul3A_313 : vector<16xf32>
      %broadcast_in_dim3A_315 = arith.constant 21 : i32
      %broadcast_in_dim3A_316 = vector.broadcast %broadcast_in_dim3A_315 : i32 to vector<16xi32>
      %gather3A_317 = tpu.vector_load_idx %arg9[%add3A_188, %broadcast_in_dim3A_316] : memref<512x32xf32, #tpu.memory_space<vmem>>[vector<16xi32>, vector<16xi32>], vector<16xf32>,
      %gather3A_318 = tpu.vector_load_idx %arg10[%add3A_188, %broadcast_in_dim3A_316] : memref<512x32xf32, #tpu.memory_space<vmem>>[vector<16xi32>, vector<16xi32>], vector<16xf32>,
      %mul3A_319 = arith.mulf %gather3A_317, %gather3A_318 : vector<16xf32>
      %add3A_320 = arith.addf %add3A_314, %mul3A_319 : vector<16xf32>
      %broadcast_in_dim3A_321 = arith.constant 22 : i32
      %broadcast_in_dim3A_322 = vector.broadcast %broadcast_in_dim3A_321 : i32 to vector<16xi32>
      %gather3A_323 = tpu.vector_load_idx %arg9[%add3A_188, %broadcast_in_dim3A_322] : memref<512x32xf32, #tpu.memory_space<vmem>>[vector<16xi32>, vector<16xi32>], vector<16xf32>,
      %gather3A_324 = tpu.vector_load_idx %arg10[%add3A_188, %broadcast_in_dim3A_322] : memref<512x32xf32, #tpu.memory_space<vmem>>[vector<16xi32>, vector<16xi32>], vector<16xf32>,
      %mul3A_325 = arith.mulf %gather3A_323, %gather3A_324 : vector<16xf32>
      %add3A_326 = arith.addf %add3A_320, %mul3A_325 : vector<16xf32>
      %broadcast_in_dim3A_327 = arith.constant 23 : i32
      %broadcast_in_dim3A_328 = vector.broadcast %broadcast_in_dim3A_327 : i32 to vector<16xi32>
      %gather3A_329 = tpu.vector_load_idx %arg9[%add3A_188, %broadcast_in_dim3A_328] : memref<512x32xf32, #tpu.memory_space<vmem>>[vector<16xi32>, vector<16xi32>], vector<16xf32>,
      %gather3A_330 = tpu.vector_load_idx %arg10[%add3A_188, %broadcast_in_dim3A_328] : memref<512x32xf32, #tpu.memory_space<vmem>>[vector<16xi32>, vector<16xi32>], vector<16xf32>,
      %mul3A_331 = arith.mulf %gather3A_329, %gather3A_330 : vector<16xf32>
      %add3A_332 = arith.addf %add3A_326, %mul3A_331 : vector<16xf32>
      %broadcast_in_dim3A_333 = arith.constant 24 : i32
      %broadcast_in_dim3A_334 = vector.broadcast %broadcast_in_dim3A_333 : i32 to vector<16xi32>
      %gather3A_335 = tpu.vector_load_idx %arg9[%add3A_188, %broadcast_in_dim3A_334] : memref<512x32xf32, #tpu.memory_space<vmem>>[vector<16xi32>, vector<16xi32>], vector<16xf32>,
      %gather3A_336 = tpu.vector_load_idx %arg10[%add3A_188, %broadcast_in_dim3A_334] : memref<512x32xf32, #tpu.memory_space<vmem>>[vector<16xi32>, vector<16xi32>], vector<16xf32>,
      %mul3A_337 = arith.mulf %gather3A_335, %gather3A_336 : vector<16xf32>
      %add3A_338 = arith.addf %add3A_332, %mul3A_337 : vector<16xf32>
      %broadcast_in_dim3A_339 = arith.constant 25 : i32
      %broadcast_in_dim3A_340 = vector.broadcast %broadcast_in_dim3A_339 : i32 to vector<16xi32>
      %gather3A_341 = tpu.vector_load_idx %arg9[%add3A_188, %broadcast_in_dim3A_340] : memref<512x32xf32, #tpu.memory_space<vmem>>[vector<16xi32>, vector<16xi32>], vector<16xf32>,
      %gather3A_342 = tpu.vector_load_idx %arg10[%add3A_188, %broadcast_in_dim3A_340] : memref<512x32xf32, #tpu.memory_space<vmem>>[vector<16xi32>, vector<16xi32>], vector<16xf32>,
      %mul3A_343 = arith.mulf %gather3A_341, %gather3A_342 : vector<16xf32>
      %add3A_344 = arith.addf %add3A_338, %mul3A_343 : vector<16xf32>
      %broadcast_in_dim3A_345 = arith.constant 26 : i32
      %broadcast_in_dim3A_346 = vector.broadcast %broadcast_in_dim3A_345 : i32 to vector<16xi32>
      %gather3A_347 = tpu.vector_load_idx %arg9[%add3A_188, %broadcast_in_dim3A_346] : memref<512x32xf32, #tpu.memory_space<vmem>>[vector<16xi32>, vector<16xi32>], vector<16xf32>,
      %gather3A_348 = tpu.vector_load_idx %arg10[%add3A_188, %broadcast_in_dim3A_346] : memref<512x32xf32, #tpu.memory_space<vmem>>[vector<16xi32>, vector<16xi32>], vector<16xf32>,
      %mul3A_349 = arith.mulf %gather3A_347, %gather3A_348 : vector<16xf32>
      %add3A_350 = arith.addf %add3A_344, %mul3A_349 : vector<16xf32>
      %broadcast_in_dim3A_351 = arith.constant 27 : i32
      %broadcast_in_dim3A_352 = vector.broadcast %broadcast_in_dim3A_351 : i32 to vector<16xi32>
      %gather3A_353 = tpu.vector_load_idx %arg9[%add3A_188, %broadcast_in_dim3A_352] : memref<512x32xf32, #tpu.memory_space<vmem>>[vector<16xi32>, vector<16xi32>], vector<16xf32>,
      %gather3A_354 = tpu.vector_load_idx %arg10[%add3A_188, %broadcast_in_dim3A_352] : memref<512x32xf32, #tpu.memory_space<vmem>>[vector<16xi32>, vector<16xi32>], vector<16xf32>,
      %mul3A_355 = arith.mulf %gather3A_353, %gather3A_354 : vector<16xf32>
      %add3A_356 = arith.addf %add3A_350, %mul3A_355 : vector<16xf32>
      %broadcast_in_dim3A_357 = arith.constant 28 : i32
      %broadcast_in_dim3A_358 = vector.broadcast %broadcast_in_dim3A_357 : i32 to vector<16xi32>
      %gather3A_359 = tpu.vector_load_idx %arg9[%add3A_188, %broadcast_in_dim3A_358] : memref<512x32xf32, #tpu.memory_space<vmem>>[vector<16xi32>, vector<16xi32>], vector<16xf32>,
      %gather3A_360 = tpu.vector_load_idx %arg10[%add3A_188, %broadcast_in_dim3A_358] : memref<512x32xf32, #tpu.memory_space<vmem>>[vector<16xi32>, vector<16xi32>], vector<16xf32>,
      %mul3A_361 = arith.mulf %gather3A_359, %gather3A_360 : vector<16xf32>
      %add3A_362 = arith.addf %add3A_356, %mul3A_361 : vector<16xf32>
      %broadcast_in_dim3A_363 = arith.constant 29 : i32
      %broadcast_in_dim3A_364 = vector.broadcast %broadcast_in_dim3A_363 : i32 to vector<16xi32>
      %gather3A_365 = tpu.vector_load_idx %arg9[%add3A_188, %broadcast_in_dim3A_364] : memref<512x32xf32, #tpu.memory_space<vmem>>[vector<16xi32>, vector<16xi32>], vector<16xf32>,
      %gather3A_366 = tpu.vector_load_idx %arg10[%add3A_188, %broadcast_in_dim3A_364] : memref<512x32xf32, #tpu.memory_space<vmem>>[vector<16xi32>, vector<16xi32>], vector<16xf32>,
      %mul3A_367 = arith.mulf %gather3A_365, %gather3A_366 : vector<16xf32>
      %add3A_368 = arith.addf %add3A_362, %mul3A_367 : vector<16xf32>
      %broadcast_in_dim3A_369 = arith.constant 30 : i32
      %broadcast_in_dim3A_370 = vector.broadcast %broadcast_in_dim3A_369 : i32 to vector<16xi32>
      %gather3A_371 = tpu.vector_load_idx %arg9[%add3A_188, %broadcast_in_dim3A_370] : memref<512x32xf32, #tpu.memory_space<vmem>>[vector<16xi32>, vector<16xi32>], vector<16xf32>,
      %gather3A_372 = tpu.vector_load_idx %arg10[%add3A_188, %broadcast_in_dim3A_370] : memref<512x32xf32, #tpu.memory_space<vmem>>[vector<16xi32>, vector<16xi32>], vector<16xf32>,
      %mul3A_373 = arith.mulf %gather3A_371, %gather3A_372 : vector<16xf32>
      %add3A_374 = arith.addf %add3A_368, %mul3A_373 : vector<16xf32>
      %broadcast_in_dim3A_375 = arith.constant 31 : i32
      %broadcast_in_dim3A_376 = vector.broadcast %broadcast_in_dim3A_375 : i32 to vector<16xi32>
      %gather3A_377 = tpu.vector_load_idx %arg9[%add3A_188, %broadcast_in_dim3A_376] : memref<512x32xf32, #tpu.memory_space<vmem>>[vector<16xi32>, vector<16xi32>], vector<16xf32>,
      %gather3A_378 = tpu.vector_load_idx %arg10[%add3A_188, %broadcast_in_dim3A_376] : memref<512x32xf32, #tpu.memory_space<vmem>>[vector<16xi32>, vector<16xi32>], vector<16xf32>,
      %mul3A_379 = arith.mulf %gather3A_377, %gather3A_378 : vector<16xf32>
      %add3A_380 = arith.addf %add3A_374, %mul3A_379 : vector<16xf32>
      %mul3A_381 = arith.constant 16 : i32
      %mul3A_382 = arith.muli %scan3A_184, %mul3A_381 : i32
      %swap3A = arith.index_cast %mul3A_382 : i32 to index
      %swap3A_383 = tpu.vector_load %arg11[%swap3A] {strides = array<i32>} : memref<512xf32, #tpu.memory_space<vmem>>, vector<16xf32>,
      tpu.vector_store %arg11[%swap3A], %add3A_380 {strides = array<i32>} : memref<512xf32, #tpu.memory_space<vmem>>, vector<16xf32>,
    }
    %scan3A_105 = arith.constant 8 : i32
    %dma_wait3A_106 = arith.constant 1 : i32
    %dma_wait3A_107 = arith.constant 128 : i32
    %dma_wait3A_108 = arith.constant 0 : i32
    %dma_wait3A_109 = tpu.memref_slice %arg9[%dma_wait3A_107, %dma_wait3A_108] : memref<512x32xf32, #tpu.memory_space<vmem>> -> memref<128x32xf32, #tpu.memory_space<vmem>>
    %dma_wait3A_110 = arith.constant 0 : i32
    %dma_wait3A_111 = tpu.memref_slice %arg7[%dma_wait3A_106, %dma_wait3A_110] : memref<4x128xi32, #tpu.memory_space<vmem>> -> memref<1x128xi32, #tpu.memory_space<vmem>>
    %dma_wait3A_112 = tpu.memref_squeeze %dma_wait3A_111 : memref<1x128xi32, #tpu.memory_space<vmem>> -> memref<128xi32, #tpu.memory_space<vmem>>
    %dma_wait3A_113 = arith.constant 0 : i32
    %dma_wait3A_114 = arith.constant 0 : i32
    %dma_wait3A_115 = tpu.memref_slice %arg4[%dma_wait3A_113, %dma_wait3A_114] : memref<100000x32xf32, #tpu.memory_space<hbm>> -> memref<100000x32xf32, #tpu.memory_space<hbm>>
    tpu.wait_indirect_dma semaphore(%arg12 : memref<!tpu.dma_semaphore, #tpu.memory_space<semaphore_mem>>) src(%dma_wait3A_115 : memref<100000x32xf32, #tpu.memory_space<hbm>>) dst(%dma_wait3A_109 : memref<128x32xf32, #tpu.memory_space<vmem>>)
    %dma_wait3A_116 = arith.constant 1 : i32
    %dma_wait3A_117 = arith.constant 128 : i32
    %dma_wait3A_118 = arith.constant 0 : i32
    %dma_wait3A_119 = tpu.memref_slice %arg10[%dma_wait3A_117, %dma_wait3A_118] : memref<512x32xf32, #tpu.memory_space<vmem>> -> memref<128x32xf32, #tpu.memory_space<vmem>>
    %dma_wait3A_120 = arith.constant 0 : i32
    %dma_wait3A_121 = tpu.memref_slice %arg8[%dma_wait3A_116, %dma_wait3A_120] : memref<4x128xi32, #tpu.memory_space<vmem>> -> memref<1x128xi32, #tpu.memory_space<vmem>>
    %dma_wait3A_122 = tpu.memref_squeeze %dma_wait3A_121 : memref<1x128xi32, #tpu.memory_space<vmem>> -> memref<128xi32, #tpu.memory_space<vmem>>
    %dma_wait3A_123 = arith.constant 0 : i32
    %dma_wait3A_124 = arith.constant 0 : i32
    %dma_wait3A_125 = tpu.memref_slice %arg5[%dma_wait3A_123, %dma_wait3A_124] : memref<100000x32xf32, #tpu.memory_space<hbm>> -> memref<100000x32xf32, #tpu.memory_space<hbm>>
    tpu.wait_indirect_dma semaphore(%arg13 : memref<!tpu.dma_semaphore, #tpu.memory_space<semaphore_mem>>) src(%dma_wait3A_125 : memref<100000x32xf32, #tpu.memory_space<hbm>>) dst(%dma_wait3A_119 : memref<128x32xf32, #tpu.memory_space<vmem>>)
    %scan3A_126 = arith.constant 0 : i32
    %scan3A_127 = arith.constant 8 : i32
    %scan3A_128 = arith.constant 8 : i32
    %scan3A_129 = arith.addi %scan3A_127, %scan3A_128 : i32
    %scan3A_130 = arith.constant 1 : i32
    scf.for %scan3A_184 = %scan3A_127 to %scan3A_129 step %scan3A_130  : i32 {
      %mul3A_185 = arith.constant 16 : i32
      %mul3A_186 = arith.muli %scan3A_184, %mul3A_185 : i32
      %add3A_187 = vector.broadcast %mul3A_186 : i32 to vector<16xi32>
      %add3A_188 = arith.addi %add3A_187, %iota3A : vector<16xi32>
      %broadcast_in_dim3A = arith.constant 0.000000e+00 : f32
      %broadcast_in_dim3A_189 = vector.broadcast %broadcast_in_dim3A : f32 to vector<16xf32>
      %broadcast_in_dim3A_190 = arith.constant 0 : i32
      %broadcast_in_dim3A_191 = vector.broadcast %broadcast_in_dim3A_190 : i32 to vector<16xi32>
      %gather3A = tpu.vector_load_idx %arg9[%add3A_188, %broadcast_in_dim3A_191] : memref<512x32xf32, #tpu.memory_space<vmem>>[vector<16xi32>, vector<16xi32>], vector<16xf32>,
      %gather3A_192 = tpu.vector_load_idx %arg10[%add3A_188, %broadcast_in_dim3A_191] : memref<512x32xf32, #tpu.memory_space<vmem>>[vector<16xi32>, vector<16xi32>], vector<16xf32>,
      %mul3A_193 = arith.mulf %gather3A, %gather3A_192 : vector<16xf32>
      %add3A_194 = arith.addf %broadcast_in_dim3A_189, %mul3A_193 : vector<16xf32>
      %broadcast_in_dim3A_195 = arith.constant 1 : i32
      %broadcast_in_dim3A_196 = vector.broadcast %broadcast_in_dim3A_195 : i32 to vector<16xi32>
      %gather3A_197 = tpu.vector_load_idx %arg9[%add3A_188, %broadcast_in_dim3A_196] : memref<512x32xf32, #tpu.memory_space<vmem>>[vector<16xi32>, vector<16xi32>], vector<16xf32>,
      %gather3A_198 = tpu.vector_load_idx %arg10[%add3A_188, %broadcast_in_dim3A_196] : memref<512x32xf32, #tpu.memory_space<vmem>>[vector<16xi32>, vector<16xi32>], vector<16xf32>,
      %mul3A_199 = arith.mulf %gather3A_197, %gather3A_198 : vector<16xf32>
      %add3A_200 = arith.addf %add3A_194, %mul3A_199 : vector<16xf32>
      %broadcast_in_dim3A_201 = arith.constant 2 : i32
      %broadcast_in_dim3A_202 = vector.broadcast %broadcast_in_dim3A_201 : i32 to vector<16xi32>
      %gather3A_203 = tpu.vector_load_idx %arg9[%add3A_188, %broadcast_in_dim3A_202] : memref<512x32xf32, #tpu.memory_space<vmem>>[vector<16xi32>, vector<16xi32>], vector<16xf32>,
      %gather3A_204 = tpu.vector_load_idx %arg10[%add3A_188, %broadcast_in_dim3A_202] : memref<512x32xf32, #tpu.memory_space<vmem>>[vector<16xi32>, vector<16xi32>], vector<16xf32>,
      %mul3A_205 = arith.mulf %gather3A_203, %gather3A_204 : vector<16xf32>
      %add3A_206 = arith.addf %add3A_200, %mul3A_205 : vector<16xf32>
      %broadcast_in_dim3A_207 = arith.constant 3 : i32
      %broadcast_in_dim3A_208 = vector.broadcast %broadcast_in_dim3A_207 : i32 to vector<16xi32>
      %gather3A_209 = tpu.vector_load_idx %arg9[%add3A_188, %broadcast_in_dim3A_208] : memref<512x32xf32, #tpu.memory_space<vmem>>[vector<16xi32>, vector<16xi32>], vector<16xf32>,
      %gather3A_210 = tpu.vector_load_idx %arg10[%add3A_188, %broadcast_in_dim3A_208] : memref<512x32xf32, #tpu.memory_space<vmem>>[vector<16xi32>, vector<16xi32>], vector<16xf32>,
      %mul3A_211 = arith.mulf %gather3A_209, %gather3A_210 : vector<16xf32>
      %add3A_212 = arith.addf %add3A_206, %mul3A_211 : vector<16xf32>
      %broadcast_in_dim3A_213 = arith.constant 4 : i32
      %broadcast_in_dim3A_214 = vector.broadcast %broadcast_in_dim3A_213 : i32 to vector<16xi32>
      %gather3A_215 = tpu.vector_load_idx %arg9[%add3A_188, %broadcast_in_dim3A_214] : memref<512x32xf32, #tpu.memory_space<vmem>>[vector<16xi32>, vector<16xi32>], vector<16xf32>,
      %gather3A_216 = tpu.vector_load_idx %arg10[%add3A_188, %broadcast_in_dim3A_214] : memref<512x32xf32, #tpu.memory_space<vmem>>[vector<16xi32>, vector<16xi32>], vector<16xf32>,
      %mul3A_217 = arith.mulf %gather3A_215, %gather3A_216 : vector<16xf32>
      %add3A_218 = arith.addf %add3A_212, %mul3A_217 : vector<16xf32>
      %broadcast_in_dim3A_219 = arith.constant 5 : i32
      %broadcast_in_dim3A_220 = vector.broadcast %broadcast_in_dim3A_219 : i32 to vector<16xi32>
      %gather3A_221 = tpu.vector_load_idx %arg9[%add3A_188, %broadcast_in_dim3A_220] : memref<512x32xf32, #tpu.memory_space<vmem>>[vector<16xi32>, vector<16xi32>], vector<16xf32>,
      %gather3A_222 = tpu.vector_load_idx %arg10[%add3A_188, %broadcast_in_dim3A_220] : memref<512x32xf32, #tpu.memory_space<vmem>>[vector<16xi32>, vector<16xi32>], vector<16xf32>,
      %mul3A_223 = arith.mulf %gather3A_221, %gather3A_222 : vector<16xf32>
      %add3A_224 = arith.addf %add3A_218, %mul3A_223 : vector<16xf32>
      %broadcast_in_dim3A_225 = arith.constant 6 : i32
      %broadcast_in_dim3A_226 = vector.broadcast %broadcast_in_dim3A_225 : i32 to vector<16xi32>
      %gather3A_227 = tpu.vector_load_idx %arg9[%add3A_188, %broadcast_in_dim3A_226] : memref<512x32xf32, #tpu.memory_space<vmem>>[vector<16xi32>, vector<16xi32>], vector<16xf32>,
      %gather3A_228 = tpu.vector_load_idx %arg10[%add3A_188, %broadcast_in_dim3A_226] : memref<512x32xf32, #tpu.memory_space<vmem>>[vector<16xi32>, vector<16xi32>], vector<16xf32>,
      %mul3A_229 = arith.mulf %gather3A_227, %gather3A_228 : vector<16xf32>
      %add3A_230 = arith.addf %add3A_224, %mul3A_229 : vector<16xf32>
      %broadcast_in_dim3A_231 = arith.constant 7 : i32
      %broadcast_in_dim3A_232 = vector.broadcast %broadcast_in_dim3A_231 : i32 to vector<16xi32>
      %gather3A_233 = tpu.vector_load_idx %arg9[%add3A_188, %broadcast_in_dim3A_232] : memref<512x32xf32, #tpu.memory_space<vmem>>[vector<16xi32>, vector<16xi32>], vector<16xf32>,
      %gather3A_234 = tpu.vector_load_idx %arg10[%add3A_188, %broadcast_in_dim3A_232] : memref<512x32xf32, #tpu.memory_space<vmem>>[vector<16xi32>, vector<16xi32>], vector<16xf32>,
      %mul3A_235 = arith.mulf %gather3A_233, %gather3A_234 : vector<16xf32>
      %add3A_236 = arith.addf %add3A_230, %mul3A_235 : vector<16xf32>
      %broadcast_in_dim3A_237 = arith.constant 8 : i32
      %broadcast_in_dim3A_238 = vector.broadcast %broadcast_in_dim3A_237 : i32 to vector<16xi32>
      %gather3A_239 = tpu.vector_load_idx %arg9[%add3A_188, %broadcast_in_dim3A_238] : memref<512x32xf32, #tpu.memory_space<vmem>>[vector<16xi32>, vector<16xi32>], vector<16xf32>,
      %gather3A_240 = tpu.vector_load_idx %arg10[%add3A_188, %broadcast_in_dim3A_238] : memref<512x32xf32, #tpu.memory_space<vmem>>[vector<16xi32>, vector<16xi32>], vector<16xf32>,
      %mul3A_241 = arith.mulf %gather3A_239, %gather3A_240 : vector<16xf32>
      %add3A_242 = arith.addf %add3A_236, %mul3A_241 : vector<16xf32>
      %broadcast_in_dim3A_243 = arith.constant 9 : i32
      %broadcast_in_dim3A_244 = vector.broadcast %broadcast_in_dim3A_243 : i32 to vector<16xi32>
      %gather3A_245 = tpu.vector_load_idx %arg9[%add3A_188, %broadcast_in_dim3A_244] : memref<512x32xf32, #tpu.memory_space<vmem>>[vector<16xi32>, vector<16xi32>], vector<16xf32>,
      %gather3A_246 = tpu.vector_load_idx %arg10[%add3A_188, %broadcast_in_dim3A_244] : memref<512x32xf32, #tpu.memory_space<vmem>>[vector<16xi32>, vector<16xi32>], vector<16xf32>,
      %mul3A_247 = arith.mulf %gather3A_245, %gather3A_246 : vector<16xf32>
      %add3A_248 = arith.addf %add3A_242, %mul3A_247 : vector<16xf32>
      %broadcast_in_dim3A_249 = arith.constant 10 : i32
      %broadcast_in_dim3A_250 = vector.broadcast %broadcast_in_dim3A_249 : i32 to vector<16xi32>
      %gather3A_251 = tpu.vector_load_idx %arg9[%add3A_188, %broadcast_in_dim3A_250] : memref<512x32xf32, #tpu.memory_space<vmem>>[vector<16xi32>, vector<16xi32>], vector<16xf32>,
      %gather3A_252 = tpu.vector_load_idx %arg10[%add3A_188, %broadcast_in_dim3A_250] : memref<512x32xf32, #tpu.memory_space<vmem>>[vector<16xi32>, vector<16xi32>], vector<16xf32>,
      %mul3A_253 = arith.mulf %gather3A_251, %gather3A_252 : vector<16xf32>
      %add3A_254 = arith.addf %add3A_248, %mul3A_253 : vector<16xf32>
      %broadcast_in_dim3A_255 = arith.constant 11 : i32
      %broadcast_in_dim3A_256 = vector.broadcast %broadcast_in_dim3A_255 : i32 to vector<16xi32>
      %gather3A_257 = tpu.vector_load_idx %arg9[%add3A_188, %broadcast_in_dim3A_256] : memref<512x32xf32, #tpu.memory_space<vmem>>[vector<16xi32>, vector<16xi32>], vector<16xf32>,
      %gather3A_258 = tpu.vector_load_idx %arg10[%add3A_188, %broadcast_in_dim3A_256] : memref<512x32xf32, #tpu.memory_space<vmem>>[vector<16xi32>, vector<16xi32>], vector<16xf32>,
      %mul3A_259 = arith.mulf %gather3A_257, %gather3A_258 : vector<16xf32>
      %add3A_260 = arith.addf %add3A_254, %mul3A_259 : vector<16xf32>
      %broadcast_in_dim3A_261 = arith.constant 12 : i32
      %broadcast_in_dim3A_262 = vector.broadcast %broadcast_in_dim3A_261 : i32 to vector<16xi32>
      %gather3A_263 = tpu.vector_load_idx %arg9[%add3A_188, %broadcast_in_dim3A_262] : memref<512x32xf32, #tpu.memory_space<vmem>>[vector<16xi32>, vector<16xi32>], vector<16xf32>,
      %gather3A_264 = tpu.vector_load_idx %arg10[%add3A_188, %broadcast_in_dim3A_262] : memref<512x32xf32, #tpu.memory_space<vmem>>[vector<16xi32>, vector<16xi32>], vector<16xf32>,
      %mul3A_265 = arith.mulf %gather3A_263, %gather3A_264 : vector<16xf32>
      %add3A_266 = arith.addf %add3A_260, %mul3A_265 : vector<16xf32>
      %broadcast_in_dim3A_267 = arith.constant 13 : i32
      %broadcast_in_dim3A_268 = vector.broadcast %broadcast_in_dim3A_267 : i32 to vector<16xi32>
      %gather3A_269 = tpu.vector_load_idx %arg9[%add3A_188, %broadcast_in_dim3A_268] : memref<512x32xf32, #tpu.memory_space<vmem>>[vector<16xi32>, vector<16xi32>], vector<16xf32>,
      %gather3A_270 = tpu.vector_load_idx %arg10[%add3A_188, %broadcast_in_dim3A_268] : memref<512x32xf32, #tpu.memory_space<vmem>>[vector<16xi32>, vector<16xi32>], vector<16xf32>,
      %mul3A_271 = arith.mulf %gather3A_269, %gather3A_270 : vector<16xf32>
      %add3A_272 = arith.addf %add3A_266, %mul3A_271 : vector<16xf32>
      %broadcast_in_dim3A_273 = arith.constant 14 : i32
      %broadcast_in_dim3A_274 = vector.broadcast %broadcast_in_dim3A_273 : i32 to vector<16xi32>
      %gather3A_275 = tpu.vector_load_idx %arg9[%add3A_188, %broadcast_in_dim3A_274] : memref<512x32xf32, #tpu.memory_space<vmem>>[vector<16xi32>, vector<16xi32>], vector<16xf32>,
      %gather3A_276 = tpu.vector_load_idx %arg10[%add3A_188, %broadcast_in_dim3A_274] : memref<512x32xf32, #tpu.memory_space<vmem>>[vector<16xi32>, vector<16xi32>], vector<16xf32>,
      %mul3A_277 = arith.mulf %gather3A_275, %gather3A_276 : vector<16xf32>
      %add3A_278 = arith.addf %add3A_272, %mul3A_277 : vector<16xf32>
      %broadcast_in_dim3A_279 = arith.constant 15 : i32
      %broadcast_in_dim3A_280 = vector.broadcast %broadcast_in_dim3A_279 : i32 to vector<16xi32>
      %gather3A_281 = tpu.vector_load_idx %arg9[%add3A_188, %broadcast_in_dim3A_280] : memref<512x32xf32, #tpu.memory_space<vmem>>[vector<16xi32>, vector<16xi32>], vector<16xf32>,
      %gather3A_282 = tpu.vector_load_idx %arg10[%add3A_188, %broadcast_in_dim3A_280] : memref<512x32xf32, #tpu.memory_space<vmem>>[vector<16xi32>, vector<16xi32>], vector<16xf32>,
      %mul3A_283 = arith.mulf %gather3A_281, %gather3A_282 : vector<16xf32>
      %add3A_284 = arith.addf %add3A_278, %mul3A_283 : vector<16xf32>
      %broadcast_in_dim3A_285 = arith.constant 16 : i32
      %broadcast_in_dim3A_286 = vector.broadcast %broadcast_in_dim3A_285 : i32 to vector<16xi32>
      %gather3A_287 = tpu.vector_load_idx %arg9[%add3A_188, %broadcast_in_dim3A_286] : memref<512x32xf32, #tpu.memory_space<vmem>>[vector<16xi32>, vector<16xi32>], vector<16xf32>,
      %gather3A_288 = tpu.vector_load_idx %arg10[%add3A_188, %broadcast_in_dim3A_286] : memref<512x32xf32, #tpu.memory_space<vmem>>[vector<16xi32>, vector<16xi32>], vector<16xf32>,
      %mul3A_289 = arith.mulf %gather3A_287, %gather3A_288 : vector<16xf32>
      %add3A_290 = arith.addf %add3A_284, %mul3A_289 : vector<16xf32>
      %broadcast_in_dim3A_291 = arith.constant 17 : i32
      %broadcast_in_dim3A_292 = vector.broadcast %broadcast_in_dim3A_291 : i32 to vector<16xi32>
      %gather3A_293 = tpu.vector_load_idx %arg9[%add3A_188, %broadcast_in_dim3A_292] : memref<512x32xf32, #tpu.memory_space<vmem>>[vector<16xi32>, vector<16xi32>], vector<16xf32>,
      %gather3A_294 = tpu.vector_load_idx %arg10[%add3A_188, %broadcast_in_dim3A_292] : memref<512x32xf32, #tpu.memory_space<vmem>>[vector<16xi32>, vector<16xi32>], vector<16xf32>,
      %mul3A_295 = arith.mulf %gather3A_293, %gather3A_294 : vector<16xf32>
      %add3A_296 = arith.addf %add3A_290, %mul3A_295 : vector<16xf32>
      %broadcast_in_dim3A_297 = arith.constant 18 : i32
      %broadcast_in_dim3A_298 = vector.broadcast %broadcast_in_dim3A_297 : i32 to vector<16xi32>
      %gather3A_299 = tpu.vector_load_idx %arg9[%add3A_188, %broadcast_in_dim3A_298] : memref<512x32xf32, #tpu.memory_space<vmem>>[vector<16xi32>, vector<16xi32>], vector<16xf32>,
      %gather3A_300 = tpu.vector_load_idx %arg10[%add3A_188, %broadcast_in_dim3A_298] : memref<512x32xf32, #tpu.memory_space<vmem>>[vector<16xi32>, vector<16xi32>], vector<16xf32>,
      %mul3A_301 = arith.mulf %gather3A_299, %gather3A_300 : vector<16xf32>
      %add3A_302 = arith.addf %add3A_296, %mul3A_301 : vector<16xf32>
      %broadcast_in_dim3A_303 = arith.constant 19 : i32
      %broadcast_in_dim3A_304 = vector.broadcast %broadcast_in_dim3A_303 : i32 to vector<16xi32>
      %gather3A_305 = tpu.vector_load_idx %arg9[%add3A_188, %broadcast_in_dim3A_304] : memref<512x32xf32, #tpu.memory_space<vmem>>[vector<16xi32>, vector<16xi32>], vector<16xf32>,
      %gather3A_306 = tpu.vector_load_idx %arg10[%add3A_188, %broadcast_in_dim3A_304] : memref<512x32xf32, #tpu.memory_space<vmem>>[vector<16xi32>, vector<16xi32>], vector<16xf32>,
      %mul3A_307 = arith.mulf %gather3A_305, %gather3A_306 : vector<16xf32>
      %add3A_308 = arith.addf %add3A_302, %mul3A_307 : vector<16xf32>
      %broadcast_in_dim3A_309 = arith.constant 20 : i32
      %broadcast_in_dim3A_310 = vector.broadcast %broadcast_in_dim3A_309 : i32 to vector<16xi32>
      %gather3A_311 = tpu.vector_load_idx %arg9[%add3A_188, %broadcast_in_dim3A_310] : memref<512x32xf32, #tpu.memory_space<vmem>>[vector<16xi32>, vector<16xi32>], vector<16xf32>,
      %gather3A_312 = tpu.vector_load_idx %arg10[%add3A_188, %broadcast_in_dim3A_310] : memref<512x32xf32, #tpu.memory_space<vmem>>[vector<16xi32>, vector<16xi32>], vector<16xf32>,
      %mul3A_313 = arith.mulf %gather3A_311, %gather3A_312 : vector<16xf32>
      %add3A_314 = arith.addf %add3A_308, %mul3A_313 : vector<16xf32>
      %broadcast_in_dim3A_315 = arith.constant 21 : i32
      %broadcast_in_dim3A_316 = vector.broadcast %broadcast_in_dim3A_315 : i32 to vector<16xi32>
      %gather3A_317 = tpu.vector_load_idx %arg9[%add3A_188, %broadcast_in_dim3A_316] : memref<512x32xf32, #tpu.memory_space<vmem>>[vector<16xi32>, vector<16xi32>], vector<16xf32>,
      %gather3A_318 = tpu.vector_load_idx %arg10[%add3A_188, %broadcast_in_dim3A_316] : memref<512x32xf32, #tpu.memory_space<vmem>>[vector<16xi32>, vector<16xi32>], vector<16xf32>,
      %mul3A_319 = arith.mulf %gather3A_317, %gather3A_318 : vector<16xf32>
      %add3A_320 = arith.addf %add3A_314, %mul3A_319 : vector<16xf32>
      %broadcast_in_dim3A_321 = arith.constant 22 : i32
      %broadcast_in_dim3A_322 = vector.broadcast %broadcast_in_dim3A_321 : i32 to vector<16xi32>
      %gather3A_323 = tpu.vector_load_idx %arg9[%add3A_188, %broadcast_in_dim3A_322] : memref<512x32xf32, #tpu.memory_space<vmem>>[vector<16xi32>, vector<16xi32>], vector<16xf32>,
      %gather3A_324 = tpu.vector_load_idx %arg10[%add3A_188, %broadcast_in_dim3A_322] : memref<512x32xf32, #tpu.memory_space<vmem>>[vector<16xi32>, vector<16xi32>], vector<16xf32>,
      %mul3A_325 = arith.mulf %gather3A_323, %gather3A_324 : vector<16xf32>
      %add3A_326 = arith.addf %add3A_320, %mul3A_325 : vector<16xf32>
      %broadcast_in_dim3A_327 = arith.constant 23 : i32
      %broadcast_in_dim3A_328 = vector.broadcast %broadcast_in_dim3A_327 : i32 to vector<16xi32>
      %gather3A_329 = tpu.vector_load_idx %arg9[%add3A_188, %broadcast_in_dim3A_328] : memref<512x32xf32, #tpu.memory_space<vmem>>[vector<16xi32>, vector<16xi32>], vector<16xf32>,
      %gather3A_330 = tpu.vector_load_idx %arg10[%add3A_188, %broadcast_in_dim3A_328] : memref<512x32xf32, #tpu.memory_space<vmem>>[vector<16xi32>, vector<16xi32>], vector<16xf32>,
      %mul3A_331 = arith.mulf %gather3A_329, %gather3A_330 : vector<16xf32>
      %add3A_332 = arith.addf %add3A_326, %mul3A_331 : vector<16xf32>
      %broadcast_in_dim3A_333 = arith.constant 24 : i32
      %broadcast_in_dim3A_334 = vector.broadcast %broadcast_in_dim3A_333 : i32 to vector<16xi32>
      %gather3A_335 = tpu.vector_load_idx %arg9[%add3A_188, %broadcast_in_dim3A_334] : memref<512x32xf32, #tpu.memory_space<vmem>>[vector<16xi32>, vector<16xi32>], vector<16xf32>,
      %gather3A_336 = tpu.vector_load_idx %arg10[%add3A_188, %broadcast_in_dim3A_334] : memref<512x32xf32, #tpu.memory_space<vmem>>[vector<16xi32>, vector<16xi32>], vector<16xf32>,
      %mul3A_337 = arith.mulf %gather3A_335, %gather3A_336 : vector<16xf32>
      %add3A_338 = arith.addf %add3A_332, %mul3A_337 : vector<16xf32>
      %broadcast_in_dim3A_339 = arith.constant 25 : i32
      %broadcast_in_dim3A_340 = vector.broadcast %broadcast_in_dim3A_339 : i32 to vector<16xi32>
      %gather3A_341 = tpu.vector_load_idx %arg9[%add3A_188, %broadcast_in_dim3A_340] : memref<512x32xf32, #tpu.memory_space<vmem>>[vector<16xi32>, vector<16xi32>], vector<16xf32>,
      %gather3A_342 = tpu.vector_load_idx %arg10[%add3A_188, %broadcast_in_dim3A_340] : memref<512x32xf32, #tpu.memory_space<vmem>>[vector<16xi32>, vector<16xi32>], vector<16xf32>,
      %mul3A_343 = arith.mulf %gather3A_341, %gather3A_342 : vector<16xf32>
      %add3A_344 = arith.addf %add3A_338, %mul3A_343 : vector<16xf32>
      %broadcast_in_dim3A_345 = arith.constant 26 : i32
      %broadcast_in_dim3A_346 = vector.broadcast %broadcast_in_dim3A_345 : i32 to vector<16xi32>
      %gather3A_347 = tpu.vector_load_idx %arg9[%add3A_188, %broadcast_in_dim3A_346] : memref<512x32xf32, #tpu.memory_space<vmem>>[vector<16xi32>, vector<16xi32>], vector<16xf32>,
      %gather3A_348 = tpu.vector_load_idx %arg10[%add3A_188, %broadcast_in_dim3A_346] : memref<512x32xf32, #tpu.memory_space<vmem>>[vector<16xi32>, vector<16xi32>], vector<16xf32>,
      %mul3A_349 = arith.mulf %gather3A_347, %gather3A_348 : vector<16xf32>
      %add3A_350 = arith.addf %add3A_344, %mul3A_349 : vector<16xf32>
      %broadcast_in_dim3A_351 = arith.constant 27 : i32
      %broadcast_in_dim3A_352 = vector.broadcast %broadcast_in_dim3A_351 : i32 to vector<16xi32>
      %gather3A_353 = tpu.vector_load_idx %arg9[%add3A_188, %broadcast_in_dim3A_352] : memref<512x32xf32, #tpu.memory_space<vmem>>[vector<16xi32>, vector<16xi32>], vector<16xf32>,
      %gather3A_354 = tpu.vector_load_idx %arg10[%add3A_188, %broadcast_in_dim3A_352] : memref<512x32xf32, #tpu.memory_space<vmem>>[vector<16xi32>, vector<16xi32>], vector<16xf32>,
      %mul3A_355 = arith.mulf %gather3A_353, %gather3A_354 : vector<16xf32>
      %add3A_356 = arith.addf %add3A_350, %mul3A_355 : vector<16xf32>
      %broadcast_in_dim3A_357 = arith.constant 28 : i32
      %broadcast_in_dim3A_358 = vector.broadcast %broadcast_in_dim3A_357 : i32 to vector<16xi32>
      %gather3A_359 = tpu.vector_load_idx %arg9[%add3A_188, %broadcast_in_dim3A_358] : memref<512x32xf32, #tpu.memory_space<vmem>>[vector<16xi32>, vector<16xi32>], vector<16xf32>,
      %gather3A_360 = tpu.vector_load_idx %arg10[%add3A_188, %broadcast_in_dim3A_358] : memref<512x32xf32, #tpu.memory_space<vmem>>[vector<16xi32>, vector<16xi32>], vector<16xf32>,
      %mul3A_361 = arith.mulf %gather3A_359, %gather3A_360 : vector<16xf32>
      %add3A_362 = arith.addf %add3A_356, %mul3A_361 : vector<16xf32>
      %broadcast_in_dim3A_363 = arith.constant 29 : i32
      %broadcast_in_dim3A_364 = vector.broadcast %broadcast_in_dim3A_363 : i32 to vector<16xi32>
      %gather3A_365 = tpu.vector_load_idx %arg9[%add3A_188, %broadcast_in_dim3A_364] : memref<512x32xf32, #tpu.memory_space<vmem>>[vector<16xi32>, vector<16xi32>], vector<16xf32>,
      %gather3A_366 = tpu.vector_load_idx %arg10[%add3A_188, %broadcast_in_dim3A_364] : memref<512x32xf32, #tpu.memory_space<vmem>>[vector<16xi32>, vector<16xi32>], vector<16xf32>,
      %mul3A_367 = arith.mulf %gather3A_365, %gather3A_366 : vector<16xf32>
      %add3A_368 = arith.addf %add3A_362, %mul3A_367 : vector<16xf32>
      %broadcast_in_dim3A_369 = arith.constant 30 : i32
      %broadcast_in_dim3A_370 = vector.broadcast %broadcast_in_dim3A_369 : i32 to vector<16xi32>
      %gather3A_371 = tpu.vector_load_idx %arg9[%add3A_188, %broadcast_in_dim3A_370] : memref<512x32xf32, #tpu.memory_space<vmem>>[vector<16xi32>, vector<16xi32>], vector<16xf32>,
      %gather3A_372 = tpu.vector_load_idx %arg10[%add3A_188, %broadcast_in_dim3A_370] : memref<512x32xf32, #tpu.memory_space<vmem>>[vector<16xi32>, vector<16xi32>], vector<16xf32>,
      %mul3A_373 = arith.mulf %gather3A_371, %gather3A_372 : vector<16xf32>
      %add3A_374 = arith.addf %add3A_368, %mul3A_373 : vector<16xf32>
      %broadcast_in_dim3A_375 = arith.constant 31 : i32
      %broadcast_in_dim3A_376 = vector.broadcast %broadcast_in_dim3A_375 : i32 to vector<16xi32>
      %gather3A_377 = tpu.vector_load_idx %arg9[%add3A_188, %broadcast_in_dim3A_376] : memref<512x32xf32, #tpu.memory_space<vmem>>[vector<16xi32>, vector<16xi32>], vector<16xf32>,
      %gather3A_378 = tpu.vector_load_idx %arg10[%add3A_188, %broadcast_in_dim3A_376] : memref<512x32xf32, #tpu.memory_space<vmem>>[vector<16xi32>, vector<16xi32>], vector<16xf32>,
      %mul3A_379 = arith.mulf %gather3A_377, %gather3A_378 : vector<16xf32>
      %add3A_380 = arith.addf %add3A_374, %mul3A_379 : vector<16xf32>
      %mul3A_381 = arith.constant 16 : i32
      %mul3A_382 = arith.muli %scan3A_184, %mul3A_381 : i32
      %swap3A = arith.index_cast %mul3A_382 : i32 to index
      %swap3A_383 = tpu.vector_load %arg11[%swap3A] {strides = array<i32>} : memref<512xf32, #tpu.memory_space<vmem>>, vector<16xf32>,
      tpu.vector_store %arg11[%swap3A], %add3A_380 {strides = array<i32>} : memref<512xf32, #tpu.memory_space<vmem>>, vector<16xf32>,
    }
    %scan3A_131 = arith.constant 8 : i32
    %dma_wait3A_132 = arith.constant 2 : i32
    %dma_wait3A_133 = arith.constant 256 : i32
    %dma_wait3A_134 = arith.constant 0 : i32
    %dma_wait3A_135 = tpu.memref_slice %arg9[%dma_wait3A_133, %dma_wait3A_134] : memref<512x32xf32, #tpu.memory_space<vmem>> -> memref<128x32xf32, #tpu.memory_space<vmem>>
    %dma_wait3A_136 = arith.constant 0 : i32
    %dma_wait3A_137 = tpu.memref_slice %arg7[%dma_wait3A_132, %dma_wait3A_136] : memref<4x128xi32, #tpu.memory_space<vmem>> -> memref<1x128xi32, #tpu.memory_space<vmem>>
    %dma_wait3A_138 = tpu.memref_squeeze %dma_wait3A_137 : memref<1x128xi32, #tpu.memory_space<vmem>> -> memref<128xi32, #tpu.memory_space<vmem>>
    %dma_wait3A_139 = arith.constant 0 : i32
    %dma_wait3A_140 = arith.constant 0 : i32
    %dma_wait3A_141 = tpu.memref_slice %arg4[%dma_wait3A_139, %dma_wait3A_140] : memref<100000x32xf32, #tpu.memory_space<hbm>> -> memref<100000x32xf32, #tpu.memory_space<hbm>>
    tpu.wait_indirect_dma semaphore(%arg12 : memref<!tpu.dma_semaphore, #tpu.memory_space<semaphore_mem>>) src(%dma_wait3A_141 : memref<100000x32xf32, #tpu.memory_space<hbm>>) dst(%dma_wait3A_135 : memref<128x32xf32, #tpu.memory_space<vmem>>)
    %dma_wait3A_142 = arith.constant 2 : i32
    %dma_wait3A_143 = arith.constant 256 : i32
    %dma_wait3A_144 = arith.constant 0 : i32
    %dma_wait3A_145 = tpu.memref_slice %arg10[%dma_wait3A_143, %dma_wait3A_144] : memref<512x32xf32, #tpu.memory_space<vmem>> -> memref<128x32xf32, #tpu.memory_space<vmem>>
    %dma_wait3A_146 = arith.constant 0 : i32
    %dma_wait3A_147 = tpu.memref_slice %arg8[%dma_wait3A_142, %dma_wait3A_146] : memref<4x128xi32, #tpu.memory_space<vmem>> -> memref<1x128xi32, #tpu.memory_space<vmem>>
    %dma_wait3A_148 = tpu.memref_squeeze %dma_wait3A_147 : memref<1x128xi32, #tpu.memory_space<vmem>> -> memref<128xi32, #tpu.memory_space<vmem>>
    %dma_wait3A_149 = arith.constant 0 : i32
    %dma_wait3A_150 = arith.constant 0 : i32
    %dma_wait3A_151 = tpu.memref_slice %arg5[%dma_wait3A_149, %dma_wait3A_150] : memref<100000x32xf32, #tpu.memory_space<hbm>> -> memref<100000x32xf32, #tpu.memory_space<hbm>>
    tpu.wait_indirect_dma semaphore(%arg13 : memref<!tpu.dma_semaphore, #tpu.memory_space<semaphore_mem>>) src(%dma_wait3A_151 : memref<100000x32xf32, #tpu.memory_space<hbm>>) dst(%dma_wait3A_145 : memref<128x32xf32, #tpu.memory_space<vmem>>)
    %scan3A_152 = arith.constant 0 : i32
    %scan3A_153 = arith.constant 16 : i32
    %scan3A_154 = arith.constant 8 : i32
    %scan3A_155 = arith.addi %scan3A_153, %scan3A_154 : i32
    %scan3A_156 = arith.constant 1 : i32
    scf.for %scan3A_184 = %scan3A_153 to %scan3A_155 step %scan3A_156  : i32 {
      %mul3A_185 = arith.constant 16 : i32
      %mul3A_186 = arith.muli %scan3A_184, %mul3A_185 : i32
      %add3A_187 = vector.broadcast %mul3A_186 : i32 to vector<16xi32>
      %add3A_188 = arith.addi %add3A_187, %iota3A : vector<16xi32>
      %broadcast_in_dim3A = arith.constant 0.000000e+00 : f32
      %broadcast_in_dim3A_189 = vector.broadcast %broadcast_in_dim3A : f32 to vector<16xf32>
      %broadcast_in_dim3A_190 = arith.constant 0 : i32
      %broadcast_in_dim3A_191 = vector.broadcast %broadcast_in_dim3A_190 : i32 to vector<16xi32>
      %gather3A = tpu.vector_load_idx %arg9[%add3A_188, %broadcast_in_dim3A_191] : memref<512x32xf32, #tpu.memory_space<vmem>>[vector<16xi32>, vector<16xi32>], vector<16xf32>,
      %gather3A_192 = tpu.vector_load_idx %arg10[%add3A_188, %broadcast_in_dim3A_191] : memref<512x32xf32, #tpu.memory_space<vmem>>[vector<16xi32>, vector<16xi32>], vector<16xf32>,
      %mul3A_193 = arith.mulf %gather3A, %gather3A_192 : vector<16xf32>
      %add3A_194 = arith.addf %broadcast_in_dim3A_189, %mul3A_193 : vector<16xf32>
      %broadcast_in_dim3A_195 = arith.constant 1 : i32
      %broadcast_in_dim3A_196 = vector.broadcast %broadcast_in_dim3A_195 : i32 to vector<16xi32>
      %gather3A_197 = tpu.vector_load_idx %arg9[%add3A_188, %broadcast_in_dim3A_196] : memref<512x32xf32, #tpu.memory_space<vmem>>[vector<16xi32>, vector<16xi32>], vector<16xf32>,
      %gather3A_198 = tpu.vector_load_idx %arg10[%add3A_188, %broadcast_in_dim3A_196] : memref<512x32xf32, #tpu.memory_space<vmem>>[vector<16xi32>, vector<16xi32>], vector<16xf32>,
      %mul3A_199 = arith.mulf %gather3A_197, %gather3A_198 : vector<16xf32>
      %add3A_200 = arith.addf %add3A_194, %mul3A_199 : vector<16xf32>
      %broadcast_in_dim3A_201 = arith.constant 2 : i32
      %broadcast_in_dim3A_202 = vector.broadcast %broadcast_in_dim3A_201 : i32 to vector<16xi32>
      %gather3A_203 = tpu.vector_load_idx %arg9[%add3A_188, %broadcast_in_dim3A_202] : memref<512x32xf32, #tpu.memory_space<vmem>>[vector<16xi32>, vector<16xi32>], vector<16xf32>,
      %gather3A_204 = tpu.vector_load_idx %arg10[%add3A_188, %broadcast_in_dim3A_202] : memref<512x32xf32, #tpu.memory_space<vmem>>[vector<16xi32>, vector<16xi32>], vector<16xf32>,
      %mul3A_205 = arith.mulf %gather3A_203, %gather3A_204 : vector<16xf32>
      %add3A_206 = arith.addf %add3A_200, %mul3A_205 : vector<16xf32>
      %broadcast_in_dim3A_207 = arith.constant 3 : i32
      %broadcast_in_dim3A_208 = vector.broadcast %broadcast_in_dim3A_207 : i32 to vector<16xi32>
      %gather3A_209 = tpu.vector_load_idx %arg9[%add3A_188, %broadcast_in_dim3A_208] : memref<512x32xf32, #tpu.memory_space<vmem>>[vector<16xi32>, vector<16xi32>], vector<16xf32>,
      %gather3A_210 = tpu.vector_load_idx %arg10[%add3A_188, %broadcast_in_dim3A_208] : memref<512x32xf32, #tpu.memory_space<vmem>>[vector<16xi32>, vector<16xi32>], vector<16xf32>,
      %mul3A_211 = arith.mulf %gather3A_209, %gather3A_210 : vector<16xf32>
      %add3A_212 = arith.addf %add3A_206, %mul3A_211 : vector<16xf32>
      %broadcast_in_dim3A_213 = arith.constant 4 : i32
      %broadcast_in_dim3A_214 = vector.broadcast %broadcast_in_dim3A_213 : i32 to vector<16xi32>
      %gather3A_215 = tpu.vector_load_idx %arg9[%add3A_188, %broadcast_in_dim3A_214] : memref<512x32xf32, #tpu.memory_space<vmem>>[vector<16xi32>, vector<16xi32>], vector<16xf32>,
      %gather3A_216 = tpu.vector_load_idx %arg10[%add3A_188, %broadcast_in_dim3A_214] : memref<512x32xf32, #tpu.memory_space<vmem>>[vector<16xi32>, vector<16xi32>], vector<16xf32>,
      %mul3A_217 = arith.mulf %gather3A_215, %gather3A_216 : vector<16xf32>
      %add3A_218 = arith.addf %add3A_212, %mul3A_217 : vector<16xf32>
      %broadcast_in_dim3A_219 = arith.constant 5 : i32
      %broadcast_in_dim3A_220 = vector.broadcast %broadcast_in_dim3A_219 : i32 to vector<16xi32>
      %gather3A_221 = tpu.vector_load_idx %arg9[%add3A_188, %broadcast_in_dim3A_220] : memref<512x32xf32, #tpu.memory_space<vmem>>[vector<16xi32>, vector<16xi32>], vector<16xf32>,
      %gather3A_222 = tpu.vector_load_idx %arg10[%add3A_188, %broadcast_in_dim3A_220] : memref<512x32xf32, #tpu.memory_space<vmem>>[vector<16xi32>, vector<16xi32>], vector<16xf32>,
      %mul3A_223 = arith.mulf %gather3A_221, %gather3A_222 : vector<16xf32>
      %add3A_224 = arith.addf %add3A_218, %mul3A_223 : vector<16xf32>
      %broadcast_in_dim3A_225 = arith.constant 6 : i32
      %broadcast_in_dim3A_226 = vector.broadcast %broadcast_in_dim3A_225 : i32 to vector<16xi32>
      %gather3A_227 = tpu.vector_load_idx %arg9[%add3A_188, %broadcast_in_dim3A_226] : memref<512x32xf32, #tpu.memory_space<vmem>>[vector<16xi32>, vector<16xi32>], vector<16xf32>,
      %gather3A_228 = tpu.vector_load_idx %arg10[%add3A_188, %broadcast_in_dim3A_226] : memref<512x32xf32, #tpu.memory_space<vmem>>[vector<16xi32>, vector<16xi32>], vector<16xf32>,
      %mul3A_229 = arith.mulf %gather3A_227, %gather3A_228 : vector<16xf32>
      %add3A_230 = arith.addf %add3A_224, %mul3A_229 : vector<16xf32>
      %broadcast_in_dim3A_231 = arith.constant 7 : i32
      %broadcast_in_dim3A_232 = vector.broadcast %broadcast_in_dim3A_231 : i32 to vector<16xi32>
      %gather3A_233 = tpu.vector_load_idx %arg9[%add3A_188, %broadcast_in_dim3A_232] : memref<512x32xf32, #tpu.memory_space<vmem>>[vector<16xi32>, vector<16xi32>], vector<16xf32>,
      %gather3A_234 = tpu.vector_load_idx %arg10[%add3A_188, %broadcast_in_dim3A_232] : memref<512x32xf32, #tpu.memory_space<vmem>>[vector<16xi32>, vector<16xi32>], vector<16xf32>,
      %mul3A_235 = arith.mulf %gather3A_233, %gather3A_234 : vector<16xf32>
      %add3A_236 = arith.addf %add3A_230, %mul3A_235 : vector<16xf32>
      %broadcast_in_dim3A_237 = arith.constant 8 : i32
      %broadcast_in_dim3A_238 = vector.broadcast %broadcast_in_dim3A_237 : i32 to vector<16xi32>
      %gather3A_239 = tpu.vector_load_idx %arg9[%add3A_188, %broadcast_in_dim3A_238] : memref<512x32xf32, #tpu.memory_space<vmem>>[vector<16xi32>, vector<16xi32>], vector<16xf32>,
      %gather3A_240 = tpu.vector_load_idx %arg10[%add3A_188, %broadcast_in_dim3A_238] : memref<512x32xf32, #tpu.memory_space<vmem>>[vector<16xi32>, vector<16xi32>], vector<16xf32>,
      %mul3A_241 = arith.mulf %gather3A_239, %gather3A_240 : vector<16xf32>
      %add3A_242 = arith.addf %add3A_236, %mul3A_241 : vector<16xf32>
      %broadcast_in_dim3A_243 = arith.constant 9 : i32
      %broadcast_in_dim3A_244 = vector.broadcast %broadcast_in_dim3A_243 : i32 to vector<16xi32>
      %gather3A_245 = tpu.vector_load_idx %arg9[%add3A_188, %broadcast_in_dim3A_244] : memref<512x32xf32, #tpu.memory_space<vmem>>[vector<16xi32>, vector<16xi32>], vector<16xf32>,
      %gather3A_246 = tpu.vector_load_idx %arg10[%add3A_188, %broadcast_in_dim3A_244] : memref<512x32xf32, #tpu.memory_space<vmem>>[vector<16xi32>, vector<16xi32>], vector<16xf32>,
      %mul3A_247 = arith.mulf %gather3A_245, %gather3A_246 : vector<16xf32>
      %add3A_248 = arith.addf %add3A_242, %mul3A_247 : vector<16xf32>
      %broadcast_in_dim3A_249 = arith.constant 10 : i32
      %broadcast_in_dim3A_250 = vector.broadcast %broadcast_in_dim3A_249 : i32 to vector<16xi32>
      %gather3A_251 = tpu.vector_load_idx %arg9[%add3A_188, %broadcast_in_dim3A_250] : memref<512x32xf32, #tpu.memory_space<vmem>>[vector<16xi32>, vector<16xi32>], vector<16xf32>,
      %gather3A_252 = tpu.vector_load_idx %arg10[%add3A_188, %broadcast_in_dim3A_250] : memref<512x32xf32, #tpu.memory_space<vmem>>[vector<16xi32>, vector<16xi32>], vector<16xf32>,
      %mul3A_253 = arith.mulf %gather3A_251, %gather3A_252 : vector<16xf32>
      %add3A_254 = arith.addf %add3A_248, %mul3A_253 : vector<16xf32>
      %broadcast_in_dim3A_255 = arith.constant 11 : i32
      %broadcast_in_dim3A_256 = vector.broadcast %broadcast_in_dim3A_255 : i32 to vector<16xi32>
      %gather3A_257 = tpu.vector_load_idx %arg9[%add3A_188, %broadcast_in_dim3A_256] : memref<512x32xf32, #tpu.memory_space<vmem>>[vector<16xi32>, vector<16xi32>], vector<16xf32>,
      %gather3A_258 = tpu.vector_load_idx %arg10[%add3A_188, %broadcast_in_dim3A_256] : memref<512x32xf32, #tpu.memory_space<vmem>>[vector<16xi32>, vector<16xi32>], vector<16xf32>,
      %mul3A_259 = arith.mulf %gather3A_257, %gather3A_258 : vector<16xf32>
      %add3A_260 = arith.addf %add3A_254, %mul3A_259 : vector<16xf32>
      %broadcast_in_dim3A_261 = arith.constant 12 : i32
      %broadcast_in_dim3A_262 = vector.broadcast %broadcast_in_dim3A_261 : i32 to vector<16xi32>
      %gather3A_263 = tpu.vector_load_idx %arg9[%add3A_188, %broadcast_in_dim3A_262] : memref<512x32xf32, #tpu.memory_space<vmem>>[vector<16xi32>, vector<16xi32>], vector<16xf32>,
      %gather3A_264 = tpu.vector_load_idx %arg10[%add3A_188, %broadcast_in_dim3A_262] : memref<512x32xf32, #tpu.memory_space<vmem>>[vector<16xi32>, vector<16xi32>], vector<16xf32>,
      %mul3A_265 = arith.mulf %gather3A_263, %gather3A_264 : vector<16xf32>
      %add3A_266 = arith.addf %add3A_260, %mul3A_265 : vector<16xf32>
      %broadcast_in_dim3A_267 = arith.constant 13 : i32
      %broadcast_in_dim3A_268 = vector.broadcast %broadcast_in_dim3A_267 : i32 to vector<16xi32>
      %gather3A_269 = tpu.vector_load_idx %arg9[%add3A_188, %broadcast_in_dim3A_268] : memref<512x32xf32, #tpu.memory_space<vmem>>[vector<16xi32>, vector<16xi32>], vector<16xf32>,
      %gather3A_270 = tpu.vector_load_idx %arg10[%add3A_188, %broadcast_in_dim3A_268] : memref<512x32xf32, #tpu.memory_space<vmem>>[vector<16xi32>, vector<16xi32>], vector<16xf32>,
      %mul3A_271 = arith.mulf %gather3A_269, %gather3A_270 : vector<16xf32>
      %add3A_272 = arith.addf %add3A_266, %mul3A_271 : vector<16xf32>
      %broadcast_in_dim3A_273 = arith.constant 14 : i32
      %broadcast_in_dim3A_274 = vector.broadcast %broadcast_in_dim3A_273 : i32 to vector<16xi32>
      %gather3A_275 = tpu.vector_load_idx %arg9[%add3A_188, %broadcast_in_dim3A_274] : memref<512x32xf32, #tpu.memory_space<vmem>>[vector<16xi32>, vector<16xi32>], vector<16xf32>,
      %gather3A_276 = tpu.vector_load_idx %arg10[%add3A_188, %broadcast_in_dim3A_274] : memref<512x32xf32, #tpu.memory_space<vmem>>[vector<16xi32>, vector<16xi32>], vector<16xf32>,
      %mul3A_277 = arith.mulf %gather3A_275, %gather3A_276 : vector<16xf32>
      %add3A_278 = arith.addf %add3A_272, %mul3A_277 : vector<16xf32>
      %broadcast_in_dim3A_279 = arith.constant 15 : i32
      %broadcast_in_dim3A_280 = vector.broadcast %broadcast_in_dim3A_279 : i32 to vector<16xi32>
      %gather3A_281 = tpu.vector_load_idx %arg9[%add3A_188, %broadcast_in_dim3A_280] : memref<512x32xf32, #tpu.memory_space<vmem>>[vector<16xi32>, vector<16xi32>], vector<16xf32>,
      %gather3A_282 = tpu.vector_load_idx %arg10[%add3A_188, %broadcast_in_dim3A_280] : memref<512x32xf32, #tpu.memory_space<vmem>>[vector<16xi32>, vector<16xi32>], vector<16xf32>,
      %mul3A_283 = arith.mulf %gather3A_281, %gather3A_282 : vector<16xf32>
      %add3A_284 = arith.addf %add3A_278, %mul3A_283 : vector<16xf32>
      %broadcast_in_dim3A_285 = arith.constant 16 : i32
      %broadcast_in_dim3A_286 = vector.broadcast %broadcast_in_dim3A_285 : i32 to vector<16xi32>
      %gather3A_287 = tpu.vector_load_idx %arg9[%add3A_188, %broadcast_in_dim3A_286] : memref<512x32xf32, #tpu.memory_space<vmem>>[vector<16xi32>, vector<16xi32>], vector<16xf32>,
      %gather3A_288 = tpu.vector_load_idx %arg10[%add3A_188, %broadcast_in_dim3A_286] : memref<512x32xf32, #tpu.memory_space<vmem>>[vector<16xi32>, vector<16xi32>], vector<16xf32>,
      %mul3A_289 = arith.mulf %gather3A_287, %gather3A_288 : vector<16xf32>
      %add3A_290 = arith.addf %add3A_284, %mul3A_289 : vector<16xf32>
      %broadcast_in_dim3A_291 = arith.constant 17 : i32
      %broadcast_in_dim3A_292 = vector.broadcast %broadcast_in_dim3A_291 : i32 to vector<16xi32>
      %gather3A_293 = tpu.vector_load_idx %arg9[%add3A_188, %broadcast_in_dim3A_292] : memref<512x32xf32, #tpu.memory_space<vmem>>[vector<16xi32>, vector<16xi32>], vector<16xf32>,
      %gather3A_294 = tpu.vector_load_idx %arg10[%add3A_188, %broadcast_in_dim3A_292] : memref<512x32xf32, #tpu.memory_space<vmem>>[vector<16xi32>, vector<16xi32>], vector<16xf32>,
      %mul3A_295 = arith.mulf %gather3A_293, %gather3A_294 : vector<16xf32>
      %add3A_296 = arith.addf %add3A_290, %mul3A_295 : vector<16xf32>
      %broadcast_in_dim3A_297 = arith.constant 18 : i32
      %broadcast_in_dim3A_298 = vector.broadcast %broadcast_in_dim3A_297 : i32 to vector<16xi32>
      %gather3A_299 = tpu.vector_load_idx %arg9[%add3A_188, %broadcast_in_dim3A_298] : memref<512x32xf32, #tpu.memory_space<vmem>>[vector<16xi32>, vector<16xi32>], vector<16xf32>,
      %gather3A_300 = tpu.vector_load_idx %arg10[%add3A_188, %broadcast_in_dim3A_298] : memref<512x32xf32, #tpu.memory_space<vmem>>[vector<16xi32>, vector<16xi32>], vector<16xf32>,
      %mul3A_301 = arith.mulf %gather3A_299, %gather3A_300 : vector<16xf32>
      %add3A_302 = arith.addf %add3A_296, %mul3A_301 : vector<16xf32>
      %broadcast_in_dim3A_303 = arith.constant 19 : i32
      %broadcast_in_dim3A_304 = vector.broadcast %broadcast_in_dim3A_303 : i32 to vector<16xi32>
      %gather3A_305 = tpu.vector_load_idx %arg9[%add3A_188, %broadcast_in_dim3A_304] : memref<512x32xf32, #tpu.memory_space<vmem>>[vector<16xi32>, vector<16xi32>], vector<16xf32>,
      %gather3A_306 = tpu.vector_load_idx %arg10[%add3A_188, %broadcast_in_dim3A_304] : memref<512x32xf32, #tpu.memory_space<vmem>>[vector<16xi32>, vector<16xi32>], vector<16xf32>,
      %mul3A_307 = arith.mulf %gather3A_305, %gather3A_306 : vector<16xf32>
      %add3A_308 = arith.addf %add3A_302, %mul3A_307 : vector<16xf32>
      %broadcast_in_dim3A_309 = arith.constant 20 : i32
      %broadcast_in_dim3A_310 = vector.broadcast %broadcast_in_dim3A_309 : i32 to vector<16xi32>
      %gather3A_311 = tpu.vector_load_idx %arg9[%add3A_188, %broadcast_in_dim3A_310] : memref<512x32xf32, #tpu.memory_space<vmem>>[vector<16xi32>, vector<16xi32>], vector<16xf32>,
      %gather3A_312 = tpu.vector_load_idx %arg10[%add3A_188, %broadcast_in_dim3A_310] : memref<512x32xf32, #tpu.memory_space<vmem>>[vector<16xi32>, vector<16xi32>], vector<16xf32>,
      %mul3A_313 = arith.mulf %gather3A_311, %gather3A_312 : vector<16xf32>
      %add3A_314 = arith.addf %add3A_308, %mul3A_313 : vector<16xf32>
      %broadcast_in_dim3A_315 = arith.constant 21 : i32
      %broadcast_in_dim3A_316 = vector.broadcast %broadcast_in_dim3A_315 : i32 to vector<16xi32>
      %gather3A_317 = tpu.vector_load_idx %arg9[%add3A_188, %broadcast_in_dim3A_316] : memref<512x32xf32, #tpu.memory_space<vmem>>[vector<16xi32>, vector<16xi32>], vector<16xf32>,
      %gather3A_318 = tpu.vector_load_idx %arg10[%add3A_188, %broadcast_in_dim3A_316] : memref<512x32xf32, #tpu.memory_space<vmem>>[vector<16xi32>, vector<16xi32>], vector<16xf32>,
      %mul3A_319 = arith.mulf %gather3A_317, %gather3A_318 : vector<16xf32>
      %add3A_320 = arith.addf %add3A_314, %mul3A_319 : vector<16xf32>
      %broadcast_in_dim3A_321 = arith.constant 22 : i32
      %broadcast_in_dim3A_322 = vector.broadcast %broadcast_in_dim3A_321 : i32 to vector<16xi32>
      %gather3A_323 = tpu.vector_load_idx %arg9[%add3A_188, %broadcast_in_dim3A_322] : memref<512x32xf32, #tpu.memory_space<vmem>>[vector<16xi32>, vector<16xi32>], vector<16xf32>,
      %gather3A_324 = tpu.vector_load_idx %arg10[%add3A_188, %broadcast_in_dim3A_322] : memref<512x32xf32, #tpu.memory_space<vmem>>[vector<16xi32>, vector<16xi32>], vector<16xf32>,
      %mul3A_325 = arith.mulf %gather3A_323, %gather3A_324 : vector<16xf32>
      %add3A_326 = arith.addf %add3A_320, %mul3A_325 : vector<16xf32>
      %broadcast_in_dim3A_327 = arith.constant 23 : i32
      %broadcast_in_dim3A_328 = vector.broadcast %broadcast_in_dim3A_327 : i32 to vector<16xi32>
      %gather3A_329 = tpu.vector_load_idx %arg9[%add3A_188, %broadcast_in_dim3A_328] : memref<512x32xf32, #tpu.memory_space<vmem>>[vector<16xi32>, vector<16xi32>], vector<16xf32>,
      %gather3A_330 = tpu.vector_load_idx %arg10[%add3A_188, %broadcast_in_dim3A_328] : memref<512x32xf32, #tpu.memory_space<vmem>>[vector<16xi32>, vector<16xi32>], vector<16xf32>,
      %mul3A_331 = arith.mulf %gather3A_329, %gather3A_330 : vector<16xf32>
      %add3A_332 = arith.addf %add3A_326, %mul3A_331 : vector<16xf32>
      %broadcast_in_dim3A_333 = arith.constant 24 : i32
      %broadcast_in_dim3A_334 = vector.broadcast %broadcast_in_dim3A_333 : i32 to vector<16xi32>
      %gather3A_335 = tpu.vector_load_idx %arg9[%add3A_188, %broadcast_in_dim3A_334] : memref<512x32xf32, #tpu.memory_space<vmem>>[vector<16xi32>, vector<16xi32>], vector<16xf32>,
      %gather3A_336 = tpu.vector_load_idx %arg10[%add3A_188, %broadcast_in_dim3A_334] : memref<512x32xf32, #tpu.memory_space<vmem>>[vector<16xi32>, vector<16xi32>], vector<16xf32>,
      %mul3A_337 = arith.mulf %gather3A_335, %gather3A_336 : vector<16xf32>
      %add3A_338 = arith.addf %add3A_332, %mul3A_337 : vector<16xf32>
      %broadcast_in_dim3A_339 = arith.constant 25 : i32
      %broadcast_in_dim3A_340 = vector.broadcast %broadcast_in_dim3A_339 : i32 to vector<16xi32>
      %gather3A_341 = tpu.vector_load_idx %arg9[%add3A_188, %broadcast_in_dim3A_340] : memref<512x32xf32, #tpu.memory_space<vmem>>[vector<16xi32>, vector<16xi32>], vector<16xf32>,
      %gather3A_342 = tpu.vector_load_idx %arg10[%add3A_188, %broadcast_in_dim3A_340] : memref<512x32xf32, #tpu.memory_space<vmem>>[vector<16xi32>, vector<16xi32>], vector<16xf32>,
      %mul3A_343 = arith.mulf %gather3A_341, %gather3A_342 : vector<16xf32>
      %add3A_344 = arith.addf %add3A_338, %mul3A_343 : vector<16xf32>
      %broadcast_in_dim3A_345 = arith.constant 26 : i32
      %broadcast_in_dim3A_346 = vector.broadcast %broadcast_in_dim3A_345 : i32 to vector<16xi32>
      %gather3A_347 = tpu.vector_load_idx %arg9[%add3A_188, %broadcast_in_dim3A_346] : memref<512x32xf32, #tpu.memory_space<vmem>>[vector<16xi32>, vector<16xi32>], vector<16xf32>,
      %gather3A_348 = tpu.vector_load_idx %arg10[%add3A_188, %broadcast_in_dim3A_346] : memref<512x32xf32, #tpu.memory_space<vmem>>[vector<16xi32>, vector<16xi32>], vector<16xf32>,
      %mul3A_349 = arith.mulf %gather3A_347, %gather3A_348 : vector<16xf32>
      %add3A_350 = arith.addf %add3A_344, %mul3A_349 : vector<16xf32>
      %broadcast_in_dim3A_351 = arith.constant 27 : i32
      %broadcast_in_dim3A_352 = vector.broadcast %broadcast_in_dim3A_351 : i32 to vector<16xi32>
      %gather3A_353 = tpu.vector_load_idx %arg9[%add3A_188, %broadcast_in_dim3A_352] : memref<512x32xf32, #tpu.memory_space<vmem>>[vector<16xi32>, vector<16xi32>], vector<16xf32>,
      %gather3A_354 = tpu.vector_load_idx %arg10[%add3A_188, %broadcast_in_dim3A_352] : memref<512x32xf32, #tpu.memory_space<vmem>>[vector<16xi32>, vector<16xi32>], vector<16xf32>,
      %mul3A_355 = arith.mulf %gather3A_353, %gather3A_354 : vector<16xf32>
      %add3A_356 = arith.addf %add3A_350, %mul3A_355 : vector<16xf32>
      %broadcast_in_dim3A_357 = arith.constant 28 : i32
      %broadcast_in_dim3A_358 = vector.broadcast %broadcast_in_dim3A_357 : i32 to vector<16xi32>
      %gather3A_359 = tpu.vector_load_idx %arg9[%add3A_188, %broadcast_in_dim3A_358] : memref<512x32xf32, #tpu.memory_space<vmem>>[vector<16xi32>, vector<16xi32>], vector<16xf32>,
      %gather3A_360 = tpu.vector_load_idx %arg10[%add3A_188, %broadcast_in_dim3A_358] : memref<512x32xf32, #tpu.memory_space<vmem>>[vector<16xi32>, vector<16xi32>], vector<16xf32>,
      %mul3A_361 = arith.mulf %gather3A_359, %gather3A_360 : vector<16xf32>
      %add3A_362 = arith.addf %add3A_356, %mul3A_361 : vector<16xf32>
      %broadcast_in_dim3A_363 = arith.constant 29 : i32
      %broadcast_in_dim3A_364 = vector.broadcast %broadcast_in_dim3A_363 : i32 to vector<16xi32>
      %gather3A_365 = tpu.vector_load_idx %arg9[%add3A_188, %broadcast_in_dim3A_364] : memref<512x32xf32, #tpu.memory_space<vmem>>[vector<16xi32>, vector<16xi32>], vector<16xf32>,
      %gather3A_366 = tpu.vector_load_idx %arg10[%add3A_188, %broadcast_in_dim3A_364] : memref<512x32xf32, #tpu.memory_space<vmem>>[vector<16xi32>, vector<16xi32>], vector<16xf32>,
      %mul3A_367 = arith.mulf %gather3A_365, %gather3A_366 : vector<16xf32>
      %add3A_368 = arith.addf %add3A_362, %mul3A_367 : vector<16xf32>
      %broadcast_in_dim3A_369 = arith.constant 30 : i32
      %broadcast_in_dim3A_370 = vector.broadcast %broadcast_in_dim3A_369 : i32 to vector<16xi32>
      %gather3A_371 = tpu.vector_load_idx %arg9[%add3A_188, %broadcast_in_dim3A_370] : memref<512x32xf32, #tpu.memory_space<vmem>>[vector<16xi32>, vector<16xi32>], vector<16xf32>,
      %gather3A_372 = tpu.vector_load_idx %arg10[%add3A_188, %broadcast_in_dim3A_370] : memref<512x32xf32, #tpu.memory_space<vmem>>[vector<16xi32>, vector<16xi32>], vector<16xf32>,
      %mul3A_373 = arith.mulf %gather3A_371, %gather3A_372 : vector<16xf32>
      %add3A_374 = arith.addf %add3A_368, %mul3A_373 : vector<16xf32>
      %broadcast_in_dim3A_375 = arith.constant 31 : i32
      %broadcast_in_dim3A_376 = vector.broadcast %broadcast_in_dim3A_375 : i32 to vector<16xi32>
      %gather3A_377 = tpu.vector_load_idx %arg9[%add3A_188, %broadcast_in_dim3A_376] : memref<512x32xf32, #tpu.memory_space<vmem>>[vector<16xi32>, vector<16xi32>], vector<16xf32>,
      %gather3A_378 = tpu.vector_load_idx %arg10[%add3A_188, %broadcast_in_dim3A_376] : memref<512x32xf32, #tpu.memory_space<vmem>>[vector<16xi32>, vector<16xi32>], vector<16xf32>,
      %mul3A_379 = arith.mulf %gather3A_377, %gather3A_378 : vector<16xf32>
      %add3A_380 = arith.addf %add3A_374, %mul3A_379 : vector<16xf32>
      %mul3A_381 = arith.constant 16 : i32
      %mul3A_382 = arith.muli %scan3A_184, %mul3A_381 : i32
      %swap3A = arith.index_cast %mul3A_382 : i32 to index
      %swap3A_383 = tpu.vector_load %arg11[%swap3A] {strides = array<i32>} : memref<512xf32, #tpu.memory_space<vmem>>, vector<16xf32>,
      tpu.vector_store %arg11[%swap3A], %add3A_380 {strides = array<i32>} : memref<512xf32, #tpu.memory_space<vmem>>, vector<16xf32>,
    }
    %scan3A_157 = arith.constant 8 : i32
    %dma_wait3A_158 = arith.constant 3 : i32
    %dma_wait3A_159 = arith.constant 384 : i32
    %dma_wait3A_160 = arith.constant 0 : i32
    %dma_wait3A_161 = tpu.memref_slice %arg9[%dma_wait3A_159, %dma_wait3A_160] : memref<512x32xf32, #tpu.memory_space<vmem>> -> memref<128x32xf32, #tpu.memory_space<vmem>>
    %dma_wait3A_162 = arith.constant 0 : i32
    %dma_wait3A_163 = tpu.memref_slice %arg7[%dma_wait3A_158, %dma_wait3A_162] : memref<4x128xi32, #tpu.memory_space<vmem>> -> memref<1x128xi32, #tpu.memory_space<vmem>>
    %dma_wait3A_164 = tpu.memref_squeeze %dma_wait3A_163 : memref<1x128xi32, #tpu.memory_space<vmem>> -> memref<128xi32, #tpu.memory_space<vmem>>
    %dma_wait3A_165 = arith.constant 0 : i32
    %dma_wait3A_166 = arith.constant 0 : i32
    %dma_wait3A_167 = tpu.memref_slice %arg4[%dma_wait3A_165, %dma_wait3A_166] : memref<100000x32xf32, #tpu.memory_space<hbm>> -> memref<100000x32xf32, #tpu.memory_space<hbm>>
    tpu.wait_indirect_dma semaphore(%arg12 : memref<!tpu.dma_semaphore, #tpu.memory_space<semaphore_mem>>) src(%dma_wait3A_167 : memref<100000x32xf32, #tpu.memory_space<hbm>>) dst(%dma_wait3A_161 : memref<128x32xf32, #tpu.memory_space<vmem>>)
    %dma_wait3A_168 = arith.constant 3 : i32
    %dma_wait3A_169 = arith.constant 384 : i32
    %dma_wait3A_170 = arith.constant 0 : i32
    %dma_wait3A_171 = tpu.memref_slice %arg10[%dma_wait3A_169, %dma_wait3A_170] : memref<512x32xf32, #tpu.memory_space<vmem>> -> memref<128x32xf32, #tpu.memory_space<vmem>>
    %dma_wait3A_172 = arith.constant 0 : i32
    %dma_wait3A_173 = tpu.memref_slice %arg8[%dma_wait3A_168, %dma_wait3A_172] : memref<4x128xi32, #tpu.memory_space<vmem>> -> memref<1x128xi32, #tpu.memory_space<vmem>>
    %dma_wait3A_174 = tpu.memref_squeeze %dma_wait3A_173 : memref<1x128xi32, #tpu.memory_space<vmem>> -> memref<128xi32, #tpu.memory_space<vmem>>
    %dma_wait3A_175 = arith.constant 0 : i32
    %dma_wait3A_176 = arith.constant 0 : i32
    %dma_wait3A_177 = tpu.memref_slice %arg5[%dma_wait3A_175, %dma_wait3A_176] : memref<100000x32xf32, #tpu.memory_space<hbm>> -> memref<100000x32xf32, #tpu.memory_space<hbm>>
    tpu.wait_indirect_dma semaphore(%arg13 : memref<!tpu.dma_semaphore, #tpu.memory_space<semaphore_mem>>) src(%dma_wait3A_177 : memref<100000x32xf32, #tpu.memory_space<hbm>>) dst(%dma_wait3A_171 : memref<128x32xf32, #tpu.memory_space<vmem>>)
    %scan3A_178 = arith.constant 0 : i32
    %scan3A_179 = arith.constant 24 : i32
    %scan3A_180 = arith.constant 8 : i32
    %scan3A_181 = arith.addi %scan3A_179, %scan3A_180 : i32
    %scan3A_182 = arith.constant 1 : i32
    scf.for %scan3A_184 = %scan3A_179 to %scan3A_181 step %scan3A_182  : i32 {
      %mul3A_185 = arith.constant 16 : i32
      %mul3A_186 = arith.muli %scan3A_184, %mul3A_185 : i32
      %add3A_187 = vector.broadcast %mul3A_186 : i32 to vector<16xi32>
      %add3A_188 = arith.addi %add3A_187, %iota3A : vector<16xi32>
      %broadcast_in_dim3A = arith.constant 0.000000e+00 : f32
      %broadcast_in_dim3A_189 = vector.broadcast %broadcast_in_dim3A : f32 to vector<16xf32>
      %broadcast_in_dim3A_190 = arith.constant 0 : i32
      %broadcast_in_dim3A_191 = vector.broadcast %broadcast_in_dim3A_190 : i32 to vector<16xi32>
      %gather3A = tpu.vector_load_idx %arg9[%add3A_188, %broadcast_in_dim3A_191] : memref<512x32xf32, #tpu.memory_space<vmem>>[vector<16xi32>, vector<16xi32>], vector<16xf32>,
      %gather3A_192 = tpu.vector_load_idx %arg10[%add3A_188, %broadcast_in_dim3A_191] : memref<512x32xf32, #tpu.memory_space<vmem>>[vector<16xi32>, vector<16xi32>], vector<16xf32>,
      %mul3A_193 = arith.mulf %gather3A, %gather3A_192 : vector<16xf32>
      %add3A_194 = arith.addf %broadcast_in_dim3A_189, %mul3A_193 : vector<16xf32>
      %broadcast_in_dim3A_195 = arith.constant 1 : i32
      %broadcast_in_dim3A_196 = vector.broadcast %broadcast_in_dim3A_195 : i32 to vector<16xi32>
      %gather3A_197 = tpu.vector_load_idx %arg9[%add3A_188, %broadcast_in_dim3A_196] : memref<512x32xf32, #tpu.memory_space<vmem>>[vector<16xi32>, vector<16xi32>], vector<16xf32>,
      %gather3A_198 = tpu.vector_load_idx %arg10[%add3A_188, %broadcast_in_dim3A_196] : memref<512x32xf32, #tpu.memory_space<vmem>>[vector<16xi32>, vector<16xi32>], vector<16xf32>,
      %mul3A_199 = arith.mulf %gather3A_197, %gather3A_198 : vector<16xf32>
      %add3A_200 = arith.addf %add3A_194, %mul3A_199 : vector<16xf32>
      %broadcast_in_dim3A_201 = arith.constant 2 : i32
      %broadcast_in_dim3A_202 = vector.broadcast %broadcast_in_dim3A_201 : i32 to vector<16xi32>
      %gather3A_203 = tpu.vector_load_idx %arg9[%add3A_188, %broadcast_in_dim3A_202] : memref<512x32xf32, #tpu.memory_space<vmem>>[vector<16xi32>, vector<16xi32>], vector<16xf32>,
      %gather3A_204 = tpu.vector_load_idx %arg10[%add3A_188, %broadcast_in_dim3A_202] : memref<512x32xf32, #tpu.memory_space<vmem>>[vector<16xi32>, vector<16xi32>], vector<16xf32>,
      %mul3A_205 = arith.mulf %gather3A_203, %gather3A_204 : vector<16xf32>
      %add3A_206 = arith.addf %add3A_200, %mul3A_205 : vector<16xf32>
      %broadcast_in_dim3A_207 = arith.constant 3 : i32
      %broadcast_in_dim3A_208 = vector.broadcast %broadcast_in_dim3A_207 : i32 to vector<16xi32>
      %gather3A_209 = tpu.vector_load_idx %arg9[%add3A_188, %broadcast_in_dim3A_208] : memref<512x32xf32, #tpu.memory_space<vmem>>[vector<16xi32>, vector<16xi32>], vector<16xf32>,
      %gather3A_210 = tpu.vector_load_idx %arg10[%add3A_188, %broadcast_in_dim3A_208] : memref<512x32xf32, #tpu.memory_space<vmem>>[vector<16xi32>, vector<16xi32>], vector<16xf32>,
      %mul3A_211 = arith.mulf %gather3A_209, %gather3A_210 : vector<16xf32>
      %add3A_212 = arith.addf %add3A_206, %mul3A_211 : vector<16xf32>
      %broadcast_in_dim3A_213 = arith.constant 4 : i32
      %broadcast_in_dim3A_214 = vector.broadcast %broadcast_in_dim3A_213 : i32 to vector<16xi32>
      %gather3A_215 = tpu.vector_load_idx %arg9[%add3A_188, %broadcast_in_dim3A_214] : memref<512x32xf32, #tpu.memory_space<vmem>>[vector<16xi32>, vector<16xi32>], vector<16xf32>,
      %gather3A_216 = tpu.vector_load_idx %arg10[%add3A_188, %broadcast_in_dim3A_214] : memref<512x32xf32, #tpu.memory_space<vmem>>[vector<16xi32>, vector<16xi32>], vector<16xf32>,
      %mul3A_217 = arith.mulf %gather3A_215, %gather3A_216 : vector<16xf32>
      %add3A_218 = arith.addf %add3A_212, %mul3A_217 : vector<16xf32>
      %broadcast_in_dim3A_219 = arith.constant 5 : i32
      %broadcast_in_dim3A_220 = vector.broadcast %broadcast_in_dim3A_219 : i32 to vector<16xi32>
      %gather3A_221 = tpu.vector_load_idx %arg9[%add3A_188, %broadcast_in_dim3A_220] : memref<512x32xf32, #tpu.memory_space<vmem>>[vector<16xi32>, vector<16xi32>], vector<16xf32>,
      %gather3A_222 = tpu.vector_load_idx %arg10[%add3A_188, %broadcast_in_dim3A_220] : memref<512x32xf32, #tpu.memory_space<vmem>>[vector<16xi32>, vector<16xi32>], vector<16xf32>,
      %mul3A_223 = arith.mulf %gather3A_221, %gather3A_222 : vector<16xf32>
      %add3A_224 = arith.addf %add3A_218, %mul3A_223 : vector<16xf32>
      %broadcast_in_dim3A_225 = arith.constant 6 : i32
      %broadcast_in_dim3A_226 = vector.broadcast %broadcast_in_dim3A_225 : i32 to vector<16xi32>
      %gather3A_227 = tpu.vector_load_idx %arg9[%add3A_188, %broadcast_in_dim3A_226] : memref<512x32xf32, #tpu.memory_space<vmem>>[vector<16xi32>, vector<16xi32>], vector<16xf32>,
      %gather3A_228 = tpu.vector_load_idx %arg10[%add3A_188, %broadcast_in_dim3A_226] : memref<512x32xf32, #tpu.memory_space<vmem>>[vector<16xi32>, vector<16xi32>], vector<16xf32>,
      %mul3A_229 = arith.mulf %gather3A_227, %gather3A_228 : vector<16xf32>
      %add3A_230 = arith.addf %add3A_224, %mul3A_229 : vector<16xf32>
      %broadcast_in_dim3A_231 = arith.constant 7 : i32
      %broadcast_in_dim3A_232 = vector.broadcast %broadcast_in_dim3A_231 : i32 to vector<16xi32>
      %gather3A_233 = tpu.vector_load_idx %arg9[%add3A_188, %broadcast_in_dim3A_232] : memref<512x32xf32, #tpu.memory_space<vmem>>[vector<16xi32>, vector<16xi32>], vector<16xf32>,
      %gather3A_234 = tpu.vector_load_idx %arg10[%add3A_188, %broadcast_in_dim3A_232] : memref<512x32xf32, #tpu.memory_space<vmem>>[vector<16xi32>, vector<16xi32>], vector<16xf32>,
      %mul3A_235 = arith.mulf %gather3A_233, %gather3A_234 : vector<16xf32>
      %add3A_236 = arith.addf %add3A_230, %mul3A_235 : vector<16xf32>
      %broadcast_in_dim3A_237 = arith.constant 8 : i32
      %broadcast_in_dim3A_238 = vector.broadcast %broadcast_in_dim3A_237 : i32 to vector<16xi32>
      %gather3A_239 = tpu.vector_load_idx %arg9[%add3A_188, %broadcast_in_dim3A_238] : memref<512x32xf32, #tpu.memory_space<vmem>>[vector<16xi32>, vector<16xi32>], vector<16xf32>,
      %gather3A_240 = tpu.vector_load_idx %arg10[%add3A_188, %broadcast_in_dim3A_238] : memref<512x32xf32, #tpu.memory_space<vmem>>[vector<16xi32>, vector<16xi32>], vector<16xf32>,
      %mul3A_241 = arith.mulf %gather3A_239, %gather3A_240 : vector<16xf32>
      %add3A_242 = arith.addf %add3A_236, %mul3A_241 : vector<16xf32>
      %broadcast_in_dim3A_243 = arith.constant 9 : i32
      %broadcast_in_dim3A_244 = vector.broadcast %broadcast_in_dim3A_243 : i32 to vector<16xi32>
      %gather3A_245 = tpu.vector_load_idx %arg9[%add3A_188, %broadcast_in_dim3A_244] : memref<512x32xf32, #tpu.memory_space<vmem>>[vector<16xi32>, vector<16xi32>], vector<16xf32>,
      %gather3A_246 = tpu.vector_load_idx %arg10[%add3A_188, %broadcast_in_dim3A_244] : memref<512x32xf32, #tpu.memory_space<vmem>>[vector<16xi32>, vector<16xi32>], vector<16xf32>,
      %mul3A_247 = arith.mulf %gather3A_245, %gather3A_246 : vector<16xf32>
      %add3A_248 = arith.addf %add3A_242, %mul3A_247 : vector<16xf32>
      %broadcast_in_dim3A_249 = arith.constant 10 : i32
      %broadcast_in_dim3A_250 = vector.broadcast %broadcast_in_dim3A_249 : i32 to vector<16xi32>
      %gather3A_251 = tpu.vector_load_idx %arg9[%add3A_188, %broadcast_in_dim3A_250] : memref<512x32xf32, #tpu.memory_space<vmem>>[vector<16xi32>, vector<16xi32>], vector<16xf32>,
      %gather3A_252 = tpu.vector_load_idx %arg10[%add3A_188, %broadcast_in_dim3A_250] : memref<512x32xf32, #tpu.memory_space<vmem>>[vector<16xi32>, vector<16xi32>], vector<16xf32>,
      %mul3A_253 = arith.mulf %gather3A_251, %gather3A_252 : vector<16xf32>
      %add3A_254 = arith.addf %add3A_248, %mul3A_253 : vector<16xf32>
      %broadcast_in_dim3A_255 = arith.constant 11 : i32
      %broadcast_in_dim3A_256 = vector.broadcast %broadcast_in_dim3A_255 : i32 to vector<16xi32>
      %gather3A_257 = tpu.vector_load_idx %arg9[%add3A_188, %broadcast_in_dim3A_256] : memref<512x32xf32, #tpu.memory_space<vmem>>[vector<16xi32>, vector<16xi32>], vector<16xf32>,
      %gather3A_258 = tpu.vector_load_idx %arg10[%add3A_188, %broadcast_in_dim3A_256] : memref<512x32xf32, #tpu.memory_space<vmem>>[vector<16xi32>, vector<16xi32>], vector<16xf32>,
      %mul3A_259 = arith.mulf %gather3A_257, %gather3A_258 : vector<16xf32>
      %add3A_260 = arith.addf %add3A_254, %mul3A_259 : vector<16xf32>
      %broadcast_in_dim3A_261 = arith.constant 12 : i32
      %broadcast_in_dim3A_262 = vector.broadcast %broadcast_in_dim3A_261 : i32 to vector<16xi32>
      %gather3A_263 = tpu.vector_load_idx %arg9[%add3A_188, %broadcast_in_dim3A_262] : memref<512x32xf32, #tpu.memory_space<vmem>>[vector<16xi32>, vector<16xi32>], vector<16xf32>,
      %gather3A_264 = tpu.vector_load_idx %arg10[%add3A_188, %broadcast_in_dim3A_262] : memref<512x32xf32, #tpu.memory_space<vmem>>[vector<16xi32>, vector<16xi32>], vector<16xf32>,
      %mul3A_265 = arith.mulf %gather3A_263, %gather3A_264 : vector<16xf32>
      %add3A_266 = arith.addf %add3A_260, %mul3A_265 : vector<16xf32>
      %broadcast_in_dim3A_267 = arith.constant 13 : i32
      %broadcast_in_dim3A_268 = vector.broadcast %broadcast_in_dim3A_267 : i32 to vector<16xi32>
      %gather3A_269 = tpu.vector_load_idx %arg9[%add3A_188, %broadcast_in_dim3A_268] : memref<512x32xf32, #tpu.memory_space<vmem>>[vector<16xi32>, vector<16xi32>], vector<16xf32>,
      %gather3A_270 = tpu.vector_load_idx %arg10[%add3A_188, %broadcast_in_dim3A_268] : memref<512x32xf32, #tpu.memory_space<vmem>>[vector<16xi32>, vector<16xi32>], vector<16xf32>,
      %mul3A_271 = arith.mulf %gather3A_269, %gather3A_270 : vector<16xf32>
      %add3A_272 = arith.addf %add3A_266, %mul3A_271 : vector<16xf32>
      %broadcast_in_dim3A_273 = arith.constant 14 : i32
      %broadcast_in_dim3A_274 = vector.broadcast %broadcast_in_dim3A_273 : i32 to vector<16xi32>
      %gather3A_275 = tpu.vector_load_idx %arg9[%add3A_188, %broadcast_in_dim3A_274] : memref<512x32xf32, #tpu.memory_space<vmem>>[vector<16xi32>, vector<16xi32>], vector<16xf32>,
      %gather3A_276 = tpu.vector_load_idx %arg10[%add3A_188, %broadcast_in_dim3A_274] : memref<512x32xf32, #tpu.memory_space<vmem>>[vector<16xi32>, vector<16xi32>], vector<16xf32>,
      %mul3A_277 = arith.mulf %gather3A_275, %gather3A_276 : vector<16xf32>
      %add3A_278 = arith.addf %add3A_272, %mul3A_277 : vector<16xf32>
      %broadcast_in_dim3A_279 = arith.constant 15 : i32
      %broadcast_in_dim3A_280 = vector.broadcast %broadcast_in_dim3A_279 : i32 to vector<16xi32>
      %gather3A_281 = tpu.vector_load_idx %arg9[%add3A_188, %broadcast_in_dim3A_280] : memref<512x32xf32, #tpu.memory_space<vmem>>[vector<16xi32>, vector<16xi32>], vector<16xf32>,
      %gather3A_282 = tpu.vector_load_idx %arg10[%add3A_188, %broadcast_in_dim3A_280] : memref<512x32xf32, #tpu.memory_space<vmem>>[vector<16xi32>, vector<16xi32>], vector<16xf32>,
      %mul3A_283 = arith.mulf %gather3A_281, %gather3A_282 : vector<16xf32>
      %add3A_284 = arith.addf %add3A_278, %mul3A_283 : vector<16xf32>
      %broadcast_in_dim3A_285 = arith.constant 16 : i32
      %broadcast_in_dim3A_286 = vector.broadcast %broadcast_in_dim3A_285 : i32 to vector<16xi32>
      %gather3A_287 = tpu.vector_load_idx %arg9[%add3A_188, %broadcast_in_dim3A_286] : memref<512x32xf32, #tpu.memory_space<vmem>>[vector<16xi32>, vector<16xi32>], vector<16xf32>,
      %gather3A_288 = tpu.vector_load_idx %arg10[%add3A_188, %broadcast_in_dim3A_286] : memref<512x32xf32, #tpu.memory_space<vmem>>[vector<16xi32>, vector<16xi32>], vector<16xf32>,
      %mul3A_289 = arith.mulf %gather3A_287, %gather3A_288 : vector<16xf32>
      %add3A_290 = arith.addf %add3A_284, %mul3A_289 : vector<16xf32>
      %broadcast_in_dim3A_291 = arith.constant 17 : i32
      %broadcast_in_dim3A_292 = vector.broadcast %broadcast_in_dim3A_291 : i32 to vector<16xi32>
      %gather3A_293 = tpu.vector_load_idx %arg9[%add3A_188, %broadcast_in_dim3A_292] : memref<512x32xf32, #tpu.memory_space<vmem>>[vector<16xi32>, vector<16xi32>], vector<16xf32>,
      %gather3A_294 = tpu.vector_load_idx %arg10[%add3A_188, %broadcast_in_dim3A_292] : memref<512x32xf32, #tpu.memory_space<vmem>>[vector<16xi32>, vector<16xi32>], vector<16xf32>,
      %mul3A_295 = arith.mulf %gather3A_293, %gather3A_294 : vector<16xf32>
      %add3A_296 = arith.addf %add3A_290, %mul3A_295 : vector<16xf32>
      %broadcast_in_dim3A_297 = arith.constant 18 : i32
      %broadcast_in_dim3A_298 = vector.broadcast %broadcast_in_dim3A_297 : i32 to vector<16xi32>
      %gather3A_299 = tpu.vector_load_idx %arg9[%add3A_188, %broadcast_in_dim3A_298] : memref<512x32xf32, #tpu.memory_space<vmem>>[vector<16xi32>, vector<16xi32>], vector<16xf32>,
      %gather3A_300 = tpu.vector_load_idx %arg10[%add3A_188, %broadcast_in_dim3A_298] : memref<512x32xf32, #tpu.memory_space<vmem>>[vector<16xi32>, vector<16xi32>], vector<16xf32>,
      %mul3A_301 = arith.mulf %gather3A_299, %gather3A_300 : vector<16xf32>
      %add3A_302 = arith.addf %add3A_296, %mul3A_301 : vector<16xf32>
      %broadcast_in_dim3A_303 = arith.constant 19 : i32
      %broadcast_in_dim3A_304 = vector.broadcast %broadcast_in_dim3A_303 : i32 to vector<16xi32>
      %gather3A_305 = tpu.vector_load_idx %arg9[%add3A_188, %broadcast_in_dim3A_304] : memref<512x32xf32, #tpu.memory_space<vmem>>[vector<16xi32>, vector<16xi32>], vector<16xf32>,
      %gather3A_306 = tpu.vector_load_idx %arg10[%add3A_188, %broadcast_in_dim3A_304] : memref<512x32xf32, #tpu.memory_space<vmem>>[vector<16xi32>, vector<16xi32>], vector<16xf32>,
      %mul3A_307 = arith.mulf %gather3A_305, %gather3A_306 : vector<16xf32>
      %add3A_308 = arith.addf %add3A_302, %mul3A_307 : vector<16xf32>
      %broadcast_in_dim3A_309 = arith.constant 20 : i32
      %broadcast_in_dim3A_310 = vector.broadcast %broadcast_in_dim3A_309 : i32 to vector<16xi32>
      %gather3A_311 = tpu.vector_load_idx %arg9[%add3A_188, %broadcast_in_dim3A_310] : memref<512x32xf32, #tpu.memory_space<vmem>>[vector<16xi32>, vector<16xi32>], vector<16xf32>,
      %gather3A_312 = tpu.vector_load_idx %arg10[%add3A_188, %broadcast_in_dim3A_310] : memref<512x32xf32, #tpu.memory_space<vmem>>[vector<16xi32>, vector<16xi32>], vector<16xf32>,
      %mul3A_313 = arith.mulf %gather3A_311, %gather3A_312 : vector<16xf32>
      %add3A_314 = arith.addf %add3A_308, %mul3A_313 : vector<16xf32>
      %broadcast_in_dim3A_315 = arith.constant 21 : i32
      %broadcast_in_dim3A_316 = vector.broadcast %broadcast_in_dim3A_315 : i32 to vector<16xi32>
      %gather3A_317 = tpu.vector_load_idx %arg9[%add3A_188, %broadcast_in_dim3A_316] : memref<512x32xf32, #tpu.memory_space<vmem>>[vector<16xi32>, vector<16xi32>], vector<16xf32>,
      %gather3A_318 = tpu.vector_load_idx %arg10[%add3A_188, %broadcast_in_dim3A_316] : memref<512x32xf32, #tpu.memory_space<vmem>>[vector<16xi32>, vector<16xi32>], vector<16xf32>,
      %mul3A_319 = arith.mulf %gather3A_317, %gather3A_318 : vector<16xf32>
      %add3A_320 = arith.addf %add3A_314, %mul3A_319 : vector<16xf32>
      %broadcast_in_dim3A_321 = arith.constant 22 : i32
      %broadcast_in_dim3A_322 = vector.broadcast %broadcast_in_dim3A_321 : i32 to vector<16xi32>
      %gather3A_323 = tpu.vector_load_idx %arg9[%add3A_188, %broadcast_in_dim3A_322] : memref<512x32xf32, #tpu.memory_space<vmem>>[vector<16xi32>, vector<16xi32>], vector<16xf32>,
      %gather3A_324 = tpu.vector_load_idx %arg10[%add3A_188, %broadcast_in_dim3A_322] : memref<512x32xf32, #tpu.memory_space<vmem>>[vector<16xi32>, vector<16xi32>], vector<16xf32>,
      %mul3A_325 = arith.mulf %gather3A_323, %gather3A_324 : vector<16xf32>
      %add3A_326 = arith.addf %add3A_320, %mul3A_325 : vector<16xf32>
      %broadcast_in_dim3A_327 = arith.constant 23 : i32
      %broadcast_in_dim3A_328 = vector.broadcast %broadcast_in_dim3A_327 : i32 to vector<16xi32>
      %gather3A_329 = tpu.vector_load_idx %arg9[%add3A_188, %broadcast_in_dim3A_328] : memref<512x32xf32, #tpu.memory_space<vmem>>[vector<16xi32>, vector<16xi32>], vector<16xf32>,
      %gather3A_330 = tpu.vector_load_idx %arg10[%add3A_188, %broadcast_in_dim3A_328] : memref<512x32xf32, #tpu.memory_space<vmem>>[vector<16xi32>, vector<16xi32>], vector<16xf32>,
      %mul3A_331 = arith.mulf %gather3A_329, %gather3A_330 : vector<16xf32>
      %add3A_332 = arith.addf %add3A_326, %mul3A_331 : vector<16xf32>
      %broadcast_in_dim3A_333 = arith.constant 24 : i32
      %broadcast_in_dim3A_334 = vector.broadcast %broadcast_in_dim3A_333 : i32 to vector<16xi32>
      %gather3A_335 = tpu.vector_load_idx %arg9[%add3A_188, %broadcast_in_dim3A_334] : memref<512x32xf32, #tpu.memory_space<vmem>>[vector<16xi32>, vector<16xi32>], vector<16xf32>,
      %gather3A_336 = tpu.vector_load_idx %arg10[%add3A_188, %broadcast_in_dim3A_334] : memref<512x32xf32, #tpu.memory_space<vmem>>[vector<16xi32>, vector<16xi32>], vector<16xf32>,
      %mul3A_337 = arith.mulf %gather3A_335, %gather3A_336 : vector<16xf32>
      %add3A_338 = arith.addf %add3A_332, %mul3A_337 : vector<16xf32>
      %broadcast_in_dim3A_339 = arith.constant 25 : i32
      %broadcast_in_dim3A_340 = vector.broadcast %broadcast_in_dim3A_339 : i32 to vector<16xi32>
      %gather3A_341 = tpu.vector_load_idx %arg9[%add3A_188, %broadcast_in_dim3A_340] : memref<512x32xf32, #tpu.memory_space<vmem>>[vector<16xi32>, vector<16xi32>], vector<16xf32>,
      %gather3A_342 = tpu.vector_load_idx %arg10[%add3A_188, %broadcast_in_dim3A_340] : memref<512x32xf32, #tpu.memory_space<vmem>>[vector<16xi32>, vector<16xi32>], vector<16xf32>,
      %mul3A_343 = arith.mulf %gather3A_341, %gather3A_342 : vector<16xf32>
      %add3A_344 = arith.addf %add3A_338, %mul3A_343 : vector<16xf32>
      %broadcast_in_dim3A_345 = arith.constant 26 : i32
      %broadcast_in_dim3A_346 = vector.broadcast %broadcast_in_dim3A_345 : i32 to vector<16xi32>
      %gather3A_347 = tpu.vector_load_idx %arg9[%add3A_188, %broadcast_in_dim3A_346] : memref<512x32xf32, #tpu.memory_space<vmem>>[vector<16xi32>, vector<16xi32>], vector<16xf32>,
      %gather3A_348 = tpu.vector_load_idx %arg10[%add3A_188, %broadcast_in_dim3A_346] : memref<512x32xf32, #tpu.memory_space<vmem>>[vector<16xi32>, vector<16xi32>], vector<16xf32>,
      %mul3A_349 = arith.mulf %gather3A_347, %gather3A_348 : vector<16xf32>
      %add3A_350 = arith.addf %add3A_344, %mul3A_349 : vector<16xf32>
      %broadcast_in_dim3A_351 = arith.constant 27 : i32
      %broadcast_in_dim3A_352 = vector.broadcast %broadcast_in_dim3A_351 : i32 to vector<16xi32>
      %gather3A_353 = tpu.vector_load_idx %arg9[%add3A_188, %broadcast_in_dim3A_352] : memref<512x32xf32, #tpu.memory_space<vmem>>[vector<16xi32>, vector<16xi32>], vector<16xf32>,
      %gather3A_354 = tpu.vector_load_idx %arg10[%add3A_188, %broadcast_in_dim3A_352] : memref<512x32xf32, #tpu.memory_space<vmem>>[vector<16xi32>, vector<16xi32>], vector<16xf32>,
      %mul3A_355 = arith.mulf %gather3A_353, %gather3A_354 : vector<16xf32>
      %add3A_356 = arith.addf %add3A_350, %mul3A_355 : vector<16xf32>
      %broadcast_in_dim3A_357 = arith.constant 28 : i32
      %broadcast_in_dim3A_358 = vector.broadcast %broadcast_in_dim3A_357 : i32 to vector<16xi32>
      %gather3A_359 = tpu.vector_load_idx %arg9[%add3A_188, %broadcast_in_dim3A_358] : memref<512x32xf32, #tpu.memory_space<vmem>>[vector<16xi32>, vector<16xi32>], vector<16xf32>,
      %gather3A_360 = tpu.vector_load_idx %arg10[%add3A_188, %broadcast_in_dim3A_358] : memref<512x32xf32, #tpu.memory_space<vmem>>[vector<16xi32>, vector<16xi32>], vector<16xf32>,
      %mul3A_361 = arith.mulf %gather3A_359, %gather3A_360 : vector<16xf32>
      %add3A_362 = arith.addf %add3A_356, %mul3A_361 : vector<16xf32>
      %broadcast_in_dim3A_363 = arith.constant 29 : i32
      %broadcast_in_dim3A_364 = vector.broadcast %broadcast_in_dim3A_363 : i32 to vector<16xi32>
      %gather3A_365 = tpu.vector_load_idx %arg9[%add3A_188, %broadcast_in_dim3A_364] : memref<512x32xf32, #tpu.memory_space<vmem>>[vector<16xi32>, vector<16xi32>], vector<16xf32>,
      %gather3A_366 = tpu.vector_load_idx %arg10[%add3A_188, %broadcast_in_dim3A_364] : memref<512x32xf32, #tpu.memory_space<vmem>>[vector<16xi32>, vector<16xi32>], vector<16xf32>,
      %mul3A_367 = arith.mulf %gather3A_365, %gather3A_366 : vector<16xf32>
      %add3A_368 = arith.addf %add3A_362, %mul3A_367 : vector<16xf32>
      %broadcast_in_dim3A_369 = arith.constant 30 : i32
      %broadcast_in_dim3A_370 = vector.broadcast %broadcast_in_dim3A_369 : i32 to vector<16xi32>
      %gather3A_371 = tpu.vector_load_idx %arg9[%add3A_188, %broadcast_in_dim3A_370] : memref<512x32xf32, #tpu.memory_space<vmem>>[vector<16xi32>, vector<16xi32>], vector<16xf32>,
      %gather3A_372 = tpu.vector_load_idx %arg10[%add3A_188, %broadcast_in_dim3A_370] : memref<512x32xf32, #tpu.memory_space<vmem>>[vector<16xi32>, vector<16xi32>], vector<16xf32>,
      %mul3A_373 = arith.mulf %gather3A_371, %gather3A_372 : vector<16xf32>
      %add3A_374 = arith.addf %add3A_368, %mul3A_373 : vector<16xf32>
      %broadcast_in_dim3A_375 = arith.constant 31 : i32
      %broadcast_in_dim3A_376 = vector.broadcast %broadcast_in_dim3A_375 : i32 to vector<16xi32>
      %gather3A_377 = tpu.vector_load_idx %arg9[%add3A_188, %broadcast_in_dim3A_376] : memref<512x32xf32, #tpu.memory_space<vmem>>[vector<16xi32>, vector<16xi32>], vector<16xf32>,
      %gather3A_378 = tpu.vector_load_idx %arg10[%add3A_188, %broadcast_in_dim3A_376] : memref<512x32xf32, #tpu.memory_space<vmem>>[vector<16xi32>, vector<16xi32>], vector<16xf32>,
      %mul3A_379 = arith.mulf %gather3A_377, %gather3A_378 : vector<16xf32>
      %add3A_380 = arith.addf %add3A_374, %mul3A_379 : vector<16xf32>
      %mul3A_381 = arith.constant 16 : i32
      %mul3A_382 = arith.muli %scan3A_184, %mul3A_381 : i32
      %swap3A = arith.index_cast %mul3A_382 : i32 to index
      %swap3A_383 = tpu.vector_load %arg11[%swap3A] {strides = array<i32>} : memref<512xf32, #tpu.memory_space<vmem>>, vector<16xf32>,
      tpu.vector_store %arg11[%swap3A], %add3A_380 {strides = array<i32>} : memref<512xf32, #tpu.memory_space<vmem>>, vector<16xf32>,
    }
    %scan3A_183 = arith.constant 8 : i32
    "tpu.region"() ({
      %run_scoped3A = tpu.sem_alloc : memref<!tpu.dma_semaphore, #tpu.memory_space<semaphore_mem>>
      %dma_start3A_184 = tpu.memref_slice %arg6[%mul3A_2] : memref<16384xf32, #tpu.memory_space<hbm>> -> memref<512xf32, #tpu.memory_space<hbm>>
      %dma_start3A_185 = tpu.memref_slice %arg6[%mul3A_2] : memref<16384xf32, #tpu.memory_space<hbm>> -> memref<512xf32, #tpu.memory_space<hbm>>
      tpu.enqueue_dma source(%arg11 : memref<512xf32, #tpu.memory_space<vmem>>) target(%dma_start3A_185 : memref<512xf32, #tpu.memory_space<hbm>>) target_semaphore(%run_scoped3A : memref<!tpu.dma_semaphore, #tpu.memory_space<semaphore_mem>>)
      %dma_wait3A_186 = tpu.memref_slice %arg6[%mul3A_2] : memref<16384xf32, #tpu.memory_space<hbm>> -> memref<512xf32, #tpu.memory_space<hbm>>
      %dma_wait3A_187 = tpu.memref_slice %arg6[%mul3A_2] : memref<16384xf32, #tpu.memory_space<hbm>> -> memref<512xf32, #tpu.memory_space<hbm>>
      tpu.wait_dma2 semaphore(%run_scoped3A : memref<!tpu.dma_semaphore, #tpu.memory_space<semaphore_mem>>) src(%arg11 : memref<512xf32, #tpu.memory_space<vmem>>) dst(%dma_wait3A_187 : memref<512xf32, #tpu.memory_space<hbm>>)
      tpu.yield
    }) : () -> ()
    return
  }
}

</mosaic_0001>

<sc_bundles>
// kernel: kernel.3.cloned.1.call-start
scs
__scs_entry_jumppad:
0x0: {  	(pc) =	sbr.rel $0x88, $3  }
0x1: {  	(tag) =	ssettag $0x0;
	lr =	simm.s32 $0x1  }
0x2: {  	[smem:$0x3F9E] =	sst lr;
	_ =	strace $0xD0000000  }
0x3: {  	_ = 	snop  }
0x4: {  	_ = 	snop  }
0x5: {  	_ = 	snop  }
0x6: {  	_ = 	snop  }
0x7: {  	_ = 	snop  }
__scs_overlays_trampoline_lowered:
0x8: {  	[smem:$0x3FAD] =	sst s0  }
0x9: {  	[smem:$0x3FAE] =	sst s1  }
0xa: {  	[smem:$0x3FAF] =	sst s2  }
0xb: {  	[smem:$0x3FB0] =	sst s3  }
0xc: {  	[smem:$0x3FB1] =	sst s4  }
0xd: {  	[smem:$0x3FB2] =	sst s5  }
0xe: {  	[smem:$0x3FB3] =	sst s6  }
0xf: {  	[smem:$0x3FB4] =	sst s7  }
0x10: {  	[smem:$0x3FB5] =	sst s8  }
0x11: {  	[smem:$0x3FB6] =	sst s9;
	s0 =	simm.s32 @!p0 $0x0  }
0x12: {  	s1 =	sld [smem:$0x3F9C];
	s0 =	simm.s32 @p0 $0x1  }
0x13: {  	[smem:$0x3FB7] =	sst s0;
	s0 =	simm.s32 @!p1 $0x0  }
0x14: {  	s2 =	sld [smem:$0x3F9B];
	s0 =	simm.s32 @p1 $0x1  }
0x15: {  	[smem:$0x3FB8] =	sst s0;
	s0 =	simm.s32 @!p2 $0x0  }
0x16: {  	s3 =	sld [smem:$0x3FDB];
	s0 =	simm.s32 @p2 $0x1  }
0x17: {  	s4 =	simm.s32 $0x1BF5;
	[smem:$0x3FBA] =	sst s0  }
0x18: {  	s0 =	sld [smem:$0x3F9D];
	_ =	swait.ge [sflag:s4], $0x0  }
0x19: {  	s7 =	sld [smem:$0x3F9E]  }
0x1a: {  	s8 =	sadd.s32 $0xFFFFE003, lr  }
0x1b: {  	s9 =	sadd.s32 $0xFFFFFEF7, lr;
	s5 =	simm.s32 $0xFFFFFFFF;
	p2 =	slt.u32 s8, $0xFFFFF086  }
0x1c: {  	p1 =	slt.u32 s9, $0xF7A;
	s5 =	simm.s32 @!p2 $0x0  }
0x1d: {  	s5 =	simm.s32 @p1 $0x1;
	p0 =	seq.s32 s7, s2  }
0x1e: {  	s7 =	smul.u32 @!p0 $0xF7A, s2;
	p2 =	seq.s32 @!p0 s5, $0x0  }
0x1f: {  	s9 =	smul.u32 $0xF7A, s1;
	s8 =	simm.s32 @!p0 $0x1BF5;
	p2 =	por !p2, p0  }
0x20: {  	[sflag:s8] =	ssyncset.s32 @!p0 $0xFFFFF086;
	s6 =	sadd.s32 @!p0 s3, s7;
	s7 =	simm.s32 @!p0 $0x108  }
0x21: {  	s3 =	sadd.s32 s3, s9;
	s6 =	sadd.s32 @!p0 $0x88, s6;
	s7 =	simm.s32 @p2 $0x1082  }
0x22: {  	[simem:s7], [sflag:s8] =	dma.local @!p0 [hbm:s6], $0xF7A  }
0x23: {  	s9 =	sor.u32 $0xD0000000, s2;
	s6 =	simm.s32 $0x108;
	_ =	swait.ge @!p0 [sflag:s8], $0x0  }
0x24: {  	s3 =	sadd.s32 $0x88, s3;
	s6 =	simm.s32 @!p1 $0x1082;
	[sflag:s4] =	ssyncset.s32 $0xFFFFF086  }
0x25: {  	[simem:s6], [sflag:s4] =	dma.local [hbm:s3], $0xF7A  }
0x26: {  	[smem:$0x3F9E] =	sst s1;
	(tag) =	ssettag s2;
	_ =	strace s9  }
0x27: {  	s1 =	sld [smem:$0x3FAE]  }
0x28: {  	s2 =	sld [smem:$0x3FAF]  }
0x29: {  	s4 =	sld [smem:$0x3FB1]  }
0x2a: {  	p0 =	seq.s32 s5, $0x0;
	s5 =	sld [smem:$0x3FB2]  }
0x2b: {  	s6 =	sld [smem:$0x3FB3]  }
0x2c: {  	s7 =	sld [smem:$0x3FB4]  }
0x2d: {  	s3 =	simm.s32 $0x108;
	s8 =	sld [smem:$0x3FB5]  }
0x2e: {  	s3 =	simm.s32 @!p0 $0x1082;
	s9 =	sld [smem:$0x3FB6]  }
0x2f: {  	lr =	sadd.s32 s0, s3;
	s0 =	sld [smem:$0x3FAD]  }
0x30: {  	s3 =	sld [smem:$0x3FB0]  }
0x31: {  	[smem:$0x3FB9] =	sst s10  }
0x32: {  	s10 =	sld [smem:$0x3FB7];
	_ =	sdelay $0x3  }
0x33: {  	p0 =	seq.s32 s10, $0x1;
	s10 =	sld [smem:$0x3FB9];
	_ =	sdelay $0x3  }
0x34: {  	[smem:$0x3FB9] =	sst s10  }
0x35: {  	s10 =	sld [smem:$0x3FB8];
	_ =	sdelay $0x3  }
0x36: {  	p1 =	seq.s32 s10, $0x1;
	s10 =	sld [smem:$0x3FB9];
	_ =	sdelay $0x3  }
0x37: {  	[smem:$0x3FB9] =	sst s10  }
0x38: {  	s10 =	sld [smem:$0x3FBA]  }
0x39: {  	_ = 	snop;
	(pc) =	sbr.ind lr, $3  }
0x3a: {  	_ = 	snop  }
0x3b: {  	_ = 	snop  }
0x3c: {  	p2 =	seq.s32 s10, $0x1;
	s10 =	sld [smem:$0x3FB9]  }
0x3d: {  	_ =	shalt  }
0x3e: {  	_ =	shalt  }
0x3f: {  	_ =	shalt  }
0x40: {  	_ =	shalt  }
0x41: {  	_ =	shalt  }
0x42: {  	_ =	shalt  }
0x43: {  	_ =	shalt  }
0x44: {  	_ =	shalt  }
0x45: {  	_ =	shalt  }
0x46: {  	_ =	shalt  }
0x47: {  	_ =	shalt  }
0x48: {  	_ =	shalt  }
0x49: {  	_ =	shalt  }
0x4a: {  	_ =	shalt  }
0x4b: {  	_ =	shalt  }
0x4c: {  	_ =	shalt  }
0x4d: {  	_ =	shalt  }
0x4e: {  	_ =	shalt  }
0x4f: {  	_ =	shalt  }
0x50: {  	_ =	shalt  }
0x51: {  	_ =	shalt  }
0x52: {  	_ =	shalt  }
0x53: {  	_ =	shalt  }
0x54: {  	_ =	shalt  }
0x55: {  	_ =	shalt  }
0x56: {  	_ =	shalt  }
0x57: {  	_ =	shalt  }
0x58: {  	_ =	shalt  }
0x59: {  	_ =	shalt  }
0x5a: {  	_ =	shalt  }
0x5b: {  	_ =	shalt  }
0x5c: {  	_ =	shalt  }
0x5d: {  	_ =	shalt  }
0x5e: {  	_ =	shalt  }
0x5f: {  	_ =	shalt  }
0x60: {  	_ =	shalt  }
0x61: {  	_ =	shalt  }
0x62: {  	_ =	shalt  }
0x63: {  	_ =	shalt  }
0x64: {  	_ =	shalt  }
0x65: {  	_ =	shalt  }
0x66: {  	_ =	shalt  }
0x67: {  	_ =	shalt  }
0x68: {  	_ =	shalt  }
0x69: {  	_ =	shalt  }
0x6a: {  	_ =	shalt  }
0x6b: {  	_ =	shalt  }
0x6c: {  	_ =	shalt  }
0x6d: {  	_ =	shalt  }
0x6e: {  	_ =	shalt  }
0x6f: {  	_ =	shalt  }
0x70: {  	_ =	shalt  }
0x71: {  	_ =	shalt  }
0x72: {  	_ =	shalt  }
0x73: {  	_ =	shalt  }
0x74: {  	_ =	shalt  }
0x75: {  	_ =	shalt  }
0x76: {  	_ =	shalt  }
0x77: {  	_ =	shalt  }
0x78: {  	_ =	shalt  }
0x79: {  	_ =	shalt  }
0x7a: {  	_ =	shalt  }
0x7b: {  	_ =	shalt  }
0x7c: {  	_ =	shalt  }
0x7d: {  	_ =	shalt  }
0x7e: {  	_ =	shalt  }
0x7f: {  	_ =	shalt  }
0x80: {  	_ =	shalt  }
0x81: {  	_ =	shalt  }
0x82: {  	_ =	shalt  }
0x83: {  	_ =	shalt  }
0x84: {  	_ =	shalt  }
0x85: {  	_ =	shalt  }
0x86: {  	_ =	shalt  }
0x87: {  	_ =	shalt  }
.Lfunc_end0:
.L_simem_size_0:
called_computation_lowered:
.L_overlay_start_0:
0x88: {  	s2 =	sld [smem:$0x3FD9]  }
0x89: {  	s3 =	sld [smem:$0x3FFE];
	_ =	sdelay $0x1  }
0x8a: {  	s1 =	srdreg.scid  }
0x8b: {  	s0 =	sand.u32 $0x1, s1  }
0x8c: {  	s17 =	sshll.u32 s0, $0xA;
	s2 =	sadd.s32 s3, s2  }
0x8d: {  	s2 =	sadd.s32 s2, s17  }
0x8e: {  	[smem:$0x3FC5] =	sst s2  }
0x8f: {  	_ = 	snop  }
0x90: {  	s2 =	sld [smem:$0x3FD0];
	(tm) =	ssettm $0x1  }
0x91: {  	s18 =	sld [smem:$0x3FFB];
	_ =	sdelay $0x3  }
0x92: {  	_ =	strace s18  }
0x93: {  	s3 =	sld [smem:$0x3FFC];
	_ =	sdelay $0x3  }
0x94: {  	_ =	strace s3  }
0x95: {  	s3 =	sld [smem:$0x3FFD];
	_ =	sdelay $0x3  }
0x96: {  	_ =	strace s3  }
0x97: {  	_ =	strace $0x8FFFFFFF  }
0x98: {  	s19 =	sld [smem:$0x3FDB];
	_ =	sdelay $0x1  }
0x99: {  	s4 =	simm.s32 $_scs_section_size  }
0x9a: {  	s5 =	simm.s32 $_size__tile_overlayer_lowered;
	s6 =	simm.s32 $_tile_overlayer_lowered  }
0x9b: {  	s22 =	simm.s32 $0x1BFF;
	s21 =	sshll.u32 s6, $0x1;
	s3 =	sadd.s32 s4, s19  }
0x9c: {  	s7 =	simm.s32 $0x0;
	s20 =	sshll.u32 s5, $0x1;
	s5 =	sadd.s32 s21, s3  }
0x9d: {  	[timem:s7], [sflag:s22] =	dma.local [hbm:s5], s20  }
0x9e: {  	_ =	swait.ge [sflag:s22], s20  }
0x9f: {  	s4 =	ssub.s32 $0x0, s20;
	[sflag:s22] =	ssyncset.done $0x0  }
0xa0: {  	[sflag:s22] =	ssyncadd.s32 s4;
	_ =	sdelay $0x1  }
0xa1: {  	s23 =	simm.s32 $0x1B8B  }
0xa2: {  	_ =	swait.ge [sflag:s23], $0x1  }
0xa3: {  	[sflag:s23] =	ssyncset.done $0x0  }
0xa4: {  	s25 =	simm.s32 $0x1B8E;
	s24 =	sld [smem:$0x3FFE];
	[sflag:s23] =	ssyncadd.s32 $0xFFFFFFFF  }
0xa5: {  	s26 =	simm.s32 $execute0_lowered;
	[smem:$0x3FD2] =	sst s25  }
0xa6: {  	s5 =	sshll.u32 s26, $0x1;
	_ =	strace $0x80000046;
	[dreg:$0x1] =	wrdreg $0xFFFFFFFF  }
0xa7: {  	s28 =	simm.s32 $_size_execute0_lowered;
	s3 =	sadd.s32 s3, s5;
	[dreg:$0x0] =	wrdreg $0x0  }
0xa8: {  	s5 =	sshll.u32 s28, $0x1;
	[dreg:$0x2] =	wrdreg s3  }
0xa9: {  	[dreg:$0x3] =	wrdreg s5  }
0xaa: {  	[dreg:$0x4] =	wrdreg $0xC0  }
0xab: {  	_ =	task [dreg:s7], $0x5FFFF  }
0xac: {  	[dreg:$0x1] =	wrdreg $0xFFFFFFFF  }
0xad: {  	[dreg:$0x0] =	wrdreg $0x60  }
0xae: {  	[dreg:$0x2] =	wrdreg s24  }
0xaf: {  	[dreg:$0x3] =	wrdreg s2  }
0xb0: {  	[dreg:$0x4] =	wrdreg $0x9  }
0xb1: {  	_ =	task.clear_ibuf [dreg:s7], $0x5FFFF;
	_ =	strace $0x90000046  }
0xb2: {  	s29 =	simm.s32 $0x9;
	_ =	strace $0x80000048  }
0xb3: {  	_ =	swait.ge [sflag:s29], $0x1  }
0xb4: {  	[sflag:s29] =	ssyncadd.s32 $0xFFFFFFFF  }
0xb5: {  	_ =	strace $0x90000048  }
0xb6: {  	_ =	sfence  }
0xb7: {  	s30 =	sld [smem:$0x0];
	_ =	sdelay $0x2  }
0xb8: {  	s31 =	sshll.u32 s1, $0xD;
	s1 =	sshrl.u32 s1, $0x2  }
0xb9: {  	s3 =	sand.u32 $0x4000, s31;
	s1 =	sadd.s32 s1, s30  }
0xba: {  	s0 =	sor.u32 s3, s0;
	s1 =	sshll.u32 s1, $0x11  }
0xbb: {  	s0 =	sor.u32 s1, s0  }
0xbc: {  	s0 =	sadd.s32 $0x8F2B, s0  }
0xbd: {  	[sflag:s0] =	ssyncadd.remote.s32 $0x1  }
0xbe: {  	_ =	sfence.sel $0xFFFF  }
0xbf: {  	[dreg:$0x0] =	wrdreg $0xFFFFFFFF;
	(pc) =	sbr.abs _section_cstart, $3  }
0xc0: {  	[dreg:$0x1] =	wrdreg $0xFFFFFFFF  }
0xc1: {  	_ =	task.clear_ibuf [dreg:s7], $0x2FFFF;
	_ =	strace $0x9FFFFFFF  }
0xc2: {  	(tm) =	ssettm $0x7FFFFFFF  }
0xc3: {  	_ =	shalt  }
tec
execute0_lowered:
.L_overlay_start_1:
0x0: {  	(tag) =	ssettag $0x1  }
0x1: {  	s4 =	rddreg [dreg:$0x0]  }
0x2: {  	s7 =	rddreg [dreg:$0x1];
	s2 =	srdreg.scid  }
0x3: {  	s0 =	rddreg [dreg:$0x2];
	s1 =	stileid.u32;
	s10 =	simm.s32 $0x200  }
0x4: {  	s11 =	simm.s32 $0x80;
	s12 =	simm.s32 $0x400;
	s13 =	simm.s32 $0x4400  }
0x5: {  	s14 =	simm.s32 $0x1400;
	s15 =	simm.s32 $0x280;
	s16 =	simm.s32 $0x5400  }
0x6: {  	s17 =	simm.s32 $0x100;
	s18 =	simm.s32 $0x2400;
	s19 =	simm.s32 $0x300  }
0x7: {  	s20 =	simm.s32 $0x6400;
	s21 =	simm.s32 $0x180;
	s22 =	simm.s32 $0x3400  }
0x8: {  	s23 =	simm.s32 $0x380;
	s24 =	simm.s32 $0x7400;
	s25 =	simm.s32 $0x1  }
0x9: {  	s26 =	simm.s32 $0x2;
	s28 =	simm.s32 $0x8400;
	s29 =	simm.s32 $0x0  }
0xa: {  	s3 =	sand.u32 $0x1, s2;
	s2 =	simm.s32 $0x0;
	s5 =	sshll.u32 s1, $0x7  }
0xb: {  	s6 =	sshll.u32 s3, $0x6;
	[smem:$0x7FF] =	sst s2;
	s31 =	ssub.s32 $0x2, s3  }
0xc: {  	s3 =	sadd.s32 $0x189000, s4;
	s8 =	sor.u32 s6, s5;
	_ =	strace $0x80000047  }
0xd: {  	v0 =	vlaneseq.u32;
	s9 =	sshrl.u32 s31, $0x1;
	s6 =	sadd.s32 s8, s4;
	s4 =	sadd.s32 $0x1EAC00, s4  }
0xe: {  	v0 =	vmul.u32 $0x20, v0;
	s9 =	ssub.s32 s31, s9;
	s7 =	sadd.s32 s7, s8;
	s5 =	sadd.s32 $0x1E00, s6  }
0xf: {  	s6 =	sadd.s32 $0x1600, s6;
	s8 =	smax.u32 s9, $0x1;
	s9 =	simm.s32 $0x3  }
.LBB2_1:
0x10: {  	[tilespmem:s2], [sflag:$0x3] =	stream.linear.gather [hbm4b:s5+s2], $0x200, $0x38;
	[tilespmem:$0x8600] =	vst v63  }
0x11: {  	_ =	swait.ge [sflag:s9], $0x200  }
0x12: {  	[sflag:s9] =	ssyncset.done $0x0  }
0x13: {  	[sflag:s9] =	ssyncadd.s32 $0xFFFFFE00  }
0x14: {  	[tilespmem:s10], [sflag:$0x3] =	stream.linear.gather [hbm4b:s6+s2], $0x200, $0x38;
	[tilespmem:$0x8600] =	vst v63  }
0x15: {  	_ =	swait.ge [sflag:s9], $0x200  }
0x16: {  	[sflag:s9] =	ssyncset.done $0x0  }
0x17: {  	[sflag:s9] =	ssyncadd.s32 $0xFFFFFE00  }
0x18: {  	[tilespmem:s12], [sflag:$0x1] =	stream.indirect.gather [hbm4b:s3+s11], $0x20, s2, s11, $0xb8;
	[tilespmem:$0x8600] =	vst v63  }
0x19: {  	_ = 	snop  }
0x1a: {  	[tilespmem:s13], [sflag:$0x2] =	stream.indirect.gather [hbm4b:s4+s11], $0x20, s10, s11, $0xb8;
	[tilespmem:$0x8600] =	vst v63  }
0x1b: {  	_ = 	snop  }
0x1c: {  	[tilespmem:s14], [sflag:$0x1] =	stream.indirect.gather [hbm4b:s3+s11], $0x20, s11, s11, $0xb8;
	[tilespmem:$0x8600] =	vst v63  }
0x1d: {  	_ = 	snop  }
0x1e: {  	[tilespmem:s16], [sflag:$0x2] =	stream.indirect.gather [hbm4b:s4+s11], $0x20, s15, s11, $0xb8;
	[tilespmem:$0x8600] =	vst v63  }
0x1f: {  	_ = 	snop  }
0x20: {  	[tilespmem:s18], [sflag:$0x1] =	stream.indirect.gather [hbm4b:s3+s11], $0x20, s17, s11, $0xb8;
	[tilespmem:$0x8600] =	vst v63  }
0x21: {  	_ = 	snop  }
0x22: {  	[tilespmem:s20], [sflag:$0x2] =	stream.indirect.gather [hbm4b:s4+s11], $0x20, s19, s11, $0xb8;
	[tilespmem:$0x8600] =	vst v63  }
0x23: {  	_ = 	snop  }
0x24: {  	[tilespmem:s22], [sflag:$0x1] =	stream.indirect.gather [hbm4b:s3+s11], $0x20, s21, s11, $0xb8;
	[tilespmem:$0x8600] =	vst v63  }
0x25: {  	_ = 	snop  }
0x26: {  	v1 =	vmov s2;
	[tilespmem:s24], [sflag:$0x2] =	stream.indirect.gather [hbm4b:s4+s11], $0x20, s23, s11, $0xb8;
	[tilespmem:$0x8600] =	vst v63  }
0x27: {  	v1 =	vshll.u32 v1, $0x5;
	_ =	swait.ge [sflag:s25], $0x1000  }
0x28: {  	v1 =	vor.u32 v0, v1;
	[sflag:s25] =	ssyncset.done $0x0  }
0x29: {  	[sflag:s25] =	ssyncadd.s32 $0xFFFFF000  }
0x2a: {  	v2 =	vor.u32 $0x1, v1;
	_ =	swait.ge [sflag:s26], $0x1000  }
0x2b: {  	[sflag:s26] =	ssyncset.done $0x0  }
0x2c: {  	v3 =	vor.u32 $0x2, v1;
	[sflag:s26] =	ssyncadd.s32 $0xFFFFF000  }
0x2d: {  	v4 =	vld.idx.msk [tilespmem:v1+s13+$0x0], $0xffff  }
0x2e: {  	v6 =	vor.u32 $0x3, v1;
	v5 =	vld.idx.msk [tilespmem:v1+s12+$0x0], $0xffff  }
0x2f: {  	v7 =	vld.idx.msk [tilespmem:v2+s12+$0x0], $0xffff  }
0x30: {  	v8 =	vor.u32 $0x4, v1;
	v2 =	vld.idx.msk [tilespmem:v2+s13+$0x0], $0xffff  }
0x31: {  	v9 =	vld.idx.msk [tilespmem:v3+s12+$0x0], $0xffff  }
0x32: {  	v10 =	vor.u32 $0x5, v1;
	v3 =	vld.idx.msk [tilespmem:v3+s13+$0x0], $0xffff  }
0x33: {  	v11 =	vld.idx.msk [tilespmem:v6+s12+$0x0], $0xffff;
	v4 =	vmul.f32 v4, v5  }
0x34: {  	v5 =	vld.idx.msk [tilespmem:v6+s13+$0x0], $0xffff;
	v6 =	vor.u32 $0x6, v1  }
0x35: {  	v12 =	vld.idx.msk [tilespmem:v8+s12+$0x0], $0xffff;
	v2 =	vmul.f32 v2, v7;
	v4 =	vadd.f32 $0.0e+00, v4  }
0x36: {  	v25 =	vor.u32 $0x7, v1;
	v7 =	vld.idx.msk [tilespmem:v8+s13+$0x0], $0xffff  }
0x37: {  	v13 =	vld.idx.msk [tilespmem:v10+s12+$0x0], $0xffff;
	v3 =	vmul.f32 v3, v9;
	v2 =	vadd.f32 v2, v4  }
0x38: {  	v26 =	vor.u32 $0x8, v1;
	v4 =	vld.idx.msk [tilespmem:v10+s13+$0x0], $0xffff  }
0x39: {  	v27 =	vld.idx.msk [tilespmem:v6+s12+$0x0], $0xffff;
	v2 =	vadd.f32 v3, v2;
	v3 =	vmul.f32 v5, v11  }
0x3a: {  	v5 =	vld.idx.msk [tilespmem:v6+s13+$0x0], $0xffff;
	v6 =	vor.u32 $0x9, v1  }
0x3b: {  	v28 =	vld.idx.msk [tilespmem:v25+s12+$0x0], $0xffff;
	v2 =	vadd.f32 v3, v2;
	v3 =	vmul.f32 v7, v12  }
0x3c: {  	v29 =	vor.u32 $0xA, v1;
	v7 =	vld.idx.msk [tilespmem:v25+s13+$0x0], $0xffff  }
0x3d: {  	v30 =	vld.idx.msk [tilespmem:v26+s12+$0x0], $0xffff;
	v2 =	vadd.f32 v3, v2;
	v3 =	vmul.f32 v4, v13  }
0x3e: {  	v31 =	vor.u32 $0xB, v1;
	v4 =	vld.idx.msk [tilespmem:v26+s13+$0x0], $0xffff  }
0x3f: {  	v32 =	vld.idx.msk [tilespmem:v6+s12+$0x0], $0xffff;
	v2 =	vadd.f32 v3, v2;
	v3 =	vmul.f32 v5, v27  }
0x40: {  	v5 =	vld.idx.msk [tilespmem:v6+s13+$0x0], $0xffff;
	v6 =	vor.u32 $0xC, v1  }
0x41: {  	v33 =	vld.idx.msk [tilespmem:v29+s12+$0x0], $0xffff;
	v2 =	vadd.f32 v3, v2;
	v3 =	vmul.f32 v7, v28  }
0x42: {  	v34 =	vor.u32 $0xD, v1;
	v7 =	vld.idx.msk [tilespmem:v29+s13+$0x0], $0xffff  }
0x43: {  	v35 =	vld.idx.msk [tilespmem:v31+s12+$0x0], $0xffff;
	v2 =	vadd.f32 v3, v2;
	v3 =	vmul.f32 v4, v30  }
0x44: {  	v36 =	vor.u32 $0xE, v1;
	v4 =	vld.idx.msk [tilespmem:v31+s13+$0x0], $0xffff  }
0x45: {  	v37 =	vld.idx.msk [tilespmem:v6+s12+$0x0], $0xffff;
	v2 =	vadd.f32 v3, v2;
	v3 =	vmul.f32 v5, v32  }
0x46: {  	v5 =	vld.idx.msk [tilespmem:v6+s13+$0x0], $0xffff;
	v6 =	vor.u32 $0xF, v1  }
0x47: {  	v38 =	vld.idx.msk [tilespmem:v34+s12+$0x0], $0xffff;
	v2 =	vadd.f32 v3, v2;
	v3 =	vmul.f32 v7, v33  }
0x48: {  	v39 =	vor.u32 $0x10, v1;
	v7 =	vld.idx.msk [tilespmem:v34+s13+$0x0], $0xffff  }
0x49: {  	v40 =	vld.idx.msk [tilespmem:v36+s12+$0x0], $0xffff;
	v2 =	vadd.f32 v3, v2;
	v3 =	vmul.f32 v4, v35  }
0x4a: {  	v41 =	vor.u32 $0x11, v1;
	v4 =	vld.idx.msk [tilespmem:v36+s13+$0x0], $0xffff  }
0x4b: {  	v42 =	vld.idx.msk [tilespmem:v6+s12+$0x0], $0xffff;
	v2 =	vadd.f32 v3, v2;
	v3 =	vmul.f32 v5, v37  }
0x4c: {  	v5 =	vld.idx.msk [tilespmem:v6+s13+$0x0], $0xffff;
	v6 =	vor.u32 $0x12, v1  }
0x4d: {  	v43 =	vld.idx.msk [tilespmem:v39+s12+$0x0], $0xffff;
	v2 =	vadd.f32 v3, v2;
	v3 =	vmul.f32 v7, v38  }
0x4e: {  	v44 =	vor.u32 $0x13, v1;
	v7 =	vld.idx.msk [tilespmem:v39+s13+$0x0], $0xffff  }
0x4f: {  	v45 =	vld.idx.msk [tilespmem:v41+s12+$0x0], $0xffff;
	v2 =	vadd.f32 v3, v2;
	v3 =	vmul.f32 v4, v40  }
0x50: {  	v46 =	vor.u32 $0x14, v1;
	v4 =	vld.idx.msk [tilespmem:v41+s13+$0x0], $0xffff  }
0x51: {  	v47 =	vld.idx.msk [tilespmem:v6+s12+$0x0], $0xffff;
	v2 =	vadd.f32 v3, v2;
	v3 =	vmul.f32 v5, v42  }
0x52: {  	v5 =	vld.idx.msk [tilespmem:v6+s13+$0x0], $0xffff;
	v6 =	vor.u32 $0x15, v1  }
0x53: {  	v48 =	vld.idx.msk [tilespmem:v44+s12+$0x0], $0xffff;
	v2 =	vadd.f32 v3, v2;
	v3 =	vmul.f32 v7, v43  }
0x54: {  	v49 =	vor.u32 $0x16, v1;
	v7 =	vld.idx.msk [tilespmem:v44+s13+$0x0], $0xffff  }
0x55: {  	v50 =	vld.idx.msk [tilespmem:v46+s12+$0x0], $0xffff;
	v2 =	vadd.f32 v3, v2;
	v3 =	vmul.f32 v4, v45  }
0x56: {  	v51 =	vor.u32 $0x17, v1;
	v4 =	vld.idx.msk [tilespmem:v46+s13+$0x0], $0xffff  }
0x57: {  	v52 =	vld.idx.msk [tilespmem:v6+s12+$0x0], $0xffff;
	v2 =	vadd.f32 v3, v2;
	v3 =	vmul.f32 v5, v47  }
0x58: {  	v5 =	vld.idx.msk [tilespmem:v6+s13+$0x0], $0xffff;
	v6 =	vor.u32 $0x18, v1  }
0x59: {  	v53 =	vld.idx.msk [tilespmem:v49+s12+$0x0], $0xffff;
	v2 =	vadd.f32 v3, v2;
	v3 =	vmul.f32 v7, v48  }
0x5a: {  	v54 =	vor.u32 $0x19, v1;
	v7 =	vld.idx.msk [tilespmem:v49+s13+$0x0], $0xffff  }
0x5b: {  	v55 =	vld.idx.msk [tilespmem:v51+s12+$0x0], $0xffff;
	v2 =	vadd.f32 v3, v2;
	v3 =	vmul.f32 v4, v50  }
0x5c: {  	v56 =	vor.u32 $0x1A, v1;
	v4 =	vld.idx.msk [tilespmem:v51+s13+$0x0], $0xffff  }
0x5d: {  	v57 =	vld.idx.msk [tilespmem:v6+s12+$0x0], $0xffff;
	v2 =	vadd.f32 v3, v2;
	v3 =	vmul.f32 v5, v52  }
0x5e: {  	v5 =	vld.idx.msk [tilespmem:v6+s13+$0x0], $0xffff;
	v6 =	vor.u32 $0x1B, v1  }
0x5f: {  	v58 =	vld.idx.msk [tilespmem:v54+s12+$0x0], $0xffff;
	v2 =	vadd.f32 v3, v2;
	v3 =	vmul.f32 v7, v53  }
0x60: {  	v59 =	vor.u32 $0x1C, v1;
	v7 =	vld.idx.msk [tilespmem:v54+s13+$0x0], $0xffff  }
0x61: {  	v60 =	vld.idx.msk [tilespmem:v56+s12+$0x0], $0xffff;
	v2 =	vadd.f32 v3, v2;
	v3 =	vmul.f32 v4, v55  }
0x62: {  	v61 =	vor.u32 $0x1D, v1;
	v4 =	vld.idx.msk [tilespmem:v56+s13+$0x0], $0xffff  }
0x63: {  	v62 =	vld.idx.msk [tilespmem:v6+s12+$0x0], $0xffff;
	v2 =	vadd.f32 v3, v2;
	v3 =	vmul.f32 v5, v57  }
0x64: {  	v5 =	vld.idx.msk [tilespmem:v6+s13+$0x0], $0xffff;
	v6 =	vor.u32 $0x1E, v1  }
0x65: {  	v63 =	vld.idx.msk [tilespmem:v59+s12+$0x0], $0xffff;
	v2 =	vadd.f32 v3, v2;
	v3 =	vmul.f32 v7, v58  }
0x66: {  	v1 =	vor.u32 $0x1F, v1;
	v7 =	vld.idx.msk [tilespmem:v59+s13+$0x0], $0xffff  }
0x67: {  	v15 =	vld.idx.msk [tilespmem:v61+s12+$0x0], $0xffff;
	v2 =	vadd.f32 v3, v2;
	v3 =	vmul.f32 v4, v60  }
0x68: {  	v4 =	vld.idx.msk [tilespmem:v61+s13+$0x0], $0xffff  }
0x69: {  	v16 =	vld.idx.msk [tilespmem:v6+s12+$0x0], $0xffff;
	v2 =	vadd.f32 v3, v2;
	v3 =	vmul.f32 v5, v62  }
0x6a: {  	v5 =	vld.idx.msk [tilespmem:v6+s13+$0x0], $0xffff  }
0x6b: {  	v6 =	vld.idx.msk [tilespmem:v1+s12+$0x0], $0xffff;
	v2 =	vadd.f32 v3, v2;
	v3 =	vmul.f32 v7, v63  }
0x6c: {  	v7 =	vld.idx.msk [tilespmem:v1+s13+$0x0], $0xffff  }
0x6d: {  	v1 =	vadd.f32 v3, v2;
	v2 =	vmul.f32 v4, v15  }
0x6e: {  	s30 =	simm.s32 $0x10  }
0x6f: {  	v3 =	vmov s30;
	v4 =	vmul.f32 v5, v16;
	v2 =	vadd.f32 v2, v1  }
0x70: {  	v1 =	vshll.u32 v3, $0x5  }
0x71: {  	v1 =	vor.u32 v0, v1;
	v3 =	vmul.f32 v7, v6;
	v2 =	vadd.f32 v4, v2;
	_ =	sdelay $0x1  }
0x72: {  	v4 =	vor.u32 $0x1, v1;
	v2 =	vadd.f32 v3, v2;
	_ =	sdelay $0x1  }
0x73: {  	v3 =	vor.u32 $0x2, v1;
	[tilespmem:s28+$0x0] =	vst v2  }
0x74: {  	v2 =	vld.idx.msk [tilespmem:v1+s13+$0x0], $0xffff  }
0x75: {  	v6 =	vor.u32 $0x3, v1;
	v5 =	vld.idx.msk [tilespmem:v1+s12+$0x0], $0xffff  }
0x76: {  	v7 =	vld.idx.msk [tilespmem:v4+s12+$0x0], $0xffff  }
0x77: {  	v17 =	vor.u32 $0x4, v1;
	v4 =	vld.idx.msk [tilespmem:v4+s13+$0x0], $0xffff  }
0x78: {  	v18 =	vld.idx.msk [tilespmem:v3+s12+$0x0], $0xffff  }
0x79: {  	v19 =	vor.u32 $0x5, v1;
	v3 =	vld.idx.msk [tilespmem:v3+s13+$0x0], $0xffff  }
0x7a: {  	v20 =	vld.idx.msk [tilespmem:v6+s12+$0x0], $0xffff;
	v2 =	vmul.f32 v2, v5  }
0x7b: {  	v5 =	vld.idx.msk [tilespmem:v6+s13+$0x0], $0xffff;
	v6 =	vor.u32 $0x6, v1  }
0x7c: {  	v21 =	vld.idx.msk [tilespmem:v17+s12+$0x0], $0xffff;
	v4 =	vmul.f32 v4, v7;
	v2 =	vadd.f32 $0.0e+00, v2  }
0x7d: {  	v22 =	vor.u32 $0x7, v1;
	v7 =	vld.idx.msk [tilespmem:v17+s13+$0x0], $0xffff  }
0x7e: {  	v23 =	vld.idx.msk [tilespmem:v19+s12+$0x0], $0xffff;
	v3 =	vmul.f32 v3, v18;
	v2 =	vadd.f32 v4, v2  }
0x7f: {  	v24 =	vor.u32 $0x8, v1;
	v4 =	vld.idx.msk [tilespmem:v19+s13+$0x0], $0xffff  }
0x80: {  	v25 =	vld.idx.msk [tilespmem:v6+s12+$0x0], $0xffff;
	v2 =	vadd.f32 v3, v2;
	v3 =	vmul.f32 v5, v20  }
0x81: {  	v5 =	vld.idx.msk [tilespmem:v6+s13+$0x0], $0xffff;
	v6 =	vor.u32 $0x9, v1  }
0x82: {  	v26 =	vld.idx.msk [tilespmem:v22+s12+$0x0], $0xffff;
	v2 =	vadd.f32 v3, v2;
	v3 =	vmul.f32 v7, v21  }
0x83: {  	v27 =	vor.u32 $0xA, v1;
	v7 =	vld.idx.msk [tilespmem:v22+s13+$0x0], $0xffff  }
0x84: {  	v28 =	vld.idx.msk [tilespmem:v24+s12+$0x0], $0xffff;
	v2 =	vadd.f32 v3, v2;
	v3 =	vmul.f32 v4, v23  }
0x85: {  	v29 =	vor.u32 $0xB, v1;
	v4 =	vld.idx.msk [tilespmem:v24+s13+$0x0], $0xffff  }
0x86: {  	v30 =	vld.idx.msk [tilespmem:v6+s12+$0x0], $0xffff;
	v2 =	vadd.f32 v3, v2;
	v3 =	vmul.f32 v5, v25  }
0x87: {  	v5 =	vld.idx.msk [tilespmem:v6+s13+$0x0], $0xffff;
	v6 =	vor.u32 $0xC, v1  }
0x88: {  	v31 =	vld.idx.msk [tilespmem:v27+s12+$0x0], $0xffff;
	v2 =	vadd.f32 v3, v2;
	v3 =	vmul.f32 v7, v26  }
0x89: {  	v32 =	vor.u32 $0xD, v1;
	v7 =	vld.idx.msk [tilespmem:v27+s13+$0x0], $0xffff  }
0x8a: {  	v33 =	vld.idx.msk [tilespmem:v29+s12+$0x0], $0xffff;
	v2 =	vadd.f32 v3, v2;
	v3 =	vmul.f32 v4, v28  }
0x8b: {  	v34 =	vor.u32 $0xE, v1;
	v4 =	vld.idx.msk [tilespmem:v29+s13+$0x0], $0xffff  }
0x8c: {  	v35 =	vld.idx.msk [tilespmem:v6+s12+$0x0], $0xffff;
	v2 =	vadd.f32 v3, v2;
	v3 =	vmul.f32 v5, v30  }
0x8d: {  	v5 =	vld.idx.msk [tilespmem:v6+s13+$0x0], $0xffff;
	v6 =	vor.u32 $0xF, v1  }
0x8e: {  	v36 =	vld.idx.msk [tilespmem:v32+s12+$0x0], $0xffff;
	v2 =	vadd.f32 v3, v2;
	v3 =	vmul.f32 v7, v31  }
0x8f: {  	v37 =	vor.u32 $0x10, v1;
	v7 =	vld.idx.msk [tilespmem:v32+s13+$0x0], $0xffff  }
0x90: {  	v38 =	vld.idx.msk [tilespmem:v34+s12+$0x0], $0xffff;
	v2 =	vadd.f32 v3, v2;
	v3 =	vmul.f32 v4, v33  }
0x91: {  	v39 =	vor.u32 $0x11, v1;
	v4 =	vld.idx.msk [tilespmem:v34+s13+$0x0], $0xffff  }
0x92: {  	v40 =	vld.idx.msk [tilespmem:v6+s12+$0x0], $0xffff;
	v2 =	vadd.f32 v3, v2;
	v3 =	vmul.f32 v5, v35  }
0x93: {  	v5 =	vld.idx.msk [tilespmem:v6+s13+$0x0], $0xffff;
	v6 =	vor.u32 $0x12, v1  }
0x94: {  	v41 =	vld.idx.msk [tilespmem:v37+s12+$0x0], $0xffff;
	v2 =	vadd.f32 v3, v2;
	v3 =	vmul.f32 v7, v36  }
0x95: {  	v42 =	vor.u32 $0x13, v1;
	v7 =	vld.idx.msk [tilespmem:v37+s13+$0x0], $0xffff  }
0x96: {  	v43 =	vld.idx.msk [tilespmem:v39+s12+$0x0], $0xffff;
	v2 =	vadd.f32 v3, v2;
	v3 =	vmul.f32 v4, v38  }
0x97: {  	v44 =	vor.u32 $0x14, v1;
	v4 =	vld.idx.msk [tilespmem:v39+s13+$0x0], $0xffff  }
0x98: {  	v45 =	vld.idx.msk [tilespmem:v6+s12+$0x0], $0xffff;
	v2 =	vadd.f32 v3, v2;
	v3 =	vmul.f32 v5, v40  }
0x99: {  	v5 =	vld.idx.msk [tilespmem:v6+s13+$0x0], $0xffff;
	v6 =	vor.u32 $0x15, v1  }
0x9a: {  	v46 =	vld.idx.msk [tilespmem:v42+s12+$0x0], $0xffff;
	v2 =	vadd.f32 v3, v2;
	v3 =	vmul.f32 v7, v41  }
0x9b: {  	v47 =	vor.u32 $0x16, v1;
	v7 =	vld.idx.msk [tilespmem:v42+s13+$0x0], $0xffff  }
0x9c: {  	v48 =	vld.idx.msk [tilespmem:v44+s12+$0x0], $0xffff;
	v2 =	vadd.f32 v3, v2;
	v3 =	vmul.f32 v4, v43  }
0x9d: {  	v49 =	vor.u32 $0x17, v1;
	v4 =	vld.idx.msk [tilespmem:v44+s13+$0x0], $0xffff  }
0x9e: {  	v50 =	vld.idx.msk [tilespmem:v6+s12+$0x0], $0xffff;
	v2 =	vadd.f32 v3, v2;
	v3 =	vmul.f32 v5, v45  }
0x9f: {  	v5 =	vld.idx.msk [tilespmem:v6+s13+$0x0], $0xffff;
	v6 =	vor.u32 $0x18, v1  }
0xa0: {  	v51 =	vld.idx.msk [tilespmem:v47+s12+$0x0], $0xffff;
	v2 =	vadd.f32 v3, v2;
	v3 =	vmul.f32 v7, v46  }
0xa1: {  	v52 =	vor.u32 $0x19, v1;
	v7 =	vld.idx.msk [tilespmem:v47+s13+$0x0], $0xffff  }
0xa2: {  	v53 =	vld.idx.msk [tilespmem:v49+s12+$0x0], $0xffff;
	v2 =	vadd.f32 v3, v2;
	v3 =	vmul.f32 v4, v48  }
0xa3: {  	v54 =	vor.u32 $0x1A, v1;
	v4 =	vld.idx.msk [tilespmem:v49+s13+$0x0], $0xffff  }
0xa4: {  	v55 =	vld.idx.msk [tilespmem:v6+s12+$0x0], $0xffff;
	v2 =	vadd.f32 v3, v2;
	v3 =	vmul.f32 v5, v50  }
0xa5: {  	v5 =	vld.idx.msk [tilespmem:v6+s13+$0x0], $0xffff;
	v6 =	vor.u32 $0x1B, v1  }
0xa6: {  	v56 =	vld.idx.msk [tilespmem:v52+s12+$0x0], $0xffff;
	v2 =	vadd.f32 v3, v2;
	v3 =	vmul.f32 v7, v51  }
0xa7: {  	v57 =	vor.u32 $0x1C, v1;
	v7 =	vld.idx.msk [tilespmem:v52+s13+$0x0], $0xffff  }
0xa8: {  	v58 =	vld.idx.msk [tilespmem:v54+s12+$0x0], $0xffff;
	v2 =	vadd.f32 v3, v2;
	v3 =	vmul.f32 v4, v53  }
0xa9: {  	v4 =	vld.idx.msk [tilespmem:v54+s13+$0x0], $0xffff  }
0xaa: {  	v60 =	vld.idx.msk [tilespmem:v6+s12+$0x0], $0xffff;
	v2 =	vadd.f32 v3, v2;
	v3 =	vmul.f32 v5, v55  }
0xab: {  	v59 =	vor.u32 $0x1D, v1;
	v5 =	vld.idx.msk [tilespmem:v6+s13+$0x0], $0xffff  }
0xac: {  	v61 =	vld.idx.msk [tilespmem:v57+s12+$0x0], $0xffff;
	v2 =	vadd.f32 v3, v2;
	v3 =	vmul.f32 v7, v56  }
0xad: {  	v6 =	vor.u32 $0x1E, v1;
	v7 =	vld.idx.msk [tilespmem:v57+s13+$0x0], $0xffff  }
0xae: {  	v2 =	vadd.f32 v3, v2;
	v3 =	vmul.f32 v4, v58  }
0xaf: {  	v1 =	vor.u32 $0x1F, v1  }
0xb0: {  	v62 =	vld.idx.msk [tilespmem:v59+s12+$0x0], $0xffff;
	v2 =	vadd.f32 v3, v2;
	v3 =	vmul.f32 v5, v60  }
0xb1: {  	v4 =	vld.idx.msk [tilespmem:v59+s13+$0x0], $0xffff  }
0xb2: {  	v63 =	vld.idx.msk [tilespmem:v6+s12+$0x0], $0xffff;
	v2 =	vadd.f32 v3, v2;
	v3 =	vmul.f32 v7, v61  }
0xb3: {  	v5 =	vld.idx.msk [tilespmem:v6+s13+$0x0], $0xffff  }
0xb4: {  	v6 =	vadd.f32 v3, v2;
	v2 =	vld.idx.msk [tilespmem:v1+s12+$0x0], $0xffff  }
0xb5: {  	v3 =	vld.idx.msk [tilespmem:v1+s13+$0x0], $0xffff  }
0xb6: {  	v4 =	vmul.f32 v4, v62  }
0xb7: {  	s30 =	simm.s32 $0x20  }
0xb8: {  	v7 =	vmov s30;
	v5 =	vmul.f32 v5, v63;
	v4 =	vadd.f32 v4, v6  }
0xb9: {  	s31 =	simm.s32 $0x30;
	s30 =	simm.s32 $0x8400;
	v1 =	vshll.u32 v7, $0x5  }
.LBB2_2:
0xba: {  	p0 =	sne.s32 s31, $0x70;
	v1 =	vor.u32 v0, v1;
	v4 =	vadd.f32 v5, v4;
	v2 =	vmul.f32 v3, v2;
	_ =	sdelay $0x1  }
0xbb: {  	v3 =	vor.u32 $0x1, v1;
	v2 =	vadd.f32 v2, v4  }
0xbc: {  	s30 =	sadd.s32 $0x10, s30  }
0xbd: {  	v4 =	vor.u32 $0x2, v1;
	[tilespmem:s30+$0x0] =	vst v2  }
0xbe: {  	v2 =	vld.idx.msk [tilespmem:v1+s13+$0x0], $0xffff  }
0xbf: {  	v6 =	vor.u32 $0x3, v1;
	v5 =	vld.idx.msk [tilespmem:v1+s12+$0x0], $0xffff  }
0xc0: {  	v7 =	vld.idx.msk [tilespmem:v3+s12+$0x0], $0xffff  }
0xc1: {  	v8 =	vor.u32 $0x4, v1;
	v3 =	vld.idx.msk [tilespmem:v3+s13+$0x0], $0xffff  }
0xc2: {  	v9 =	vld.idx.msk [tilespmem:v4+s12+$0x0], $0xffff  }
0xc3: {  	v10 =	vor.u32 $0x5, v1;
	v4 =	vld.idx.msk [tilespmem:v4+s13+$0x0], $0xffff  }
0xc4: {  	v11 =	vld.idx.msk [tilespmem:v6+s12+$0x0], $0xffff  }
0xc5: {  	v2 =	vmul.f32 v2, v5;
	v5 =	vld.idx.msk [tilespmem:v6+s13+$0x0], $0xffff;
	v6 =	vor.u32 $0x6, v1  }
0xc6: {  	v12 =	vld.idx.msk [tilespmem:v8+s12+$0x0], $0xffff  }
0xc7: {  	v2 =	vadd.f32 $0.0e+00, v2;
	v3 =	vmul.f32 v3, v7;
	v7 =	vld.idx.msk [tilespmem:v8+s13+$0x0], $0xffff;
	v8 =	vor.u32 $0x7, v1  }
0xc8: {  	v13 =	vld.idx.msk [tilespmem:v10+s12+$0x0], $0xffff  }
0xc9: {  	v2 =	vadd.f32 v3, v2;
	v3 =	vmul.f32 v4, v9;
	v9 =	vor.u32 $0x8, v1;
	v4 =	vld.idx.msk [tilespmem:v10+s13+$0x0], $0xffff  }
0xca: {  	v10 =	vld.idx.msk [tilespmem:v6+s12+$0x0], $0xffff  }
0xcb: {  	v2 =	vadd.f32 v3, v2;
	v3 =	vmul.f32 v5, v11;
	v5 =	vld.idx.msk [tilespmem:v6+s13+$0x0], $0xffff;
	v6 =	vor.u32 $0x9, v1  }
0xcc: {  	v11 =	vld.idx.msk [tilespmem:v8+s12+$0x0], $0xffff  }
0xcd: {  	v2 =	vadd.f32 v3, v2;
	v3 =	vmul.f32 v7, v12;
	v7 =	vld.idx.msk [tilespmem:v8+s13+$0x0], $0xffff;
	v8 =	vor.u32 $0xA, v1  }
0xce: {  	v12 =	vld.idx.msk [tilespmem:v9+s12+$0x0], $0xffff  }
0xcf: {  	v2 =	vadd.f32 v3, v2;
	v3 =	vmul.f32 v4, v13;
	v4 =	vld.idx.msk [tilespmem:v9+s13+$0x0], $0xffff;
	v9 =	vor.u32 $0xB, v1  }
0xd0: {  	v13 =	vld.idx.msk [tilespmem:v6+s12+$0x0], $0xffff  }
0xd1: {  	v2 =	vadd.f32 v3, v2;
	v3 =	vmul.f32 v5, v10;
	v5 =	vld.idx.msk [tilespmem:v6+s13+$0x0], $0xffff;
	v6 =	vor.u32 $0xC, v1  }
0xd2: {  	v10 =	vld.idx.msk [tilespmem:v8+s12+$0x0], $0xffff  }
0xd3: {  	v2 =	vadd.f32 v3, v2;
	v3 =	vmul.f32 v7, v11;
	v7 =	vld.idx.msk [tilespmem:v8+s13+$0x0], $0xffff;
	v8 =	vor.u32 $0xD, v1  }
0xd4: {  	v11 =	vld.idx.msk [tilespmem:v9+s12+$0x0], $0xffff  }
0xd5: {  	v2 =	vadd.f32 v3, v2;
	v3 =	vmul.f32 v4, v12;
	v4 =	vld.idx.msk [tilespmem:v9+s13+$0x0], $0xffff;
	v9 =	vor.u32 $0xE, v1  }
0xd6: {  	v12 =	vld.idx.msk [tilespmem:v6+s12+$0x0], $0xffff  }
0xd7: {  	v2 =	vadd.f32 v3, v2;
	v3 =	vmul.f32 v5, v13;
	v5 =	vld.idx.msk [tilespmem:v6+s13+$0x0], $0xffff;
	v6 =	vor.u32 $0xF, v1  }
0xd8: {  	v13 =	vld.idx.msk [tilespmem:v8+s12+$0x0], $0xffff  }
0xd9: {  	v2 =	vadd.f32 v3, v2;
	v3 =	vmul.f32 v7, v10;
	v7 =	vld.idx.msk [tilespmem:v8+s13+$0x0], $0xffff;
	v8 =	vor.u32 $0x10, v1  }
0xda: {  	v10 =	vld.idx.msk [tilespmem:v9+s12+$0x0], $0xffff  }
0xdb: {  	v2 =	vadd.f32 v3, v2;
	v3 =	vmul.f32 v4, v11;
	v4 =	vld.idx.msk [tilespmem:v9+s13+$0x0], $0xffff;
	v9 =	vor.u32 $0x11, v1  }
0xdc: {  	v11 =	vld.idx.msk [tilespmem:v6+s12+$0x0], $0xffff  }
0xdd: {  	v2 =	vadd.f32 v3, v2;
	v3 =	vmul.f32 v5, v12;
	v5 =	vld.idx.msk [tilespmem:v6+s13+$0x0], $0xffff;
	v6 =	vor.u32 $0x12, v1  }
0xde: {  	v12 =	vld.idx.msk [tilespmem:v8+s12+$0x0], $0xffff  }
0xdf: {  	v2 =	vadd.f32 v3, v2;
	v3 =	vmul.f32 v7, v13;
	v7 =	vld.idx.msk [tilespmem:v8+s13+$0x0], $0xffff;
	v8 =	vor.u32 $0x13, v1  }
0xe0: {  	v13 =	vld.idx.msk [tilespmem:v9+s12+$0x0], $0xffff  }
0xe1: {  	v2 =	vadd.f32 v3, v2;
	v3 =	vmul.f32 v4, v10;
	v4 =	vld.idx.msk [tilespmem:v9+s13+$0x0], $0xffff;
	v9 =	vor.u32 $0x14, v1  }
0xe2: {  	v10 =	vld.idx.msk [tilespmem:v6+s12+$0x0], $0xffff  }
0xe3: {  	v2 =	vadd.f32 v3, v2;
	v3 =	vmul.f32 v5, v11;
	v5 =	vld.idx.msk [tilespmem:v6+s13+$0x0], $0xffff;
	v6 =	vor.u32 $0x15, v1  }
0xe4: {  	v11 =	vld.idx.msk [tilespmem:v8+s12+$0x0], $0xffff  }
0xe5: {  	v2 =	vadd.f32 v3, v2;
	v3 =	vmul.f32 v7, v12;
	v7 =	vld.idx.msk [tilespmem:v8+s13+$0x0], $0xffff;
	v8 =	vor.u32 $0x16, v1  }
0xe6: {  	v12 =	vld.idx.msk [tilespmem:v9+s12+$0x0], $0xffff  }
0xe7: {  	v2 =	vadd.f32 v3, v2;
	v3 =	vmul.f32 v4, v13;
	v4 =	vld.idx.msk [tilespmem:v9+s13+$0x0], $0xffff;
	v9 =	vor.u32 $0x17, v1  }
0xe8: {  	v13 =	vld.idx.msk [tilespmem:v6+s12+$0x0], $0xffff  }
0xe9: {  	v2 =	vadd.f32 v3, v2;
	v3 =	vmul.f32 v5, v10;
	v5 =	vld.idx.msk [tilespmem:v6+s13+$0x0], $0xffff;
	v6 =	vor.u32 $0x18, v1  }
0xea: {  	v10 =	vld.idx.msk [tilespmem:v8+s12+$0x0], $0xffff  }
0xeb: {  	v2 =	vadd.f32 v3, v2;
	v3 =	vmul.f32 v7, v11;
	v7 =	vld.idx.msk [tilespmem:v8+s13+$0x0], $0xffff;
	v8 =	vor.u32 $0x19, v1  }
0xec: {  	v11 =	vld.idx.msk [tilespmem:v9+s12+$0x0], $0xffff  }
0xed: {  	v2 =	vadd.f32 v3, v2;
	v3 =	vmul.f32 v4, v12;
	v4 =	vld.idx.msk [tilespmem:v9+s13+$0x0], $0xffff;
	v9 =	vor.u32 $0x1A, v1  }
0xee: {  	v12 =	vld.idx.msk [tilespmem:v6+s12+$0x0], $0xffff  }
0xef: {  	v2 =	vadd.f32 v3, v2;
	v3 =	vmul.f32 v5, v13;
	v5 =	vld.idx.msk [tilespmem:v6+s13+$0x0], $0xffff;
	v6 =	vor.u32 $0x1B, v1  }
0xf0: {  	v13 =	vld.idx.msk [tilespmem:v8+s12+$0x0], $0xffff  }
0xf1: {  	v2 =	vadd.f32 v3, v2;
	v3 =	vmul.f32 v7, v10;
	v7 =	vld.idx.msk [tilespmem:v8+s13+$0x0], $0xffff;
	v8 =	vor.u32 $0x1C, v1  }
0xf2: {  	v10 =	vld.idx.msk [tilespmem:v9+s12+$0x0], $0xffff  }
0xf3: {  	v2 =	vadd.f32 v3, v2;
	v3 =	vmul.f32 v4, v11;
	v4 =	vld.idx.msk [tilespmem:v9+s13+$0x0], $0xffff;
	v9 =	vor.u32 $0x1D, v1  }
0xf4: {  	v11 =	vld.idx.msk [tilespmem:v6+s12+$0x0], $0xffff  }
0xf5: {  	v2 =	vadd.f32 v3, v2;
	v3 =	vmul.f32 v5, v12;
	v5 =	vld.idx.msk [tilespmem:v6+s13+$0x0], $0xffff;
	v6 =	vor.u32 $0x1E, v1  }
0xf6: {  	v12 =	vld.idx.msk [tilespmem:v8+s12+$0x0], $0xffff  }
0xf7: {  	v1 =	vor.u32 $0x1F, v1;
	v2 =	vadd.f32 v3, v2;
	v3 =	vmul.f32 v7, v13;
	v7 =	vld.idx.msk [tilespmem:v8+s13+$0x0], $0xffff  }
0xf8: {  	v8 =	vld.idx.msk [tilespmem:v9+s12+$0x0], $0xffff  }
0xf9: {  	v2 =	vadd.f32 v3, v2;
	v3 =	vmul.f32 v4, v10;
	v4 =	vld.idx.msk [tilespmem:v9+s13+$0x0], $0xffff  }
0xfa: {  	v9 =	vld.idx.msk [tilespmem:v6+s12+$0x0], $0xffff  }
0xfb: {  	v3 =	vadd.f32 v3, v2;
	v5 =	vmul.f32 v5, v11;
	v6 =	vld.idx.msk [tilespmem:v6+s13+$0x0], $0xffff  }
0xfc: {  	v2 =	vld.idx.msk [tilespmem:v1+s12+$0x0], $0xffff  }
0xfd: {  	v5 =	vadd.f32 v5, v3;
	v7 =	vmul.f32 v7, v12;
	v3 =	vld.idx.msk [tilespmem:v1+s13+$0x0], $0xffff  }
.Ltmp0:
0xfe: {  	(pc) =	sbr.rel @p0 .LBB2_2-.Ltmp0, $3  }
0xff: {  	v1 =	vadd.f32 v7, v5;
	v4 =	vmul.f32 v4, v8;
	_ =	sdelay $0x1  }
0x100: {  	v7 =	vmov s31;
	v4 =	vadd.f32 v4, v1;
	v5 =	vmul.f32 v6, v9  }
0x101: {  	s31 =	sadd.s32 $0x10, s31;
	v1 =	vshll.u32 v7, $0x5  }
0x102: {  	v1 =	vor.u32 v0, v1;
	v4 =	vadd.f32 v5, v4;
	v2 =	vmul.f32 v3, v2;
	_ =	sdelay $0x1  }
0x103: {  	v3 =	vor.u32 $0x1, v1;
	v2 =	vadd.f32 v2, v4  }
0x104: {  	s30 =	sadd.s32 $0x10, s30  }
0x105: {  	v4 =	vor.u32 $0x2, v1;
	[tilespmem:s30+$0x0] =	vst v2  }
0x106: {  	v2 =	vld.idx.msk [tilespmem:v1+s13+$0x0], $0xffff  }
0x107: {  	v6 =	vor.u32 $0x3, v1;
	v5 =	vld.idx.msk [tilespmem:v1+s12+$0x0], $0xffff  }
0x108: {  	v7 =	vld.idx.msk [tilespmem:v3+s12+$0x0], $0xffff  }
0x109: {  	v8 =	vor.u32 $0x4, v1;
	v3 =	vld.idx.msk [tilespmem:v3+s13+$0x0], $0xffff  }
0x10a: {  	v9 =	vld.idx.msk [tilespmem:v4+s12+$0x0], $0xffff  }
0x10b: {  	v10 =	vor.u32 $0x5, v1;
	v4 =	vld.idx.msk [tilespmem:v4+s13+$0x0], $0xffff  }
0x10c: {  	v11 =	vld.idx.msk [tilespmem:v6+s12+$0x0], $0xffff;
	v2 =	vmul.f32 v2, v5  }
0x10d: {  	v5 =	vld.idx.msk [tilespmem:v6+s13+$0x0], $0xffff;
	v6 =	vor.u32 $0x6, v1  }
0x10e: {  	v12 =	vld.idx.msk [tilespmem:v8+s12+$0x0], $0xffff;
	v3 =	vmul.f32 v3, v7;
	v2 =	vadd.f32 $0.0e+00, v2  }
0x10f: {  	v26 =	vor.u32 $0x7, v1;
	v7 =	vld.idx.msk [tilespmem:v8+s13+$0x0], $0xffff  }
0x110: {  	v13 =	vld.idx.msk [tilespmem:v10+s12+$0x0], $0xffff;
	v2 =	vadd.f32 v3, v2;
	v3 =	vmul.f32 v4, v9  }
0x111: {  	v27 =	vor.u32 $0x8, v1;
	v4 =	vld.idx.msk [tilespmem:v10+s13+$0x0], $0xffff  }
0x112: {  	v28 =	vld.idx.msk [tilespmem:v6+s12+$0x0], $0xffff;
	v2 =	vadd.f32 v3, v2;
	v3 =	vmul.f32 v5, v11  }
0x113: {  	v5 =	vld.idx.msk [tilespmem:v6+s13+$0x0], $0xffff;
	v6 =	vor.u32 $0x9, v1  }
0x114: {  	v29 =	vld.idx.msk [tilespmem:v26+s12+$0x0], $0xffff;
	v2 =	vadd.f32 v3, v2;
	v3 =	vmul.f32 v7, v12  }
0x115: {  	v30 =	vor.u32 $0xA, v1;
	v7 =	vld.idx.msk [tilespmem:v26+s13+$0x0], $0xffff  }
0x116: {  	v31 =	vld.idx.msk [tilespmem:v27+s12+$0x0], $0xffff;
	v2 =	vadd.f32 v3, v2;
	v3 =	vmul.f32 v4, v13  }
0x117: {  	v32 =	vor.u32 $0xB, v1;
	v4 =	vld.idx.msk [tilespmem:v27+s13+$0x0], $0xffff  }
0x118: {  	v33 =	vld.idx.msk [tilespmem:v6+s12+$0x0], $0xffff;
	v2 =	vadd.f32 v3, v2;
	v3 =	vmul.f32 v5, v28  }
0x119: {  	v5 =	vld.idx.msk [tilespmem:v6+s13+$0x0], $0xffff;
	v6 =	vor.u32 $0xC, v1  }
0x11a: {  	v34 =	vld.idx.msk [tilespmem:v30+s12+$0x0], $0xffff;
	v2 =	vadd.f32 v3, v2;
	v3 =	vmul.f32 v7, v29  }
0x11b: {  	v35 =	vor.u32 $0xD, v1;
	v7 =	vld.idx.msk [tilespmem:v30+s13+$0x0], $0xffff  }
0x11c: {  	v36 =	vld.idx.msk [tilespmem:v32+s12+$0x0], $0xffff;
	v2 =	vadd.f32 v3, v2;
	v3 =	vmul.f32 v4, v31  }
0x11d: {  	v37 =	vor.u32 $0xE, v1;
	v4 =	vld.idx.msk [tilespmem:v32+s13+$0x0], $0xffff  }
0x11e: {  	v38 =	vld.idx.msk [tilespmem:v6+s12+$0x0], $0xffff;
	v2 =	vadd.f32 v3, v2;
	v3 =	vmul.f32 v5, v33  }
0x11f: {  	v5 =	vld.idx.msk [tilespmem:v6+s13+$0x0], $0xffff;
	v6 =	vor.u32 $0xF, v1  }
0x120: {  	v39 =	vld.idx.msk [tilespmem:v35+s12+$0x0], $0xffff;
	v2 =	vadd.f32 v3, v2;
	v3 =	vmul.f32 v7, v34  }
0x121: {  	v40 =	vor.u32 $0x10, v1;
	v7 =	vld.idx.msk [tilespmem:v35+s13+$0x0], $0xffff  }
0x122: {  	v41 =	vld.idx.msk [tilespmem:v37+s12+$0x0], $0xffff;
	v2 =	vadd.f32 v3, v2;
	v3 =	vmul.f32 v4, v36  }
0x123: {  	v42 =	vor.u32 $0x11, v1;
	v4 =	vld.idx.msk [tilespmem:v37+s13+$0x0], $0xffff  }
0x124: {  	v43 =	vld.idx.msk [tilespmem:v6+s12+$0x0], $0xffff;
	v2 =	vadd.f32 v3, v2;
	v3 =	vmul.f32 v5, v38  }
0x125: {  	v5 =	vld.idx.msk [tilespmem:v6+s13+$0x0], $0xffff;
	v6 =	vor.u32 $0x12, v1  }
0x126: {  	v44 =	vld.idx.msk [tilespmem:v40+s12+$0x0], $0xffff;
	v2 =	vadd.f32 v3, v2;
	v3 =	vmul.f32 v7, v39  }
0x127: {  	v45 =	vor.u32 $0x13, v1;
	v7 =	vld.idx.msk [tilespmem:v40+s13+$0x0], $0xffff  }
0x128: {  	v46 =	vld.idx.msk [tilespmem:v42+s12+$0x0], $0xffff;
	v2 =	vadd.f32 v3, v2;
	v3 =	vmul.f32 v4, v41  }
0x129: {  	v47 =	vor.u32 $0x14, v1;
	v4 =	vld.idx.msk [tilespmem:v42+s13+$0x0], $0xffff  }
0x12a: {  	v48 =	vld.idx.msk [tilespmem:v6+s12+$0x0], $0xffff;
	v2 =	vadd.f32 v3, v2;
	v3 =	vmul.f32 v5, v43  }
0x12b: {  	v5 =	vld.idx.msk [tilespmem:v6+s13+$0x0], $0xffff;
	v6 =	vor.u32 $0x15, v1  }
0x12c: {  	v49 =	vld.idx.msk [tilespmem:v45+s12+$0x0], $0xffff;
	v2 =	vadd.f32 v3, v2;
	v3 =	vmul.f32 v7, v44  }
0x12d: {  	v50 =	vor.u32 $0x16, v1;
	v7 =	vld.idx.msk [tilespmem:v45+s13+$0x0], $0xffff  }
0x12e: {  	v51 =	vld.idx.msk [tilespmem:v47+s12+$0x0], $0xffff;
	v2 =	vadd.f32 v3, v2;
	v3 =	vmul.f32 v4, v46  }
0x12f: {  	v52 =	vor.u32 $0x17, v1;
	v4 =	vld.idx.msk [tilespmem:v47+s13+$0x0], $0xffff  }
0x130: {  	v53 =	vld.idx.msk [tilespmem:v6+s12+$0x0], $0xffff;
	v2 =	vadd.f32 v3, v2;
	v3 =	vmul.f32 v5, v48  }
0x131: {  	v5 =	vld.idx.msk [tilespmem:v6+s13+$0x0], $0xffff;
	v6 =	vor.u32 $0x18, v1  }
0x132: {  	v54 =	vld.idx.msk [tilespmem:v50+s12+$0x0], $0xffff;
	v2 =	vadd.f32 v3, v2;
	v3 =	vmul.f32 v7, v49  }
0x133: {  	v55 =	vor.u32 $0x19, v1;
	v7 =	vld.idx.msk [tilespmem:v50+s13+$0x0], $0xffff  }
0x134: {  	v56 =	vld.idx.msk [tilespmem:v52+s12+$0x0], $0xffff;
	v2 =	vadd.f32 v3, v2;
	v3 =	vmul.f32 v4, v51  }
0x135: {  	v57 =	vor.u32 $0x1A, v1;
	v4 =	vld.idx.msk [tilespmem:v52+s13+$0x0], $0xffff  }
0x136: {  	v58 =	vld.idx.msk [tilespmem:v6+s12+$0x0], $0xffff;
	v2 =	vadd.f32 v3, v2;
	v3 =	vmul.f32 v5, v53  }
0x137: {  	v5 =	vld.idx.msk [tilespmem:v6+s13+$0x0], $0xffff;
	v6 =	vor.u32 $0x1B, v1  }
0x138: {  	v59 =	vld.idx.msk [tilespmem:v55+s12+$0x0], $0xffff;
	v2 =	vadd.f32 v3, v2;
	v3 =	vmul.f32 v7, v54  }
0x139: {  	v60 =	vor.u32 $0x1C, v1;
	v7 =	vld.idx.msk [tilespmem:v55+s13+$0x0], $0xffff  }
0x13a: {  	v61 =	vld.idx.msk [tilespmem:v57+s12+$0x0], $0xffff;
	v2 =	vadd.f32 v3, v2;
	v3 =	vmul.f32 v4, v56  }
0x13b: {  	v62 =	vor.u32 $0x1D, v1;
	v4 =	vld.idx.msk [tilespmem:v57+s13+$0x0], $0xffff  }
0x13c: {  	v63 =	vld.idx.msk [tilespmem:v6+s12+$0x0], $0xffff;
	v2 =	vadd.f32 v3, v2;
	v3 =	vmul.f32 v5, v58  }
0x13d: {  	v5 =	vld.idx.msk [tilespmem:v6+s13+$0x0], $0xffff;
	v6 =	vor.u32 $0x1E, v1  }
0x13e: {  	v16 =	vld.idx.msk [tilespmem:v60+s12+$0x0], $0xffff;
	v2 =	vadd.f32 v3, v2;
	v3 =	vmul.f32 v7, v59  }
0x13f: {  	v1 =	vor.u32 $0x1F, v1;
	v7 =	vld.idx.msk [tilespmem:v60+s13+$0x0], $0xffff  }
0x140: {  	v17 =	vld.idx.msk [tilespmem:v62+s12+$0x0], $0xffff;
	v2 =	vadd.f32 v3, v2;
	v3 =	vmul.f32 v4, v61  }
0x141: {  	v4 =	vld.idx.msk [tilespmem:v62+s13+$0x0], $0xffff  }
0x142: {  	v18 =	vld.idx.msk [tilespmem:v6+s12+$0x0], $0xffff;
	v2 =	vadd.f32 v3, v2;
	v3 =	vmul.f32 v5, v63  }
0x143: {  	v5 =	vld.idx.msk [tilespmem:v6+s13+$0x0], $0xffff  }
0x144: {  	v6 =	vld.idx.msk [tilespmem:v1+s12+$0x0], $0xffff;
	v2 =	vadd.f32 v3, v2;
	v3 =	vmul.f32 v7, v16  }
0x145: {  	v1 =	vld.idx.msk [tilespmem:v1+s13+$0x0], $0xffff  }
0x146: {  	v2 =	vadd.f32 v3, v2;
	v3 =	vmul.f32 v4, v17;
	_ =	sdelay $0x1  }
0x147: {  	v2 =	vadd.f32 v3, v2;
	v3 =	vmul.f32 v5, v18;
	_ =	sdelay $0x1  }
0x148: {  	v1 =	vmul.f32 v1, v6;
	v2 =	vadd.f32 v3, v2;
	_ =	sdelay $0x1  }
0x149: {  	v1 =	vadd.f32 v1, v2  }
0x14a: {  	s31 =	simm.s32 $0x80;
	s30 =	sadd.s32 $0x10, s30  }
0x14b: {  	[tilespmem:s30+$0x0] =	vst v1;
	v1 =	vmov s31  }
0x14c: {  	_ =	swait.ge [sflag:s25], $0x1000;
	v1 =	vshll.u32 v1, $0x5  }
0x14d: {  	[sflag:s25] =	ssyncset.done $0x0;
	v1 =	vor.u32 v0, v1  }
0x14e: {  	[sflag:s25] =	ssyncadd.s32 $0xFFFFF000  }
0x14f: {  	v2 =	vor.u32 $0x1, v1;
	_ =	swait.ge [sflag:s26], $0x1000  }
0x150: {  	[sflag:s26] =	ssyncset.done $0x0  }
0x151: {  	v3 =	vor.u32 $0x2, v1;
	[sflag:s26] =	ssyncadd.s32 $0xFFFFF000  }
0x152: {  	v4 =	vld.idx.msk [tilespmem:v1+s13+$0x0], $0xffff  }
0x153: {  	v6 =	vor.u32 $0x3, v1;
	v5 =	vld.idx.msk [tilespmem:v1+s12+$0x0], $0xffff  }
0x154: {  	v7 =	vld.idx.msk [tilespmem:v2+s12+$0x0], $0xffff  }
0x155: {  	v19 =	vor.u32 $0x4, v1;
	v2 =	vld.idx.msk [tilespmem:v2+s13+$0x0], $0xffff  }
0x156: {  	v20 =	vld.idx.msk [tilespmem:v3+s12+$0x0], $0xffff  }
0x157: {  	v21 =	vor.u32 $0x5, v1;
	v3 =	vld.idx.msk [tilespmem:v3+s13+$0x0], $0xffff  }
0x158: {  	v22 =	vld.idx.msk [tilespmem:v6+s12+$0x0], $0xffff;
	v4 =	vmul.f32 v4, v5  }
0x159: {  	v5 =	vld.idx.msk [tilespmem:v6+s13+$0x0], $0xffff;
	v6 =	vor.u32 $0x6, v1  }
0x15a: {  	v23 =	vld.idx.msk [tilespmem:v19+s12+$0x0], $0xffff;
	v2 =	vmul.f32 v2, v7;
	v4 =	vadd.f32 $0.0e+00, v4  }
0x15b: {  	v24 =	vor.u32 $0x7, v1;
	v7 =	vld.idx.msk [tilespmem:v19+s13+$0x0], $0xffff  }
0x15c: {  	v25 =	vld.idx.msk [tilespmem:v21+s12+$0x0], $0xffff;
	v3 =	vmul.f32 v3, v20;
	v2 =	vadd.f32 v2, v4  }
0x15d: {  	v26 =	vor.u32 $0x8, v1;
	v4 =	vld.idx.msk [tilespmem:v21+s13+$0x0], $0xffff  }
0x15e: {  	v27 =	vld.idx.msk [tilespmem:v6+s12+$0x0], $0xffff;
	v2 =	vadd.f32 v3, v2;
	v3 =	vmul.f32 v5, v22  }
0x15f: {  	v5 =	vld.idx.msk [tilespmem:v6+s13+$0x0], $0xffff;
	v6 =	vor.u32 $0x9, v1  }
0x160: {  	v28 =	vld.idx.msk [tilespmem:v24+s12+$0x0], $0xffff;
	v2 =	vadd.f32 v3, v2;
	v3 =	vmul.f32 v7, v23  }
0x161: {  	v29 =	vor.u32 $0xA, v1;
	v7 =	vld.idx.msk [tilespmem:v24+s13+$0x0], $0xffff  }
0x162: {  	v30 =	vld.idx.msk [tilespmem:v26+s12+$0x0], $0xffff;
	v2 =	vadd.f32 v3, v2;
	v3 =	vmul.f32 v4, v25  }
0x163: {  	v31 =	vor.u32 $0xB, v1;
	v4 =	vld.idx.msk [tilespmem:v26+s13+$0x0], $0xffff  }
0x164: {  	v32 =	vld.idx.msk [tilespmem:v6+s12+$0x0], $0xffff;
	v2 =	vadd.f32 v3, v2;
	v3 =	vmul.f32 v5, v27  }
0x165: {  	v5 =	vld.idx.msk [tilespmem:v6+s13+$0x0], $0xffff;
	v6 =	vor.u32 $0xC, v1  }
0x166: {  	v33 =	vld.idx.msk [tilespmem:v29+s12+$0x0], $0xffff;
	v2 =	vadd.f32 v3, v2;
	v3 =	vmul.f32 v7, v28  }
0x167: {  	v34 =	vor.u32 $0xD, v1;
	v7 =	vld.idx.msk [tilespmem:v29+s13+$0x0], $0xffff  }
0x168: {  	v35 =	vld.idx.msk [tilespmem:v31+s12+$0x0], $0xffff;
	v2 =	vadd.f32 v3, v2;
	v3 =	vmul.f32 v4, v30  }
0x169: {  	v36 =	vor.u32 $0xE, v1;
	v4 =	vld.idx.msk [tilespmem:v31+s13+$0x0], $0xffff  }
0x16a: {  	v37 =	vld.idx.msk [tilespmem:v6+s12+$0x0], $0xffff;
	v2 =	vadd.f32 v3, v2;
	v3 =	vmul.f32 v5, v32  }
0x16b: {  	v5 =	vld.idx.msk [tilespmem:v6+s13+$0x0], $0xffff;
	v6 =	vor.u32 $0xF, v1  }
0x16c: {  	v38 =	vld.idx.msk [tilespmem:v34+s12+$0x0], $0xffff;
	v2 =	vadd.f32 v3, v2;
	v3 =	vmul.f32 v7, v33  }
0x16d: {  	v39 =	vor.u32 $0x10, v1;
	v7 =	vld.idx.msk [tilespmem:v34+s13+$0x0], $0xffff  }
0x16e: {  	v40 =	vld.idx.msk [tilespmem:v36+s12+$0x0], $0xffff;
	v2 =	vadd.f32 v3, v2;
	v3 =	vmul.f32 v4, v35  }
0x16f: {  	v41 =	vor.u32 $0x11, v1;
	v4 =	vld.idx.msk [tilespmem:v36+s13+$0x0], $0xffff  }
0x170: {  	v42 =	vld.idx.msk [tilespmem:v6+s12+$0x0], $0xffff;
	v2 =	vadd.f32 v3, v2;
	v3 =	vmul.f32 v5, v37  }
0x171: {  	v5 =	vld.idx.msk [tilespmem:v6+s13+$0x0], $0xffff;
	v6 =	vor.u32 $0x12, v1  }
0x172: {  	v43 =	vld.idx.msk [tilespmem:v39+s12+$0x0], $0xffff;
	v2 =	vadd.f32 v3, v2;
	v3 =	vmul.f32 v7, v38  }
0x173: {  	v44 =	vor.u32 $0x13, v1;
	v7 =	vld.idx.msk [tilespmem:v39+s13+$0x0], $0xffff  }
0x174: {  	v45 =	vld.idx.msk [tilespmem:v41+s12+$0x0], $0xffff;
	v2 =	vadd.f32 v3, v2;
	v3 =	vmul.f32 v4, v40  }
0x175: {  	v46 =	vor.u32 $0x14, v1;
	v4 =	vld.idx.msk [tilespmem:v41+s13+$0x0], $0xffff  }
0x176: {  	v47 =	vld.idx.msk [tilespmem:v6+s12+$0x0], $0xffff;
	v2 =	vadd.f32 v3, v2;
	v3 =	vmul.f32 v5, v42  }
0x177: {  	v5 =	vld.idx.msk [tilespmem:v6+s13+$0x0], $0xffff;
	v6 =	vor.u32 $0x15, v1  }
0x178: {  	v48 =	vld.idx.msk [tilespmem:v44+s12+$0x0], $0xffff;
	v2 =	vadd.f32 v3, v2;
	v3 =	vmul.f32 v7, v43  }
0x179: {  	v49 =	vor.u32 $0x16, v1;
	v7 =	vld.idx.msk [tilespmem:v44+s13+$0x0], $0xffff  }
0x17a: {  	v50 =	vld.idx.msk [tilespmem:v46+s12+$0x0], $0xffff;
	v2 =	vadd.f32 v3, v2;
	v3 =	vmul.f32 v4, v45  }
0x17b: {  	v51 =	vor.u32 $0x17, v1;
	v4 =	vld.idx.msk [tilespmem:v46+s13+$0x0], $0xffff  }
0x17c: {  	v52 =	vld.idx.msk [tilespmem:v6+s12+$0x0], $0xffff;
	v2 =	vadd.f32 v3, v2;
	v3 =	vmul.f32 v5, v47  }
0x17d: {  	v5 =	vld.idx.msk [tilespmem:v6+s13+$0x0], $0xffff;
	v6 =	vor.u32 $0x18, v1  }
0x17e: {  	v53 =	vld.idx.msk [tilespmem:v49+s12+$0x0], $0xffff;
	v2 =	vadd.f32 v3, v2;
	v3 =	vmul.f32 v7, v48  }
0x17f: {  	v54 =	vor.u32 $0x19, v1;
	v7 =	vld.idx.msk [tilespmem:v49+s13+$0x0], $0xffff  }
0x180: {  	v55 =	vld.idx.msk [tilespmem:v51+s12+$0x0], $0xffff;
	v2 =	vadd.f32 v3, v2;
	v3 =	vmul.f32 v4, v50  }
0x181: {  	v56 =	vor.u32 $0x1A, v1;
	v4 =	vld.idx.msk [tilespmem:v51+s13+$0x0], $0xffff  }
0x182: {  	v57 =	vld.idx.msk [tilespmem:v6+s12+$0x0], $0xffff;
	v2 =	vadd.f32 v3, v2;
	v3 =	vmul.f32 v5, v52  }
0x183: {  	v5 =	vld.idx.msk [tilespmem:v6+s13+$0x0], $0xffff;
	v6 =	vor.u32 $0x1B, v1  }
0x184: {  	v58 =	vld.idx.msk [tilespmem:v54+s12+$0x0], $0xffff;
	v2 =	vadd.f32 v3, v2;
	v3 =	vmul.f32 v7, v53  }
0x185: {  	v59 =	vor.u32 $0x1C, v1;
	v7 =	vld.idx.msk [tilespmem:v54+s13+$0x0], $0xffff  }
0x186: {  	v60 =	vld.idx.msk [tilespmem:v56+s12+$0x0], $0xffff;
	v2 =	vadd.f32 v3, v2;
	v3 =	vmul.f32 v4, v55  }
0x187: {  	v61 =	vor.u32 $0x1D, v1;
	v4 =	vld.idx.msk [tilespmem:v56+s13+$0x0], $0xffff  }
0x188: {  	v62 =	vld.idx.msk [tilespmem:v6+s12+$0x0], $0xffff;
	v2 =	vadd.f32 v3, v2;
	v3 =	vmul.f32 v5, v57  }
0x189: {  	v5 =	vld.idx.msk [tilespmem:v6+s13+$0x0], $0xffff;
	v6 =	vor.u32 $0x1E, v1  }
0x18a: {  	v63 =	vld.idx.msk [tilespmem:v59+s12+$0x0], $0xffff;
	v2 =	vadd.f32 v3, v2;
	v3 =	vmul.f32 v7, v58  }
0x18b: {  	v1 =	vor.u32 $0x1F, v1;
	v7 =	vld.idx.msk [tilespmem:v59+s13+$0x0], $0xffff  }
0x18c: {  	v15 =	vld.idx.msk [tilespmem:v61+s12+$0x0], $0xffff;
	v2 =	vadd.f32 v3, v2;
	v3 =	vmul.f32 v4, v60  }
0x18d: {  	v4 =	vld.idx.msk [tilespmem:v61+s13+$0x0], $0xffff  }
0x18e: {  	v16 =	vld.idx.msk [tilespmem:v6+s12+$0x0], $0xffff;
	v2 =	vadd.f32 v3, v2;
	v3 =	vmul.f32 v5, v62  }
0x18f: {  	v5 =	vld.idx.msk [tilespmem:v6+s13+$0x0], $0xffff  }
0x190: {  	v6 =	vld.idx.msk [tilespmem:v1+s12+$0x0], $0xffff;
	v2 =	vadd.f32 v3, v2;
	v3 =	vmul.f32 v7, v63  }
0x191: {  	v7 =	vld.idx.msk [tilespmem:v1+s13+$0x0], $0xffff  }
0x192: {  	v1 =	vadd.f32 v3, v2;
	v2 =	vmul.f32 v4, v15  }
0x193: {  	s30 =	simm.s32 $0x90  }
0x194: {  	v3 =	vmov s30;
	v4 =	vmul.f32 v5, v16;
	v2 =	vadd.f32 v2, v1  }
0x195: {  	v1 =	vshll.u32 v3, $0x5  }
0x196: {  	v1 =	vor.u32 v0, v1;
	v3 =	vmul.f32 v7, v6;
	v2 =	vadd.f32 v4, v2;
	_ =	sdelay $0x1  }
0x197: {  	v4 =	vor.u32 $0x1, v1;
	v2 =	vadd.f32 v3, v2  }
0x198: {  	s30 =	simm.s32 $0x8480  }
0x199: {  	v3 =	vor.u32 $0x2, v1;
	[tilespmem:s30+$0x0] =	vst v2  }
0x19a: {  	v2 =	vld.idx.msk [tilespmem:v1+s13+$0x0], $0xffff  }
0x19b: {  	v6 =	vor.u32 $0x3, v1;
	v5 =	vld.idx.msk [tilespmem:v1+s12+$0x0], $0xffff  }
0x19c: {  	v7 =	vld.idx.msk [tilespmem:v4+s12+$0x0], $0xffff  }
0x19d: {  	v17 =	vor.u32 $0x4, v1;
	v4 =	vld.idx.msk [tilespmem:v4+s13+$0x0], $0xffff  }
0x19e: {  	v18 =	vld.idx.msk [tilespmem:v3+s12+$0x0], $0xffff  }
0x19f: {  	v19 =	vor.u32 $0x5, v1;
	v3 =	vld.idx.msk [tilespmem:v3+s13+$0x0], $0xffff  }
0x1a0: {  	v20 =	vld.idx.msk [tilespmem:v6+s12+$0x0], $0xffff;
	v2 =	vmul.f32 v2, v5  }
0x1a1: {  	v5 =	vld.idx.msk [tilespmem:v6+s13+$0x0], $0xffff;
	v6 =	vor.u32 $0x6, v1  }
0x1a2: {  	v21 =	vld.idx.msk [tilespmem:v17+s12+$0x0], $0xffff;
	v4 =	vmul.f32 v4, v7;
	v2 =	vadd.f32 $0.0e+00, v2  }
0x1a3: {  	v22 =	vor.u32 $0x7, v1;
	v7 =	vld.idx.msk [tilespmem:v17+s13+$0x0], $0xffff  }
0x1a4: {  	v23 =	vld.idx.msk [tilespmem:v19+s12+$0x0], $0xffff;
	v3 =	vmul.f32 v3, v18;
	v2 =	vadd.f32 v4, v2  }
0x1a5: {  	v24 =	vor.u32 $0x8, v1;
	v4 =	vld.idx.msk [tilespmem:v19+s13+$0x0], $0xffff  }
0x1a6: {  	v25 =	vld.idx.msk [tilespmem:v6+s12+$0x0], $0xffff;
	v2 =	vadd.f32 v3, v2;
	v3 =	vmul.f32 v5, v20  }
0x1a7: {  	v5 =	vld.idx.msk [tilespmem:v6+s13+$0x0], $0xffff;
	v6 =	vor.u32 $0x9, v1  }
0x1a8: {  	v26 =	vld.idx.msk [tilespmem:v22+s12+$0x0], $0xffff;
	v2 =	vadd.f32 v3, v2;
	v3 =	vmul.f32 v7, v21  }
0x1a9: {  	v27 =	vor.u32 $0xA, v1;
	v7 =	vld.idx.msk [tilespmem:v22+s13+$0x0], $0xffff  }
0x1aa: {  	v28 =	vld.idx.msk [tilespmem:v24+s12+$0x0], $0xffff;
	v2 =	vadd.f32 v3, v2;
	v3 =	vmul.f32 v4, v23  }
0x1ab: {  	v29 =	vor.u32 $0xB, v1;
	v4 =	vld.idx.msk [tilespmem:v24+s13+$0x0], $0xffff  }
0x1ac: {  	v30 =	vld.idx.msk [tilespmem:v6+s12+$0x0], $0xffff;
	v2 =	vadd.f32 v3, v2;
	v3 =	vmul.f32 v5, v25  }
0x1ad: {  	v5 =	vld.idx.msk [tilespmem:v6+s13+$0x0], $0xffff;
	v6 =	vor.u32 $0xC, v1  }
0x1ae: {  	v31 =	vld.idx.msk [tilespmem:v27+s12+$0x0], $0xffff;
	v2 =	vadd.f32 v3, v2;
	v3 =	vmul.f32 v7, v26  }
0x1af: {  	v32 =	vor.u32 $0xD, v1;
	v7 =	vld.idx.msk [tilespmem:v27+s13+$0x0], $0xffff  }
0x1b0: {  	v33 =	vld.idx.msk [tilespmem:v29+s12+$0x0], $0xffff;
	v2 =	vadd.f32 v3, v2;
	v3 =	vmul.f32 v4, v28  }
0x1b1: {  	v34 =	vor.u32 $0xE, v1;
	v4 =	vld.idx.msk [tilespmem:v29+s13+$0x0], $0xffff  }
0x1b2: {  	v35 =	vld.idx.msk [tilespmem:v6+s12+$0x0], $0xffff;
	v2 =	vadd.f32 v3, v2;
	v3 =	vmul.f32 v5, v30  }
0x1b3: {  	v5 =	vld.idx.msk [tilespmem:v6+s13+$0x0], $0xffff;
	v6 =	vor.u32 $0xF, v1  }
0x1b4: {  	v36 =	vld.idx.msk [tilespmem:v32+s12+$0x0], $0xffff;
	v2 =	vadd.f32 v3, v2;
	v3 =	vmul.f32 v7, v31  }
0x1b5: {  	v37 =	vor.u32 $0x10, v1;
	v7 =	vld.idx.msk [tilespmem:v32+s13+$0x0], $0xffff  }
0x1b6: {  	v38 =	vld.idx.msk [tilespmem:v34+s12+$0x0], $0xffff;
	v2 =	vadd.f32 v3, v2;
	v3 =	vmul.f32 v4, v33  }
0x1b7: {  	v39 =	vor.u32 $0x11, v1;
	v4 =	vld.idx.msk [tilespmem:v34+s13+$0x0], $0xffff  }
0x1b8: {  	v40 =	vld.idx.msk [tilespmem:v6+s12+$0x0], $0xffff;
	v2 =	vadd.f32 v3, v2;
	v3 =	vmul.f32 v5, v35  }
0x1b9: {  	v5 =	vld.idx.msk [tilespmem:v6+s13+$0x0], $0xffff;
	v6 =	vor.u32 $0x12, v1  }
0x1ba: {  	v41 =	vld.idx.msk [tilespmem:v37+s12+$0x0], $0xffff;
	v2 =	vadd.f32 v3, v2;
	v3 =	vmul.f32 v7, v36  }
0x1bb: {  	v42 =	vor.u32 $0x13, v1;
	v7 =	vld.idx.msk [tilespmem:v37+s13+$0x0], $0xffff  }
0x1bc: {  	v43 =	vld.idx.msk [tilespmem:v39+s12+$0x0], $0xffff;
	v2 =	vadd.f32 v3, v2;
	v3 =	vmul.f32 v4, v38  }
0x1bd: {  	v44 =	vor.u32 $0x14, v1;
	v4 =	vld.idx.msk [tilespmem:v39+s13+$0x0], $0xffff  }
0x1be: {  	v45 =	vld.idx.msk [tilespmem:v6+s12+$0x0], $0xffff;
	v2 =	vadd.f32 v3, v2;
	v3 =	vmul.f32 v5, v40  }
0x1bf: {  	v5 =	vld.idx.msk [tilespmem:v6+s13+$0x0], $0xffff;
	v6 =	vor.u32 $0x15, v1  }
0x1c0: {  	v46 =	vld.idx.msk [tilespmem:v42+s12+$0x0], $0xffff;
	v2 =	vadd.f32 v3, v2;
	v3 =	vmul.f32 v7, v41  }
0x1c1: {  	v47 =	vor.u32 $0x16, v1;
	v7 =	vld.idx.msk [tilespmem:v42+s13+$0x0], $0xffff  }
0x1c2: {  	v48 =	vld.idx.msk [tilespmem:v44+s12+$0x0], $0xffff;
	v2 =	vadd.f32 v3, v2;
	v3 =	vmul.f32 v4, v43  }
0x1c3: {  	v49 =	vor.u32 $0x17, v1;
	v4 =	vld.idx.msk [tilespmem:v44+s13+$0x0], $0xffff  }
0x1c4: {  	v50 =	vld.idx.msk [tilespmem:v6+s12+$0x0], $0xffff;
	v2 =	vadd.f32 v3, v2;
	v3 =	vmul.f32 v5, v45  }
0x1c5: {  	v5 =	vld.idx.msk [tilespmem:v6+s13+$0x0], $0xffff;
	v6 =	vor.u32 $0x18, v1  }
0x1c6: {  	v51 =	vld.idx.msk [tilespmem:v47+s12+$0x0], $0xffff;
	v2 =	vadd.f32 v3, v2;
	v3 =	vmul.f32 v7, v46  }
0x1c7: {  	v52 =	vor.u32 $0x19, v1;
	v7 =	vld.idx.msk [tilespmem:v47+s13+$0x0], $0xffff  }
0x1c8: {  	v53 =	vld.idx.msk [tilespmem:v49+s12+$0x0], $0xffff;
	v2 =	vadd.f32 v3, v2;
	v3 =	vmul.f32 v4, v48  }
0x1c9: {  	v54 =	vor.u32 $0x1A, v1;
	v4 =	vld.idx.msk [tilespmem:v49+s13+$0x0], $0xffff  }
0x1ca: {  	v55 =	vld.idx.msk [tilespmem:v6+s12+$0x0], $0xffff;
	v2 =	vadd.f32 v3, v2;
	v3 =	vmul.f32 v5, v50  }
0x1cb: {  	v5 =	vld.idx.msk [tilespmem:v6+s13+$0x0], $0xffff;
	v6 =	vor.u32 $0x1B, v1  }
0x1cc: {  	v56 =	vld.idx.msk [tilespmem:v52+s12+$0x0], $0xffff;
	v2 =	vadd.f32 v3, v2;
	v3 =	vmul.f32 v7, v51  }
0x1cd: {  	v57 =	vor.u32 $0x1C, v1;
	v7 =	vld.idx.msk [tilespmem:v52+s13+$0x0], $0xffff  }
0x1ce: {  	v58 =	vld.idx.msk [tilespmem:v54+s12+$0x0], $0xffff;
	v2 =	vadd.f32 v3, v2;
	v3 =	vmul.f32 v4, v53  }
0x1cf: {  	v4 =	vld.idx.msk [tilespmem:v54+s13+$0x0], $0xffff  }
0x1d0: {  	v60 =	vld.idx.msk [tilespmem:v6+s12+$0x0], $0xffff;
	v2 =	vadd.f32 v3, v2;
	v3 =	vmul.f32 v5, v55  }
0x1d1: {  	v59 =	vor.u32 $0x1D, v1;
	v5 =	vld.idx.msk [tilespmem:v6+s13+$0x0], $0xffff  }
0x1d2: {  	v61 =	vld.idx.msk [tilespmem:v57+s12+$0x0], $0xffff;
	v2 =	vadd.f32 v3, v2;
	v3 =	vmul.f32 v7, v56  }
0x1d3: {  	v6 =	vor.u32 $0x1E, v1;
	v7 =	vld.idx.msk [tilespmem:v57+s13+$0x0], $0xffff  }
0x1d4: {  	v2 =	vadd.f32 v3, v2;
	v3 =	vmul.f32 v4, v58  }
0x1d5: {  	v1 =	vor.u32 $0x1F, v1  }
0x1d6: {  	v62 =	vld.idx.msk [tilespmem:v59+s12+$0x0], $0xffff;
	v2 =	vadd.f32 v3, v2;
	v3 =	vmul.f32 v5, v60  }
0x1d7: {  	v4 =	vld.idx.msk [tilespmem:v59+s13+$0x0], $0xffff  }
0x1d8: {  	v63 =	vld.idx.msk [tilespmem:v6+s12+$0x0], $0xffff;
	v2 =	vadd.f32 v3, v2;
	v3 =	vmul.f32 v7, v61  }
0x1d9: {  	v5 =	vld.idx.msk [tilespmem:v6+s13+$0x0], $0xffff  }
0x1da: {  	v6 =	vadd.f32 v3, v2;
	v2 =	vld.idx.msk [tilespmem:v1+s12+$0x0], $0xffff  }
0x1db: {  	v3 =	vld.idx.msk [tilespmem:v1+s13+$0x0], $0xffff  }
0x1dc: {  	v4 =	vmul.f32 v4, v62  }
0x1dd: {  	s31 =	simm.s32 $0xA0  }
0x1de: {  	v7 =	vmov s31;
	v5 =	vmul.f32 v5, v63;
	v4 =	vadd.f32 v4, v6  }
0x1df: {  	s31 =	simm.s32 $0xB0;
	v1 =	vshll.u32 v7, $0x5  }
.LBB2_4:
0x1e0: {  	p0 =	sne.s32 s31, $0xF0;
	v1 =	vor.u32 v0, v1;
	v4 =	vadd.f32 v5, v4;
	v2 =	vmul.f32 v3, v2;
	_ =	sdelay $0x1  }
0x1e1: {  	v3 =	vor.u32 $0x1, v1;
	v2 =	vadd.f32 v2, v4  }
0x1e2: {  	s30 =	sadd.s32 $0x10, s30  }
0x1e3: {  	v4 =	vor.u32 $0x2, v1;
	[tilespmem:s30+$0x0] =	vst v2  }
0x1e4: {  	v2 =	vld.idx.msk [tilespmem:v1+s13+$0x0], $0xffff  }
0x1e5: {  	v6 =	vor.u32 $0x3, v1;
	v5 =	vld.idx.msk [tilespmem:v1+s12+$0x0], $0xffff  }
0x1e6: {  	v7 =	vld.idx.msk [tilespmem:v3+s12+$0x0], $0xffff  }
0x1e7: {  	v8 =	vor.u32 $0x4, v1;
	v3 =	vld.idx.msk [tilespmem:v3+s13+$0x0], $0xffff  }
0x1e8: {  	v9 =	vld.idx.msk [tilespmem:v4+s12+$0x0], $0xffff  }
0x1e9: {  	v10 =	vor.u32 $0x5, v1;
	v4 =	vld.idx.msk [tilespmem:v4+s13+$0x0], $0xffff  }
0x1ea: {  	v11 =	vld.idx.msk [tilespmem:v6+s12+$0x0], $0xffff  }
0x1eb: {  	v2 =	vmul.f32 v2, v5;
	v5 =	vld.idx.msk [tilespmem:v6+s13+$0x0], $0xffff;
	v6 =	vor.u32 $0x6, v1  }
0x1ec: {  	v12 =	vld.idx.msk [tilespmem:v8+s12+$0x0], $0xffff  }
0x1ed: {  	v2 =	vadd.f32 $0.0e+00, v2;
	v3 =	vmul.f32 v3, v7;
	v7 =	vld.idx.msk [tilespmem:v8+s13+$0x0], $0xffff;
	v8 =	vor.u32 $0x7, v1  }
0x1ee: {  	v13 =	vld.idx.msk [tilespmem:v10+s12+$0x0], $0xffff  }
0x1ef: {  	v2 =	vadd.f32 v3, v2;
	v3 =	vmul.f32 v4, v9;
	v9 =	vor.u32 $0x8, v1;
	v4 =	vld.idx.msk [tilespmem:v10+s13+$0x0], $0xffff  }
0x1f0: {  	v10 =	vld.idx.msk [tilespmem:v6+s12+$0x0], $0xffff  }
0x1f1: {  	v2 =	vadd.f32 v3, v2;
	v3 =	vmul.f32 v5, v11;
	v5 =	vld.idx.msk [tilespmem:v6+s13+$0x0], $0xffff;
	v6 =	vor.u32 $0x9, v1  }
0x1f2: {  	v11 =	vld.idx.msk [tilespmem:v8+s12+$0x0], $0xffff  }
0x1f3: {  	v2 =	vadd.f32 v3, v2;
	v3 =	vmul.f32 v7, v12;
	v7 =	vld.idx.msk [tilespmem:v8+s13+$0x0], $0xffff;
	v8 =	vor.u32 $0xA, v1  }
0x1f4: {  	v12 =	vld.idx.msk [tilespmem:v9+s12+$0x0], $0xffff  }
0x1f5: {  	v2 =	vadd.f32 v3, v2;
	v3 =	vmul.f32 v4, v13;
	v4 =	vld.idx.msk [tilespmem:v9+s13+$0x0], $0xffff;
	v9 =	vor.u32 $0xB, v1  }
0x1f6: {  	v13 =	vld.idx.msk [tilespmem:v6+s12+$0x0], $0xffff  }
0x1f7: {  	v2 =	vadd.f32 v3, v2;
	v3 =	vmul.f32 v5, v10;
	v5 =	vld.idx.msk [tilespmem:v6+s13+$0x0], $0xffff;
	v6 =	vor.u32 $0xC, v1  }
0x1f8: {  	v10 =	vld.idx.msk [tilespmem:v8+s12+$0x0], $0xffff  }
0x1f9: {  	v2 =	vadd.f32 v3, v2;
	v3 =	vmul.f32 v7, v11;
	v7 =	vld.idx.msk [tilespmem:v8+s13+$0x0], $0xffff;
	v8 =	vor.u32 $0xD, v1  }
0x1fa: {  	v11 =	vld.idx.msk [tilespmem:v9+s12+$0x0], $0xffff  }
0x1fb: {  	v2 =	vadd.f32 v3, v2;
	v3 =	vmul.f32 v4, v12;
	v4 =	vld.idx.msk [tilespmem:v9+s13+$0x0], $0xffff;
	v9 =	vor.u32 $0xE, v1  }
0x1fc: {  	v12 =	vld.idx.msk [tilespmem:v6+s12+$0x0], $0xffff  }
0x1fd: {  	v2 =	vadd.f32 v3, v2;
	v3 =	vmul.f32 v5, v13;
	v5 =	vld.idx.msk [tilespmem:v6+s13+$0x0], $0xffff;
	v6 =	vor.u32 $0xF, v1  }
0x1fe: {  	v13 =	vld.idx.msk [tilespmem:v8+s12+$0x0], $0xffff  }
0x1ff: {  	v2 =	vadd.f32 v3, v2;
	v3 =	vmul.f32 v7, v10;
	v7 =	vld.idx.msk [tilespmem:v8+s13+$0x0], $0xffff;
	v8 =	vor.u32 $0x10, v1  }
0x200: {  	v10 =	vld.idx.msk [tilespmem:v9+s12+$0x0], $0xffff  }
0x201: {  	v2 =	vadd.f32 v3, v2;
	v3 =	vmul.f32 v4, v11;
	v4 =	vld.idx.msk [tilespmem:v9+s13+$0x0], $0xffff;
	v9 =	vor.u32 $0x11, v1  }
0x202: {  	v11 =	vld.idx.msk [tilespmem:v6+s12+$0x0], $0xffff  }
0x203: {  	v2 =	vadd.f32 v3, v2;
	v3 =	vmul.f32 v5, v12;
	v5 =	vld.idx.msk [tilespmem:v6+s13+$0x0], $0xffff;
	v6 =	vor.u32 $0x12, v1  }
0x204: {  	v12 =	vld.idx.msk [tilespmem:v8+s12+$0x0], $0xffff  }
0x205: {  	v2 =	vadd.f32 v3, v2;
	v3 =	vmul.f32 v7, v13;
	v7 =	vld.idx.msk [tilespmem:v8+s13+$0x0], $0xffff;
	v8 =	vor.u32 $0x13, v1  }
0x206: {  	v13 =	vld.idx.msk [tilespmem:v9+s12+$0x0], $0xffff  }
0x207: {  	v2 =	vadd.f32 v3, v2;
	v3 =	vmul.f32 v4, v10;
	v4 =	vld.idx.msk [tilespmem:v9+s13+$0x0], $0xffff;
	v9 =	vor.u32 $0x14, v1  }
0x208: {  	v10 =	vld.idx.msk [tilespmem:v6+s12+$0x0], $0xffff  }
0x209: {  	v2 =	vadd.f32 v3, v2;
	v3 =	vmul.f32 v5, v11;
	v5 =	vld.idx.msk [tilespmem:v6+s13+$0x0], $0xffff;
	v6 =	vor.u32 $0x15, v1  }
0x20a: {  	v11 =	vld.idx.msk [tilespmem:v8+s12+$0x0], $0xffff  }
0x20b: {  	v2 =	vadd.f32 v3, v2;
	v3 =	vmul.f32 v7, v12;
	v7 =	vld.idx.msk [tilespmem:v8+s13+$0x0], $0xffff;
	v8 =	vor.u32 $0x16, v1  }
0x20c: {  	v12 =	vld.idx.msk [tilespmem:v9+s12+$0x0], $0xffff  }
0x20d: {  	v2 =	vadd.f32 v3, v2;
	v3 =	vmul.f32 v4, v13;
	v4 =	vld.idx.msk [tilespmem:v9+s13+$0x0], $0xffff;
	v9 =	vor.u32 $0x17, v1  }
0x20e: {  	v13 =	vld.idx.msk [tilespmem:v6+s12+$0x0], $0xffff  }
0x20f: {  	v2 =	vadd.f32 v3, v2;
	v3 =	vmul.f32 v5, v10;
	v5 =	vld.idx.msk [tilespmem:v6+s13+$0x0], $0xffff;
	v6 =	vor.u32 $0x18, v1  }
0x210: {  	v10 =	vld.idx.msk [tilespmem:v8+s12+$0x0], $0xffff  }
0x211: {  	v2 =	vadd.f32 v3, v2;
	v3 =	vmul.f32 v7, v11;
	v7 =	vld.idx.msk [tilespmem:v8+s13+$0x0], $0xffff;
	v8 =	vor.u32 $0x19, v1  }
0x212: {  	v11 =	vld.idx.msk [tilespmem:v9+s12+$0x0], $0xffff  }
0x213: {  	v2 =	vadd.f32 v3, v2;
	v3 =	vmul.f32 v4, v12;
	v4 =	vld.idx.msk [tilespmem:v9+s13+$0x0], $0xffff;
	v9 =	vor.u32 $0x1A, v1  }
0x214: {  	v12 =	vld.idx.msk [tilespmem:v6+s12+$0x0], $0xffff  }
0x215: {  	v2 =	vadd.f32 v3, v2;
	v3 =	vmul.f32 v5, v13;
	v5 =	vld.idx.msk [tilespmem:v6+s13+$0x0], $0xffff;
	v6 =	vor.u32 $0x1B, v1  }
0x216: {  	v13 =	vld.idx.msk [tilespmem:v8+s12+$0x0], $0xffff  }
0x217: {  	v2 =	vadd.f32 v3, v2;
	v3 =	vmul.f32 v7, v10;
	v7 =	vld.idx.msk [tilespmem:v8+s13+$0x0], $0xffff;
	v8 =	vor.u32 $0x1C, v1  }
0x218: {  	v10 =	vld.idx.msk [tilespmem:v9+s12+$0x0], $0xffff  }
0x219: {  	v2 =	vadd.f32 v3, v2;
	v3 =	vmul.f32 v4, v11;
	v4 =	vld.idx.msk [tilespmem:v9+s13+$0x0], $0xffff;
	v9 =	vor.u32 $0x1D, v1  }
0x21a: {  	v11 =	vld.idx.msk [tilespmem:v6+s12+$0x0], $0xffff  }
0x21b: {  	v2 =	vadd.f32 v3, v2;
	v3 =	vmul.f32 v5, v12;
	v5 =	vld.idx.msk [tilespmem:v6+s13+$0x0], $0xffff;
	v6 =	vor.u32 $0x1E, v1  }
0x21c: {  	v12 =	vld.idx.msk [tilespmem:v8+s12+$0x0], $0xffff  }
0x21d: {  	v1 =	vor.u32 $0x1F, v1;
	v2 =	vadd.f32 v3, v2;
	v3 =	vmul.f32 v7, v13;
	v7 =	vld.idx.msk [tilespmem:v8+s13+$0x0], $0xffff  }
0x21e: {  	v8 =	vld.idx.msk [tilespmem:v9+s12+$0x0], $0xffff  }
0x21f: {  	v2 =	vadd.f32 v3, v2;
	v3 =	vmul.f32 v4, v10;
	v4 =	vld.idx.msk [tilespmem:v9+s13+$0x0], $0xffff  }
0x220: {  	v9 =	vld.idx.msk [tilespmem:v6+s12+$0x0], $0xffff  }
0x221: {  	v3 =	vadd.f32 v3, v2;
	v5 =	vmul.f32 v5, v11;
	v6 =	vld.idx.msk [tilespmem:v6+s13+$0x0], $0xffff  }
0x222: {  	v2 =	vld.idx.msk [tilespmem:v1+s12+$0x0], $0xffff  }
0x223: {  	v5 =	vadd.f32 v5, v3;
	v7 =	vmul.f32 v7, v12;
	v3 =	vld.idx.msk [tilespmem:v1+s13+$0x0], $0xffff  }
.Ltmp1:
0x224: {  	(pc) =	sbr.rel @p0 .LBB2_4-.Ltmp1, $3  }
0x225: {  	v1 =	vadd.f32 v7, v5;
	v4 =	vmul.f32 v4, v8;
	_ =	sdelay $0x1  }
0x226: {  	v7 =	vmov s31;
	v4 =	vadd.f32 v4, v1;
	v5 =	vmul.f32 v6, v9  }
0x227: {  	s31 =	sadd.s32 $0x10, s31;
	v1 =	vshll.u32 v7, $0x5  }
0x228: {  	v1 =	vor.u32 v0, v1;
	v4 =	vadd.f32 v5, v4;
	v2 =	vmul.f32 v3, v2;
	_ =	sdelay $0x1  }
0x229: {  	v3 =	vor.u32 $0x1, v1;
	v2 =	vadd.f32 v2, v4  }
0x22a: {  	s30 =	sadd.s32 $0x10, s30  }
0x22b: {  	v4 =	vor.u32 $0x2, v1;
	[tilespmem:s30+$0x0] =	vst v2  }
0x22c: {  	v2 =	vld.idx.msk [tilespmem:v1+s13+$0x0], $0xffff  }
0x22d: {  	v6 =	vor.u32 $0x3, v1;
	v5 =	vld.idx.msk [tilespmem:v1+s12+$0x0], $0xffff  }
0x22e: {  	v7 =	vld.idx.msk [tilespmem:v3+s12+$0x0], $0xffff  }
0x22f: {  	v8 =	vor.u32 $0x4, v1;
	v3 =	vld.idx.msk [tilespmem:v3+s13+$0x0], $0xffff  }
0x230: {  	v9 =	vld.idx.msk [tilespmem:v4+s12+$0x0], $0xffff  }
0x231: {  	v10 =	vor.u32 $0x5, v1;
	v4 =	vld.idx.msk [tilespmem:v4+s13+$0x0], $0xffff  }
0x232: {  	v11 =	vld.idx.msk [tilespmem:v6+s12+$0x0], $0xffff;
	v2 =	vmul.f32 v2, v5  }
0x233: {  	v5 =	vld.idx.msk [tilespmem:v6+s13+$0x0], $0xffff;
	v6 =	vor.u32 $0x6, v1  }
0x234: {  	v12 =	vld.idx.msk [tilespmem:v8+s12+$0x0], $0xffff;
	v3 =	vmul.f32 v3, v7;
	v2 =	vadd.f32 $0.0e+00, v2  }
0x235: {  	v26 =	vor.u32 $0x7, v1;
	v7 =	vld.idx.msk [tilespmem:v8+s13+$0x0], $0xffff  }
0x236: {  	v13 =	vld.idx.msk [tilespmem:v10+s12+$0x0], $0xffff;
	v2 =	vadd.f32 v3, v2;
	v3 =	vmul.f32 v4, v9  }
0x237: {  	v27 =	vor.u32 $0x8, v1;
	v4 =	vld.idx.msk [tilespmem:v10+s13+$0x0], $0xffff  }
0x238: {  	v28 =	vld.idx.msk [tilespmem:v6+s12+$0x0], $0xffff;
	v2 =	vadd.f32 v3, v2;
	v3 =	vmul.f32 v5, v11  }
0x239: {  	v5 =	vld.idx.msk [tilespmem:v6+s13+$0x0], $0xffff;
	v6 =	vor.u32 $0x9, v1  }
0x23a: {  	v29 =	vld.idx.msk [tilespmem:v26+s12+$0x0], $0xffff;
	v2 =	vadd.f32 v3, v2;
	v3 =	vmul.f32 v7, v12  }
0x23b: {  	v30 =	vor.u32 $0xA, v1;
	v7 =	vld.idx.msk [tilespmem:v26+s13+$0x0], $0xffff  }
0x23c: {  	v31 =	vld.idx.msk [tilespmem:v27+s12+$0x0], $0xffff;
	v2 =	vadd.f32 v3, v2;
	v3 =	vmul.f32 v4, v13  }
0x23d: {  	v32 =	vor.u32 $0xB, v1;
	v4 =	vld.idx.msk [tilespmem:v27+s13+$0x0], $0xffff  }
0x23e: {  	v33 =	vld.idx.msk [tilespmem:v6+s12+$0x0], $0xffff;
	v2 =	vadd.f32 v3, v2;
	v3 =	vmul.f32 v5, v28  }
0x23f: {  	v5 =	vld.idx.msk [tilespmem:v6+s13+$0x0], $0xffff;
	v6 =	vor.u32 $0xC, v1  }
0x240: {  	v34 =	vld.idx.msk [tilespmem:v30+s12+$0x0], $0xffff;
	v2 =	vadd.f32 v3, v2;
	v3 =	vmul.f32 v7, v29  }
0x241: {  	v35 =	vor.u32 $0xD, v1;
	v7 =	vld.idx.msk [tilespmem:v30+s13+$0x0], $0xffff  }
0x242: {  	v36 =	vld.idx.msk [tilespmem:v32+s12+$0x0], $0xffff;
	v2 =	vadd.f32 v3, v2;
	v3 =	vmul.f32 v4, v31  }
0x243: {  	v37 =	vor.u32 $0xE, v1;
	v4 =	vld.idx.msk [tilespmem:v32+s13+$0x0], $0xffff  }
0x244: {  	v38 =	vld.idx.msk [tilespmem:v6+s12+$0x0], $0xffff;
	v2 =	vadd.f32 v3, v2;
	v3 =	vmul.f32 v5, v33  }
0x245: {  	v5 =	vld.idx.msk [tilespmem:v6+s13+$0x0], $0xffff;
	v6 =	vor.u32 $0xF, v1  }
0x246: {  	v39 =	vld.idx.msk [tilespmem:v35+s12+$0x0], $0xffff;
	v2 =	vadd.f32 v3, v2;
	v3 =	vmul.f32 v7, v34  }
0x247: {  	v40 =	vor.u32 $0x10, v1;
	v7 =	vld.idx.msk [tilespmem:v35+s13+$0x0], $0xffff  }
0x248: {  	v41 =	vld.idx.msk [tilespmem:v37+s12+$0x0], $0xffff;
	v2 =	vadd.f32 v3, v2;
	v3 =	vmul.f32 v4, v36  }
0x249: {  	v42 =	vor.u32 $0x11, v1;
	v4 =	vld.idx.msk [tilespmem:v37+s13+$0x0], $0xffff  }
0x24a: {  	v43 =	vld.idx.msk [tilespmem:v6+s12+$0x0], $0xffff;
	v2 =	vadd.f32 v3, v2;
	v3 =	vmul.f32 v5, v38  }
0x24b: {  	v5 =	vld.idx.msk [tilespmem:v6+s13+$0x0], $0xffff;
	v6 =	vor.u32 $0x12, v1  }
0x24c: {  	v44 =	vld.idx.msk [tilespmem:v40+s12+$0x0], $0xffff;
	v2 =	vadd.f32 v3, v2;
	v3 =	vmul.f32 v7, v39  }
0x24d: {  	v45 =	vor.u32 $0x13, v1;
	v7 =	vld.idx.msk [tilespmem:v40+s13+$0x0], $0xffff  }
0x24e: {  	v46 =	vld.idx.msk [tilespmem:v42+s12+$0x0], $0xffff;
	v2 =	vadd.f32 v3, v2;
	v3 =	vmul.f32 v4, v41  }
0x24f: {  	v47 =	vor.u32 $0x14, v1;
	v4 =	vld.idx.msk [tilespmem:v42+s13+$0x0], $0xffff  }
0x250: {  	v48 =	vld.idx.msk [tilespmem:v6+s12+$0x0], $0xffff;
	v2 =	vadd.f32 v3, v2;
	v3 =	vmul.f32 v5, v43  }
0x251: {  	v5 =	vld.idx.msk [tilespmem:v6+s13+$0x0], $0xffff;
	v6 =	vor.u32 $0x15, v1  }
0x252: {  	v49 =	vld.idx.msk [tilespmem:v45+s12+$0x0], $0xffff;
	v2 =	vadd.f32 v3, v2;
	v3 =	vmul.f32 v7, v44  }
0x253: {  	v50 =	vor.u32 $0x16, v1;
	v7 =	vld.idx.msk [tilespmem:v45+s13+$0x0], $0xffff  }
0x254: {  	v51 =	vld.idx.msk [tilespmem:v47+s12+$0x0], $0xffff;
	v2 =	vadd.f32 v3, v2;
	v3 =	vmul.f32 v4, v46  }
0x255: {  	v52 =	vor.u32 $0x17, v1;
	v4 =	vld.idx.msk [tilespmem:v47+s13+$0x0], $0xffff  }
0x256: {  	v53 =	vld.idx.msk [tilespmem:v6+s12+$0x0], $0xffff;
	v2 =	vadd.f32 v3, v2;
	v3 =	vmul.f32 v5, v48  }
0x257: {  	v5 =	vld.idx.msk [tilespmem:v6+s13+$0x0], $0xffff;
	v6 =	vor.u32 $0x18, v1  }
0x258: {  	v54 =	vld.idx.msk [tilespmem:v50+s12+$0x0], $0xffff;
	v2 =	vadd.f32 v3, v2;
	v3 =	vmul.f32 v7, v49  }
0x259: {  	v55 =	vor.u32 $0x19, v1;
	v7 =	vld.idx.msk [tilespmem:v50+s13+$0x0], $0xffff  }
0x25a: {  	v56 =	vld.idx.msk [tilespmem:v52+s12+$0x0], $0xffff;
	v2 =	vadd.f32 v3, v2;
	v3 =	vmul.f32 v4, v51  }
0x25b: {  	v57 =	vor.u32 $0x1A, v1;
	v4 =	vld.idx.msk [tilespmem:v52+s13+$0x0], $0xffff  }
0x25c: {  	v58 =	vld.idx.msk [tilespmem:v6+s12+$0x0], $0xffff;
	v2 =	vadd.f32 v3, v2;
	v3 =	vmul.f32 v5, v53  }
0x25d: {  	v5 =	vld.idx.msk [tilespmem:v6+s13+$0x0], $0xffff;
	v6 =	vor.u32 $0x1B, v1  }
0x25e: {  	v59 =	vld.idx.msk [tilespmem:v55+s12+$0x0], $0xffff;
	v2 =	vadd.f32 v3, v2;
	v3 =	vmul.f32 v7, v54  }
0x25f: {  	v60 =	vor.u32 $0x1C, v1;
	v7 =	vld.idx.msk [tilespmem:v55+s13+$0x0], $0xffff  }
0x260: {  	v61 =	vld.idx.msk [tilespmem:v57+s12+$0x0], $0xffff;
	v2 =	vadd.f32 v3, v2;
	v3 =	vmul.f32 v4, v56  }
0x261: {  	v62 =	vor.u32 $0x1D, v1;
	v4 =	vld.idx.msk [tilespmem:v57+s13+$0x0], $0xffff  }
0x262: {  	v63 =	vld.idx.msk [tilespmem:v6+s12+$0x0], $0xffff;
	v2 =	vadd.f32 v3, v2;
	v3 =	vmul.f32 v5, v58  }
0x263: {  	v5 =	vld.idx.msk [tilespmem:v6+s13+$0x0], $0xffff;
	v6 =	vor.u32 $0x1E, v1  }
0x264: {  	v16 =	vld.idx.msk [tilespmem:v60+s12+$0x0], $0xffff;
	v2 =	vadd.f32 v3, v2;
	v3 =	vmul.f32 v7, v59  }
0x265: {  	v1 =	vor.u32 $0x1F, v1;
	v7 =	vld.idx.msk [tilespmem:v60+s13+$0x0], $0xffff  }
0x266: {  	v17 =	vld.idx.msk [tilespmem:v62+s12+$0x0], $0xffff;
	v2 =	vadd.f32 v3, v2;
	v3 =	vmul.f32 v4, v61  }
0x267: {  	v4 =	vld.idx.msk [tilespmem:v62+s13+$0x0], $0xffff  }
0x268: {  	v18 =	vld.idx.msk [tilespmem:v6+s12+$0x0], $0xffff;
	v2 =	vadd.f32 v3, v2;
	v3 =	vmul.f32 v5, v63  }
0x269: {  	v5 =	vld.idx.msk [tilespmem:v6+s13+$0x0], $0xffff  }
0x26a: {  	v6 =	vld.idx.msk [tilespmem:v1+s12+$0x0], $0xffff;
	v2 =	vadd.f32 v3, v2;
	v3 =	vmul.f32 v7, v16  }
0x26b: {  	v1 =	vld.idx.msk [tilespmem:v1+s13+$0x0], $0xffff  }
0x26c: {  	v2 =	vadd.f32 v3, v2;
	v3 =	vmul.f32 v4, v17;
	_ =	sdelay $0x1  }
0x26d: {  	v2 =	vadd.f32 v3, v2;
	v3 =	vmul.f32 v5, v18;
	_ =	sdelay $0x1  }
0x26e: {  	v1 =	vmul.f32 v1, v6;
	v2 =	vadd.f32 v3, v2;
	_ =	sdelay $0x1  }
0x26f: {  	v1 =	vadd.f32 v1, v2  }
0x270: {  	s31 =	simm.s32 $0x100;
	s30 =	sadd.s32 $0x10, s30  }
0x271: {  	[tilespmem:s30+$0x0] =	vst v1;
	v1 =	vmov s31  }
0x272: {  	_ =	swait.ge [sflag:s25], $0x1000;
	v1 =	vshll.u32 v1, $0x5  }
0x273: {  	[sflag:s25] =	ssyncset.done $0x0;
	v1 =	vor.u32 v0, v1  }
0x274: {  	[sflag:s25] =	ssyncadd.s32 $0xFFFFF000  }
0x275: {  	v2 =	vor.u32 $0x1, v1;
	_ =	swait.ge [sflag:s26], $0x1000  }
0x276: {  	[sflag:s26] =	ssyncset.done $0x0  }
0x277: {  	v3 =	vor.u32 $0x2, v1;
	[sflag:s26] =	ssyncadd.s32 $0xFFFFF000  }
0x278: {  	v4 =	vld.idx.msk [tilespmem:v1+s13+$0x0], $0xffff  }
0x279: {  	v6 =	vor.u32 $0x3, v1;
	v5 =	vld.idx.msk [tilespmem:v1+s12+$0x0], $0xffff  }
0x27a: {  	v7 =	vld.idx.msk [tilespmem:v2+s12+$0x0], $0xffff  }
0x27b: {  	v19 =	vor.u32 $0x4, v1;
	v2 =	vld.idx.msk [tilespmem:v2+s13+$0x0], $0xffff  }
0x27c: {  	v20 =	vld.idx.msk [tilespmem:v3+s12+$0x0], $0xffff  }
0x27d: {  	v21 =	vor.u32 $0x5, v1;
	v3 =	vld.idx.msk [tilespmem:v3+s13+$0x0], $0xffff  }
0x27e: {  	v22 =	vld.idx.msk [tilespmem:v6+s12+$0x0], $0xffff;
	v4 =	vmul.f32 v4, v5  }
0x27f: {  	v5 =	vld.idx.msk [tilespmem:v6+s13+$0x0], $0xffff;
	v6 =	vor.u32 $0x6, v1  }
0x280: {  	v23 =	vld.idx.msk [tilespmem:v19+s12+$0x0], $0xffff;
	v2 =	vmul.f32 v2, v7;
	v4 =	vadd.f32 $0.0e+00, v4  }
0x281: {  	v24 =	vor.u32 $0x7, v1;
	v7 =	vld.idx.msk [tilespmem:v19+s13+$0x0], $0xffff  }
0x282: {  	v25 =	vld.idx.msk [tilespmem:v21+s12+$0x0], $0xffff;
	v3 =	vmul.f32 v3, v20;
	v2 =	vadd.f32 v2, v4  }
0x283: {  	v26 =	vor.u32 $0x8, v1;
	v4 =	vld.idx.msk [tilespmem:v21+s13+$0x0], $0xffff  }
0x284: {  	v27 =	vld.idx.msk [tilespmem:v6+s12+$0x0], $0xffff;
	v2 =	vadd.f32 v3, v2;
	v3 =	vmul.f32 v5, v22  }
0x285: {  	v5 =	vld.idx.msk [tilespmem:v6+s13+$0x0], $0xffff;
	v6 =	vor.u32 $0x9, v1  }
0x286: {  	v28 =	vld.idx.msk [tilespmem:v24+s12+$0x0], $0xffff;
	v2 =	vadd.f32 v3, v2;
	v3 =	vmul.f32 v7, v23  }
0x287: {  	v29 =	vor.u32 $0xA, v1;
	v7 =	vld.idx.msk [tilespmem:v24+s13+$0x0], $0xffff  }
0x288: {  	v30 =	vld.idx.msk [tilespmem:v26+s12+$0x0], $0xffff;
	v2 =	vadd.f32 v3, v2;
	v3 =	vmul.f32 v4, v25  }
0x289: {  	v31 =	vor.u32 $0xB, v1;
	v4 =	vld.idx.msk [tilespmem:v26+s13+$0x0], $0xffff  }
0x28a: {  	v32 =	vld.idx.msk [tilespmem:v6+s12+$0x0], $0xffff;
	v2 =	vadd.f32 v3, v2;
	v3 =	vmul.f32 v5, v27  }
0x28b: {  	v5 =	vld.idx.msk [tilespmem:v6+s13+$0x0], $0xffff;
	v6 =	vor.u32 $0xC, v1  }
0x28c: {  	v33 =	vld.idx.msk [tilespmem:v29+s12+$0x0], $0xffff;
	v2 =	vadd.f32 v3, v2;
	v3 =	vmul.f32 v7, v28  }
0x28d: {  	v34 =	vor.u32 $0xD, v1;
	v7 =	vld.idx.msk [tilespmem:v29+s13+$0x0], $0xffff  }
0x28e: {  	v35 =	vld.idx.msk [tilespmem:v31+s12+$0x0], $0xffff;
	v2 =	vadd.f32 v3, v2;
	v3 =	vmul.f32 v4, v30  }
0x28f: {  	v36 =	vor.u32 $0xE, v1;
	v4 =	vld.idx.msk [tilespmem:v31+s13+$0x0], $0xffff  }
0x290: {  	v37 =	vld.idx.msk [tilespmem:v6+s12+$0x0], $0xffff;
	v2 =	vadd.f32 v3, v2;
	v3 =	vmul.f32 v5, v32  }
0x291: {  	v5 =	vld.idx.msk [tilespmem:v6+s13+$0x0], $0xffff;
	v6 =	vor.u32 $0xF, v1  }
0x292: {  	v38 =	vld.idx.msk [tilespmem:v34+s12+$0x0], $0xffff;
	v2 =	vadd.f32 v3, v2;
	v3 =	vmul.f32 v7, v33  }
0x293: {  	v39 =	vor.u32 $0x10, v1;
	v7 =	vld.idx.msk [tilespmem:v34+s13+$0x0], $0xffff  }
0x294: {  	v40 =	vld.idx.msk [tilespmem:v36+s12+$0x0], $0xffff;
	v2 =	vadd.f32 v3, v2;
	v3 =	vmul.f32 v4, v35  }
0x295: {  	v41 =	vor.u32 $0x11, v1;
	v4 =	vld.idx.msk [tilespmem:v36+s13+$0x0], $0xffff  }
0x296: {  	v42 =	vld.idx.msk [tilespmem:v6+s12+$0x0], $0xffff;
	v2 =	vadd.f32 v3, v2;
	v3 =	vmul.f32 v5, v37  }
0x297: {  	v5 =	vld.idx.msk [tilespmem:v6+s13+$0x0], $0xffff;
	v6 =	vor.u32 $0x12, v1  }
0x298: {  	v43 =	vld.idx.msk [tilespmem:v39+s12+$0x0], $0xffff;
	v2 =	vadd.f32 v3, v2;
	v3 =	vmul.f32 v7, v38  }
0x299: {  	v44 =	vor.u32 $0x13, v1;
	v7 =	vld.idx.msk [tilespmem:v39+s13+$0x0], $0xffff  }
0x29a: {  	v45 =	vld.idx.msk [tilespmem:v41+s12+$0x0], $0xffff;
	v2 =	vadd.f32 v3, v2;
	v3 =	vmul.f32 v4, v40  }
0x29b: {  	v46 =	vor.u32 $0x14, v1;
	v4 =	vld.idx.msk [tilespmem:v41+s13+$0x0], $0xffff  }
0x29c: {  	v47 =	vld.idx.msk [tilespmem:v6+s12+$0x0], $0xffff;
	v2 =	vadd.f32 v3, v2;
	v3 =	vmul.f32 v5, v42  }
0x29d: {  	v5 =	vld.idx.msk [tilespmem:v6+s13+$0x0], $0xffff;
	v6 =	vor.u32 $0x15, v1  }
0x29e: {  	v48 =	vld.idx.msk [tilespmem:v44+s12+$0x0], $0xffff;
	v2 =	vadd.f32 v3, v2;
	v3 =	vmul.f32 v7, v43  }
0x29f: {  	v49 =	vor.u32 $0x16, v1;
	v7 =	vld.idx.msk [tilespmem:v44+s13+$0x0], $0xffff  }
0x2a0: {  	v50 =	vld.idx.msk [tilespmem:v46+s12+$0x0], $0xffff;
	v2 =	vadd.f32 v3, v2;
	v3 =	vmul.f32 v4, v45  }
0x2a1: {  	v51 =	vor.u32 $0x17, v1;
	v4 =	vld.idx.msk [tilespmem:v46+s13+$0x0], $0xffff  }
0x2a2: {  	v52 =	vld.idx.msk [tilespmem:v6+s12+$0x0], $0xffff;
	v2 =	vadd.f32 v3, v2;
	v3 =	vmul.f32 v5, v47  }
0x2a3: {  	v5 =	vld.idx.msk [tilespmem:v6+s13+$0x0], $0xffff;
	v6 =	vor.u32 $0x18, v1  }
0x2a4: {  	v53 =	vld.idx.msk [tilespmem:v49+s12+$0x0], $0xffff;
	v2 =	vadd.f32 v3, v2;
	v3 =	vmul.f32 v7, v48  }
0x2a5: {  	v54 =	vor.u32 $0x19, v1;
	v7 =	vld.idx.msk [tilespmem:v49+s13+$0x0], $0xffff  }
0x2a6: {  	v55 =	vld.idx.msk [tilespmem:v51+s12+$0x0], $0xffff;
	v2 =	vadd.f32 v3, v2;
	v3 =	vmul.f32 v4, v50  }
0x2a7: {  	v56 =	vor.u32 $0x1A, v1;
	v4 =	vld.idx.msk [tilespmem:v51+s13+$0x0], $0xffff  }
0x2a8: {  	v57 =	vld.idx.msk [tilespmem:v6+s12+$0x0], $0xffff;
	v2 =	vadd.f32 v3, v2;
	v3 =	vmul.f32 v5, v52  }
0x2a9: {  	v5 =	vld.idx.msk [tilespmem:v6+s13+$0x0], $0xffff;
	v6 =	vor.u32 $0x1B, v1  }
0x2aa: {  	v58 =	vld.idx.msk [tilespmem:v54+s12+$0x0], $0xffff;
	v2 =	vadd.f32 v3, v2;
	v3 =	vmul.f32 v7, v53  }
0x2ab: {  	v59 =	vor.u32 $0x1C, v1;
	v7 =	vld.idx.msk [tilespmem:v54+s13+$0x0], $0xffff  }
0x2ac: {  	v60 =	vld.idx.msk [tilespmem:v56+s12+$0x0], $0xffff;
	v2 =	vadd.f32 v3, v2;
	v3 =	vmul.f32 v4, v55  }
0x2ad: {  	v61 =	vor.u32 $0x1D, v1;
	v4 =	vld.idx.msk [tilespmem:v56+s13+$0x0], $0xffff  }
0x2ae: {  	v62 =	vld.idx.msk [tilespmem:v6+s12+$0x0], $0xffff;
	v2 =	vadd.f32 v3, v2;
	v3 =	vmul.f32 v5, v57  }
0x2af: {  	v5 =	vld.idx.msk [tilespmem:v6+s13+$0x0], $0xffff;
	v6 =	vor.u32 $0x1E, v1  }
0x2b0: {  	v63 =	vld.idx.msk [tilespmem:v59+s12+$0x0], $0xffff;
	v2 =	vadd.f32 v3, v2;
	v3 =	vmul.f32 v7, v58  }
0x2b1: {  	v1 =	vor.u32 $0x1F, v1;
	v7 =	vld.idx.msk [tilespmem:v59+s13+$0x0], $0xffff  }
0x2b2: {  	v15 =	vld.idx.msk [tilespmem:v61+s12+$0x0], $0xffff;
	v2 =	vadd.f32 v3, v2;
	v3 =	vmul.f32 v4, v60  }
0x2b3: {  	v4 =	vld.idx.msk [tilespmem:v61+s13+$0x0], $0xffff  }
0x2b4: {  	v16 =	vld.idx.msk [tilespmem:v6+s12+$0x0], $0xffff;
	v2 =	vadd.f32 v3, v2;
	v3 =	vmul.f32 v5, v62  }
0x2b5: {  	v5 =	vld.idx.msk [tilespmem:v6+s13+$0x0], $0xffff  }
0x2b6: {  	v6 =	vld.idx.msk [tilespmem:v1+s12+$0x0], $0xffff;
	v2 =	vadd.f32 v3, v2;
	v3 =	vmul.f32 v7, v63  }
0x2b7: {  	v7 =	vld.idx.msk [tilespmem:v1+s13+$0x0], $0xffff  }
0x2b8: {  	v1 =	vadd.f32 v3, v2;
	v2 =	vmul.f32 v4, v15  }
0x2b9: {  	s30 =	simm.s32 $0x110  }
0x2ba: {  	v3 =	vmov s30;
	v4 =	vmul.f32 v5, v16;
	v2 =	vadd.f32 v2, v1  }
0x2bb: {  	v1 =	vshll.u32 v3, $0x5  }
0x2bc: {  	v1 =	vor.u32 v0, v1;
	v3 =	vmul.f32 v7, v6;
	v2 =	vadd.f32 v4, v2;
	_ =	sdelay $0x1  }
0x2bd: {  	v4 =	vor.u32 $0x1, v1;
	v2 =	vadd.f32 v3, v2  }
0x2be: {  	s30 =	simm.s32 $0x8500  }
0x2bf: {  	v3 =	vor.u32 $0x2, v1;
	[tilespmem:s30+$0x0] =	vst v2  }
0x2c0: {  	v2 =	vld.idx.msk [tilespmem:v1+s13+$0x0], $0xffff  }
0x2c1: {  	v6 =	vor.u32 $0x3, v1;
	v5 =	vld.idx.msk [tilespmem:v1+s12+$0x0], $0xffff  }
0x2c2: {  	v7 =	vld.idx.msk [tilespmem:v4+s12+$0x0], $0xffff  }
0x2c3: {  	v17 =	vor.u32 $0x4, v1;
	v4 =	vld.idx.msk [tilespmem:v4+s13+$0x0], $0xffff  }
0x2c4: {  	v18 =	vld.idx.msk [tilespmem:v3+s12+$0x0], $0xffff  }
0x2c5: {  	v19 =	vor.u32 $0x5, v1;
	v3 =	vld.idx.msk [tilespmem:v3+s13+$0x0], $0xffff  }
0x2c6: {  	v20 =	vld.idx.msk [tilespmem:v6+s12+$0x0], $0xffff;
	v2 =	vmul.f32 v2, v5  }
0x2c7: {  	v5 =	vld.idx.msk [tilespmem:v6+s13+$0x0], $0xffff;
	v6 =	vor.u32 $0x6, v1  }
0x2c8: {  	v21 =	vld.idx.msk [tilespmem:v17+s12+$0x0], $0xffff;
	v4 =	vmul.f32 v4, v7;
	v2 =	vadd.f32 $0.0e+00, v2  }
0x2c9: {  	v22 =	vor.u32 $0x7, v1;
	v7 =	vld.idx.msk [tilespmem:v17+s13+$0x0], $0xffff  }
0x2ca: {  	v23 =	vld.idx.msk [tilespmem:v19+s12+$0x0], $0xffff;
	v3 =	vmul.f32 v3, v18;
	v2 =	vadd.f32 v4, v2  }
0x2cb: {  	v24 =	vor.u32 $0x8, v1;
	v4 =	vld.idx.msk [tilespmem:v19+s13+$0x0], $0xffff  }
0x2cc: {  	v25 =	vld.idx.msk [tilespmem:v6+s12+$0x0], $0xffff;
	v2 =	vadd.f32 v3, v2;
	v3 =	vmul.f32 v5, v20  }
0x2cd: {  	v5 =	vld.idx.msk [tilespmem:v6+s13+$0x0], $0xffff;
	v6 =	vor.u32 $0x9, v1  }
0x2ce: {  	v26 =	vld.idx.msk [tilespmem:v22+s12+$0x0], $0xffff;
	v2 =	vadd.f32 v3, v2;
	v3 =	vmul.f32 v7, v21  }
0x2cf: {  	v27 =	vor.u32 $0xA, v1;
	v7 =	vld.idx.msk [tilespmem:v22+s13+$0x0], $0xffff  }
0x2d0: {  	v28 =	vld.idx.msk [tilespmem:v24+s12+$0x0], $0xffff;
	v2 =	vadd.f32 v3, v2;
	v3 =	vmul.f32 v4, v23  }
0x2d1: {  	v29 =	vor.u32 $0xB, v1;
	v4 =	vld.idx.msk [tilespmem:v24+s13+$0x0], $0xffff  }
0x2d2: {  	v30 =	vld.idx.msk [tilespmem:v6+s12+$0x0], $0xffff;
	v2 =	vadd.f32 v3, v2;
	v3 =	vmul.f32 v5, v25  }
0x2d3: {  	v5 =	vld.idx.msk [tilespmem:v6+s13+$0x0], $0xffff;
	v6 =	vor.u32 $0xC, v1  }
0x2d4: {  	v31 =	vld.idx.msk [tilespmem:v27+s12+$0x0], $0xffff;
	v2 =	vadd.f32 v3, v2;
	v3 =	vmul.f32 v7, v26  }
0x2d5: {  	v32 =	vor.u32 $0xD, v1;
	v7 =	vld.idx.msk [tilespmem:v27+s13+$0x0], $0xffff  }
0x2d6: {  	v33 =	vld.idx.msk [tilespmem:v29+s12+$0x0], $0xffff;
	v2 =	vadd.f32 v3, v2;
	v3 =	vmul.f32 v4, v28  }
0x2d7: {  	v34 =	vor.u32 $0xE, v1;
	v4 =	vld.idx.msk [tilespmem:v29+s13+$0x0], $0xffff  }
0x2d8: {  	v35 =	vld.idx.msk [tilespmem:v6+s12+$0x0], $0xffff;
	v2 =	vadd.f32 v3, v2;
	v3 =	vmul.f32 v5, v30  }
0x2d9: {  	v5 =	vld.idx.msk [tilespmem:v6+s13+$0x0], $0xffff;
	v6 =	vor.u32 $0xF, v1  }
0x2da: {  	v36 =	vld.idx.msk [tilespmem:v32+s12+$0x0], $0xffff;
	v2 =	vadd.f32 v3, v2;
	v3 =	vmul.f32 v7, v31  }
0x2db: {  	v37 =	vor.u32 $0x10, v1;
	v7 =	vld.idx.msk [tilespmem:v32+s13+$0x0], $0xffff  }
0x2dc: {  	v38 =	vld.idx.msk [tilespmem:v34+s12+$0x0], $0xffff;
	v2 =	vadd.f32 v3, v2;
	v3 =	vmul.f32 v4, v33  }
0x2dd: {  	v39 =	vor.u32 $0x11, v1;
	v4 =	vld.idx.msk [tilespmem:v34+s13+$0x0], $0xffff  }
0x2de: {  	v40 =	vld.idx.msk [tilespmem:v6+s12+$0x0], $0xffff;
	v2 =	vadd.f32 v3, v2;
	v3 =	vmul.f32 v5, v35  }
0x2df: {  	v5 =	vld.idx.msk [tilespmem:v6+s13+$0x0], $0xffff;
	v6 =	vor.u32 $0x12, v1  }
0x2e0: {  	v41 =	vld.idx.msk [tilespmem:v37+s12+$0x0], $0xffff;
	v2 =	vadd.f32 v3, v2;
	v3 =	vmul.f32 v7, v36  }
0x2e1: {  	v42 =	vor.u32 $0x13, v1;
	v7 =	vld.idx.msk [tilespmem:v37+s13+$0x0], $0xffff  }
0x2e2: {  	v43 =	vld.idx.msk [tilespmem:v39+s12+$0x0], $0xffff;
	v2 =	vadd.f32 v3, v2;
	v3 =	vmul.f32 v4, v38  }
0x2e3: {  	v44 =	vor.u32 $0x14, v1;
	v4 =	vld.idx.msk [tilespmem:v39+s13+$0x0], $0xffff  }
0x2e4: {  	v45 =	vld.idx.msk [tilespmem:v6+s12+$0x0], $0xffff;
	v2 =	vadd.f32 v3, v2;
	v3 =	vmul.f32 v5, v40  }
0x2e5: {  	v5 =	vld.idx.msk [tilespmem:v6+s13+$0x0], $0xffff;
	v6 =	vor.u32 $0x15, v1  }
0x2e6: {  	v46 =	vld.idx.msk [tilespmem:v42+s12+$0x0], $0xffff;
	v2 =	vadd.f32 v3, v2;
	v3 =	vmul.f32 v7, v41  }
0x2e7: {  	v47 =	vor.u32 $0x16, v1;
	v7 =	vld.idx.msk [tilespmem:v42+s13+$0x0], $0xffff  }
0x2e8: {  	v48 =	vld.idx.msk [tilespmem:v44+s12+$0x0], $0xffff;
	v2 =	vadd.f32 v3, v2;
	v3 =	vmul.f32 v4, v43  }
0x2e9: {  	v49 =	vor.u32 $0x17, v1;
	v4 =	vld.idx.msk [tilespmem:v44+s13+$0x0], $0xffff  }
0x2ea: {  	v50 =	vld.idx.msk [tilespmem:v6+s12+$0x0], $0xffff;
	v2 =	vadd.f32 v3, v2;
	v3 =	vmul.f32 v5, v45  }
0x2eb: {  	v5 =	vld.idx.msk [tilespmem:v6+s13+$0x0], $0xffff;
	v6 =	vor.u32 $0x18, v1  }
0x2ec: {  	v51 =	vld.idx.msk [tilespmem:v47+s12+$0x0], $0xffff;
	v2 =	vadd.f32 v3, v2;
	v3 =	vmul.f32 v7, v46  }
0x2ed: {  	v52 =	vor.u32 $0x19, v1;
	v7 =	vld.idx.msk [tilespmem:v47+s13+$0x0], $0xffff  }
0x2ee: {  	v53 =	vld.idx.msk [tilespmem:v49+s12+$0x0], $0xffff;
	v2 =	vadd.f32 v3, v2;
	v3 =	vmul.f32 v4, v48  }
0x2ef: {  	v54 =	vor.u32 $0x1A, v1;
	v4 =	vld.idx.msk [tilespmem:v49+s13+$0x0], $0xffff  }
0x2f0: {  	v55 =	vld.idx.msk [tilespmem:v6+s12+$0x0], $0xffff;
	v2 =	vadd.f32 v3, v2;
	v3 =	vmul.f32 v5, v50  }
0x2f1: {  	v5 =	vld.idx.msk [tilespmem:v6+s13+$0x0], $0xffff;
	v6 =	vor.u32 $0x1B, v1  }
0x2f2: {  	v56 =	vld.idx.msk [tilespmem:v52+s12+$0x0], $0xffff;
	v2 =	vadd.f32 v3, v2;
	v3 =	vmul.f32 v7, v51  }
0x2f3: {  	v57 =	vor.u32 $0x1C, v1;
	v7 =	vld.idx.msk [tilespmem:v52+s13+$0x0], $0xffff  }
0x2f4: {  	v58 =	vld.idx.msk [tilespmem:v54+s12+$0x0], $0xffff;
	v2 =	vadd.f32 v3, v2;
	v3 =	vmul.f32 v4, v53  }
0x2f5: {  	v4 =	vld.idx.msk [tilespmem:v54+s13+$0x0], $0xffff  }
0x2f6: {  	v60 =	vld.idx.msk [tilespmem:v6+s12+$0x0], $0xffff;
	v2 =	vadd.f32 v3, v2;
	v3 =	vmul.f32 v5, v55  }
0x2f7: {  	v59 =	vor.u32 $0x1D, v1;
	v5 =	vld.idx.msk [tilespmem:v6+s13+$0x0], $0xffff  }
0x2f8: {  	v61 =	vld.idx.msk [tilespmem:v57+s12+$0x0], $0xffff;
	v2 =	vadd.f32 v3, v2;
	v3 =	vmul.f32 v7, v56  }
0x2f9: {  	v6 =	vor.u32 $0x1E, v1;
	v7 =	vld.idx.msk [tilespmem:v57+s13+$0x0], $0xffff  }
0x2fa: {  	v2 =	vadd.f32 v3, v2;
	v3 =	vmul.f32 v4, v58  }
0x2fb: {  	v1 =	vor.u32 $0x1F, v1  }
0x2fc: {  	v62 =	vld.idx.msk [tilespmem:v59+s12+$0x0], $0xffff;
	v2 =	vadd.f32 v3, v2;
	v3 =	vmul.f32 v5, v60  }
0x2fd: {  	v4 =	vld.idx.msk [tilespmem:v59+s13+$0x0], $0xffff  }
0x2fe: {  	v63 =	vld.idx.msk [tilespmem:v6+s12+$0x0], $0xffff;
	v2 =	vadd.f32 v3, v2;
	v3 =	vmul.f32 v7, v61  }
0x2ff: {  	v5 =	vld.idx.msk [tilespmem:v6+s13+$0x0], $0xffff  }
0x300: {  	v6 =	vadd.f32 v3, v2;
	v2 =	vld.idx.msk [tilespmem:v1+s12+$0x0], $0xffff  }
0x301: {  	v3 =	vld.idx.msk [tilespmem:v1+s13+$0x0], $0xffff  }
0x302: {  	v4 =	vmul.f32 v4, v62  }
0x303: {  	s31 =	simm.s32 $0x120  }
0x304: {  	v7 =	vmov s31;
	v5 =	vmul.f32 v5, v63;
	v4 =	vadd.f32 v4, v6  }
0x305: {  	s31 =	simm.s32 $0x130;
	v1 =	vshll.u32 v7, $0x5  }
.LBB2_6:
0x306: {  	p0 =	sne.s32 s31, $0x170;
	v1 =	vor.u32 v0, v1;
	v4 =	vadd.f32 v5, v4;
	v2 =	vmul.f32 v3, v2;
	_ =	sdelay $0x1  }
0x307: {  	v3 =	vor.u32 $0x1, v1;
	v2 =	vadd.f32 v2, v4  }
0x308: {  	s30 =	sadd.s32 $0x10, s30  }
0x309: {  	v4 =	vor.u32 $0x2, v1;
	[tilespmem:s30+$0x0] =	vst v2  }
0x30a: {  	v2 =	vld.idx.msk [tilespmem:v1+s13+$0x0], $0xffff  }
0x30b: {  	v6 =	vor.u32 $0x3, v1;
	v5 =	vld.idx.msk [tilespmem:v1+s12+$0x0], $0xffff  }
0x30c: {  	v7 =	vld.idx.msk [tilespmem:v3+s12+$0x0], $0xffff  }
0x30d: {  	v8 =	vor.u32 $0x4, v1;
	v3 =	vld.idx.msk [tilespmem:v3+s13+$0x0], $0xffff  }
0x30e: {  	v9 =	vld.idx.msk [tilespmem:v4+s12+$0x0], $0xffff  }
0x30f: {  	v10 =	vor.u32 $0x5, v1;
	v4 =	vld.idx.msk [tilespmem:v4+s13+$0x0], $0xffff  }
0x310: {  	v11 =	vld.idx.msk [tilespmem:v6+s12+$0x0], $0xffff  }
0x311: {  	v2 =	vmul.f32 v2, v5;
	v5 =	vld.idx.msk [tilespmem:v6+s13+$0x0], $0xffff;
	v6 =	vor.u32 $0x6, v1  }
0x312: {  	v12 =	vld.idx.msk [tilespmem:v8+s12+$0x0], $0xffff  }
0x313: {  	v2 =	vadd.f32 $0.0e+00, v2;
	v3 =	vmul.f32 v3, v7;
	v7 =	vld.idx.msk [tilespmem:v8+s13+$0x0], $0xffff;
	v8 =	vor.u32 $0x7, v1  }
0x314: {  	v13 =	vld.idx.msk [tilespmem:v10+s12+$0x0], $0xffff  }
0x315: {  	v2 =	vadd.f32 v3, v2;
	v3 =	vmul.f32 v4, v9;
	v9 =	vor.u32 $0x8, v1;
	v4 =	vld.idx.msk [tilespmem:v10+s13+$0x0], $0xffff  }
0x316: {  	v10 =	vld.idx.msk [tilespmem:v6+s12+$0x0], $0xffff  }
0x317: {  	v2 =	vadd.f32 v3, v2;
	v3 =	vmul.f32 v5, v11;
	v5 =	vld.idx.msk [tilespmem:v6+s13+$0x0], $0xffff;
	v6 =	vor.u32 $0x9, v1  }
0x318: {  	v11 =	vld.idx.msk [tilespmem:v8+s12+$0x0], $0xffff  }
0x319: {  	v2 =	vadd.f32 v3, v2;
	v3 =	vmul.f32 v7, v12;
	v7 =	vld.idx.msk [tilespmem:v8+s13+$0x0], $0xffff;
	v8 =	vor.u32 $0xA, v1  }
0x31a: {  	v12 =	vld.idx.msk [tilespmem:v9+s12+$0x0], $0xffff  }
0x31b: {  	v2 =	vadd.f32 v3, v2;
	v3 =	vmul.f32 v4, v13;
	v4 =	vld.idx.msk [tilespmem:v9+s13+$0x0], $0xffff;
	v9 =	vor.u32 $0xB, v1  }
0x31c: {  	v13 =	vld.idx.msk [tilespmem:v6+s12+$0x0], $0xffff  }
0x31d: {  	v2 =	vadd.f32 v3, v2;
	v3 =	vmul.f32 v5, v10;
	v5 =	vld.idx.msk [tilespmem:v6+s13+$0x0], $0xffff;
	v6 =	vor.u32 $0xC, v1  }
0x31e: {  	v10 =	vld.idx.msk [tilespmem:v8+s12+$0x0], $0xffff  }
0x31f: {  	v2 =	vadd.f32 v3, v2;
	v3 =	vmul.f32 v7, v11;
	v7 =	vld.idx.msk [tilespmem:v8+s13+$0x0], $0xffff;
	v8 =	vor.u32 $0xD, v1  }
0x320: {  	v11 =	vld.idx.msk [tilespmem:v9+s12+$0x0], $0xffff  }
0x321: {  	v2 =	vadd.f32 v3, v2;
	v3 =	vmul.f32 v4, v12;
	v4 =	vld.idx.msk [tilespmem:v9+s13+$0x0], $0xffff;
	v9 =	vor.u32 $0xE, v1  }
0x322: {  	v12 =	vld.idx.msk [tilespmem:v6+s12+$0x0], $0xffff  }
0x323: {  	v2 =	vadd.f32 v3, v2;
	v3 =	vmul.f32 v5, v13;
	v5 =	vld.idx.msk [tilespmem:v6+s13+$0x0], $0xffff;
	v6 =	vor.u32 $0xF, v1  }
0x324: {  	v13 =	vld.idx.msk [tilespmem:v8+s12+$0x0], $0xffff  }
0x325: {  	v2 =	vadd.f32 v3, v2;
	v3 =	vmul.f32 v7, v10;
	v7 =	vld.idx.msk [tilespmem:v8+s13+$0x0], $0xffff;
	v8 =	vor.u32 $0x10, v1  }
0x326: {  	v10 =	vld.idx.msk [tilespmem:v9+s12+$0x0], $0xffff  }
0x327: {  	v2 =	vadd.f32 v3, v2;
	v3 =	vmul.f32 v4, v11;
	v4 =	vld.idx.msk [tilespmem:v9+s13+$0x0], $0xffff;
	v9 =	vor.u32 $0x11, v1  }
0x328: {  	v11 =	vld.idx.msk [tilespmem:v6+s12+$0x0], $0xffff  }
0x329: {  	v2 =	vadd.f32 v3, v2;
	v3 =	vmul.f32 v5, v12;
	v5 =	vld.idx.msk [tilespmem:v6+s13+$0x0], $0xffff;
	v6 =	vor.u32 $0x12, v1  }
0x32a: {  	v12 =	vld.idx.msk [tilespmem:v8+s12+$0x0], $0xffff  }
0x32b: {  	v2 =	vadd.f32 v3, v2;
	v3 =	vmul.f32 v7, v13;
	v7 =	vld.idx.msk [tilespmem:v8+s13+$0x0], $0xffff;
	v8 =	vor.u32 $0x13, v1  }
0x32c: {  	v13 =	vld.idx.msk [tilespmem:v9+s12+$0x0], $0xffff  }
0x32d: {  	v2 =	vadd.f32 v3, v2;
	v3 =	vmul.f32 v4, v10;
	v4 =	vld.idx.msk [tilespmem:v9+s13+$0x0], $0xffff;
	v9 =	vor.u32 $0x14, v1  }
0x32e: {  	v10 =	vld.idx.msk [tilespmem:v6+s12+$0x0], $0xffff  }
0x32f: {  	v2 =	vadd.f32 v3, v2;
	v3 =	vmul.f32 v5, v11;
	v5 =	vld.idx.msk [tilespmem:v6+s13+$0x0], $0xffff;
	v6 =	vor.u32 $0x15, v1  }
0x330: {  	v11 =	vld.idx.msk [tilespmem:v8+s12+$0x0], $0xffff  }
0x331: {  	v2 =	vadd.f32 v3, v2;
	v3 =	vmul.f32 v7, v12;
	v7 =	vld.idx.msk [tilespmem:v8+s13+$0x0], $0xffff;
	v8 =	vor.u32 $0x16, v1  }
0x332: {  	v12 =	vld.idx.msk [tilespmem:v9+s12+$0x0], $0xffff  }
0x333: {  	v2 =	vadd.f32 v3, v2;
	v3 =	vmul.f32 v4, v13;
	v4 =	vld.idx.msk [tilespmem:v9+s13+$0x0], $0xffff;
	v9 =	vor.u32 $0x17, v1  }
0x334: {  	v13 =	vld.idx.msk [tilespmem:v6+s12+$0x0], $0xffff  }
0x335: {  	v2 =	vadd.f32 v3, v2;
	v3 =	vmul.f32 v5, v10;
	v5 =	vld.idx.msk [tilespmem:v6+s13+$0x0], $0xffff;
	v6 =	vor.u32 $0x18, v1  }
0x336: {  	v10 =	vld.idx.msk [tilespmem:v8+s12+$0x0], $0xffff  }
0x337: {  	v2 =	vadd.f32 v3, v2;
	v3 =	vmul.f32 v7, v11;
	v7 =	vld.idx.msk [tilespmem:v8+s13+$0x0], $0xffff;
	v8 =	vor.u32 $0x19, v1  }
0x338: {  	v11 =	vld.idx.msk [tilespmem:v9+s12+$0x0], $0xffff  }
0x339: {  	v2 =	vadd.f32 v3, v2;
	v3 =	vmul.f32 v4, v12;
	v4 =	vld.idx.msk [tilespmem:v9+s13+$0x0], $0xffff;
	v9 =	vor.u32 $0x1A, v1  }
0x33a: {  	v12 =	vld.idx.msk [tilespmem:v6+s12+$0x0], $0xffff  }
0x33b: {  	v2 =	vadd.f32 v3, v2;
	v3 =	vmul.f32 v5, v13;
	v5 =	vld.idx.msk [tilespmem:v6+s13+$0x0], $0xffff;
	v6 =	vor.u32 $0x1B, v1  }
0x33c: {  	v13 =	vld.idx.msk [tilespmem:v8+s12+$0x0], $0xffff  }
0x33d: {  	v2 =	vadd.f32 v3, v2;
	v3 =	vmul.f32 v7, v10;
	v7 =	vld.idx.msk [tilespmem:v8+s13+$0x0], $0xffff;
	v8 =	vor.u32 $0x1C, v1  }
0x33e: {  	v10 =	vld.idx.msk [tilespmem:v9+s12+$0x0], $0xffff  }
0x33f: {  	v2 =	vadd.f32 v3, v2;
	v3 =	vmul.f32 v4, v11;
	v4 =	vld.idx.msk [tilespmem:v9+s13+$0x0], $0xffff;
	v9 =	vor.u32 $0x1D, v1  }
0x340: {  	v11 =	vld.idx.msk [tilespmem:v6+s12+$0x0], $0xffff  }
0x341: {  	v2 =	vadd.f32 v3, v2;
	v3 =	vmul.f32 v5, v12;
	v5 =	vld.idx.msk [tilespmem:v6+s13+$0x0], $0xffff;
	v6 =	vor.u32 $0x1E, v1  }
0x342: {  	v12 =	vld.idx.msk [tilespmem:v8+s12+$0x0], $0xffff  }
0x343: {  	v1 =	vor.u32 $0x1F, v1;
	v2 =	vadd.f32 v3, v2;
	v3 =	vmul.f32 v7, v13;
	v7 =	vld.idx.msk [tilespmem:v8+s13+$0x0], $0xffff  }
0x344: {  	v8 =	vld.idx.msk [tilespmem:v9+s12+$0x0], $0xffff  }
0x345: {  	v2 =	vadd.f32 v3, v2;
	v3 =	vmul.f32 v4, v10;
	v4 =	vld.idx.msk [tilespmem:v9+s13+$0x0], $0xffff  }
0x346: {  	v9 =	vld.idx.msk [tilespmem:v6+s12+$0x0], $0xffff  }
0x347: {  	v3 =	vadd.f32 v3, v2;
	v5 =	vmul.f32 v5, v11;
	v6 =	vld.idx.msk [tilespmem:v6+s13+$0x0], $0xffff  }
0x348: {  	v2 =	vld.idx.msk [tilespmem:v1+s12+$0x0], $0xffff  }
0x349: {  	v5 =	vadd.f32 v5, v3;
	v7 =	vmul.f32 v7, v12;
	v3 =	vld.idx.msk [tilespmem:v1+s13+$0x0], $0xffff  }
.Ltmp2:
0x34a: {  	(pc) =	sbr.rel @p0 .LBB2_6-.Ltmp2, $3  }
0x34b: {  	v1 =	vadd.f32 v7, v5;
	v4 =	vmul.f32 v4, v8;
	_ =	sdelay $0x1  }
0x34c: {  	v7 =	vmov s31;
	v4 =	vadd.f32 v4, v1;
	v5 =	vmul.f32 v6, v9  }
0x34d: {  	s31 =	sadd.s32 $0x10, s31;
	v1 =	vshll.u32 v7, $0x5  }
0x34e: {  	v1 =	vor.u32 v0, v1;
	v4 =	vadd.f32 v5, v4;
	v2 =	vmul.f32 v3, v2;
	_ =	sdelay $0x1  }
0x34f: {  	v3 =	vor.u32 $0x1, v1;
	v2 =	vadd.f32 v2, v4  }
0x350: {  	s30 =	sadd.s32 $0x10, s30  }
0x351: {  	v4 =	vor.u32 $0x2, v1;
	[tilespmem:s30+$0x0] =	vst v2  }
0x352: {  	v2 =	vld.idx.msk [tilespmem:v1+s13+$0x0], $0xffff  }
0x353: {  	v6 =	vor.u32 $0x3, v1;
	v5 =	vld.idx.msk [tilespmem:v1+s12+$0x0], $0xffff  }
0x354: {  	v7 =	vld.idx.msk [tilespmem:v3+s12+$0x0], $0xffff  }
0x355: {  	v8 =	vor.u32 $0x4, v1;
	v3 =	vld.idx.msk [tilespmem:v3+s13+$0x0], $0xffff  }
0x356: {  	v9 =	vld.idx.msk [tilespmem:v4+s12+$0x0], $0xffff  }
0x357: {  	v10 =	vor.u32 $0x5, v1;
	v4 =	vld.idx.msk [tilespmem:v4+s13+$0x0], $0xffff  }
0x358: {  	v11 =	vld.idx.msk [tilespmem:v6+s12+$0x0], $0xffff;
	v2 =	vmul.f32 v2, v5  }
0x359: {  	v5 =	vld.idx.msk [tilespmem:v6+s13+$0x0], $0xffff;
	v6 =	vor.u32 $0x6, v1  }
0x35a: {  	v12 =	vld.idx.msk [tilespmem:v8+s12+$0x0], $0xffff;
	v3 =	vmul.f32 v3, v7;
	v2 =	vadd.f32 $0.0e+00, v2  }
0x35b: {  	v26 =	vor.u32 $0x7, v1;
	v7 =	vld.idx.msk [tilespmem:v8+s13+$0x0], $0xffff  }
0x35c: {  	v13 =	vld.idx.msk [tilespmem:v10+s12+$0x0], $0xffff;
	v2 =	vadd.f32 v3, v2;
	v3 =	vmul.f32 v4, v9  }
0x35d: {  	v27 =	vor.u32 $0x8, v1;
	v4 =	vld.idx.msk [tilespmem:v10+s13+$0x0], $0xffff  }
0x35e: {  	v28 =	vld.idx.msk [tilespmem:v6+s12+$0x0], $0xffff;
	v2 =	vadd.f32 v3, v2;
	v3 =	vmul.f32 v5, v11  }
0x35f: {  	v5 =	vld.idx.msk [tilespmem:v6+s13+$0x0], $0xffff;
	v6 =	vor.u32 $0x9, v1  }
0x360: {  	v29 =	vld.idx.msk [tilespmem:v26+s12+$0x0], $0xffff;
	v2 =	vadd.f32 v3, v2;
	v3 =	vmul.f32 v7, v12  }
0x361: {  	v30 =	vor.u32 $0xA, v1;
	v7 =	vld.idx.msk [tilespmem:v26+s13+$0x0], $0xffff  }
0x362: {  	v31 =	vld.idx.msk [tilespmem:v27+s12+$0x0], $0xffff;
	v2 =	vadd.f32 v3, v2;
	v3 =	vmul.f32 v4, v13  }
0x363: {  	v32 =	vor.u32 $0xB, v1;
	v4 =	vld.idx.msk [tilespmem:v27+s13+$0x0], $0xffff  }
0x364: {  	v33 =	vld.idx.msk [tilespmem:v6+s12+$0x0], $0xffff;
	v2 =	vadd.f32 v3, v2;
	v3 =	vmul.f32 v5, v28  }
0x365: {  	v5 =	vld.idx.msk [tilespmem:v6+s13+$0x0], $0xffff;
	v6 =	vor.u32 $0xC, v1  }
0x366: {  	v34 =	vld.idx.msk [tilespmem:v30+s12+$0x0], $0xffff;
	v2 =	vadd.f32 v3, v2;
	v3 =	vmul.f32 v7, v29  }
0x367: {  	v35 =	vor.u32 $0xD, v1;
	v7 =	vld.idx.msk [tilespmem:v30+s13+$0x0], $0xffff  }
0x368: {  	v36 =	vld.idx.msk [tilespmem:v32+s12+$0x0], $0xffff;
	v2 =	vadd.f32 v3, v2;
	v3 =	vmul.f32 v4, v31  }
0x369: {  	v37 =	vor.u32 $0xE, v1;
	v4 =	vld.idx.msk [tilespmem:v32+s13+$0x0], $0xffff  }
0x36a: {  	v38 =	vld.idx.msk [tilespmem:v6+s12+$0x0], $0xffff;
	v2 =	vadd.f32 v3, v2;
	v3 =	vmul.f32 v5, v33  }
0x36b: {  	v5 =	vld.idx.msk [tilespmem:v6+s13+$0x0], $0xffff;
	v6 =	vor.u32 $0xF, v1  }
0x36c: {  	v39 =	vld.idx.msk [tilespmem:v35+s12+$0x0], $0xffff;
	v2 =	vadd.f32 v3, v2;
	v3 =	vmul.f32 v7, v34  }
0x36d: {  	v40 =	vor.u32 $0x10, v1;
	v7 =	vld.idx.msk [tilespmem:v35+s13+$0x0], $0xffff  }
0x36e: {  	v41 =	vld.idx.msk [tilespmem:v37+s12+$0x0], $0xffff;
	v2 =	vadd.f32 v3, v2;
	v3 =	vmul.f32 v4, v36  }
0x36f: {  	v42 =	vor.u32 $0x11, v1;
	v4 =	vld.idx.msk [tilespmem:v37+s13+$0x0], $0xffff  }
0x370: {  	v43 =	vld.idx.msk [tilespmem:v6+s12+$0x0], $0xffff;
	v2 =	vadd.f32 v3, v2;
	v3 =	vmul.f32 v5, v38  }
0x371: {  	v5 =	vld.idx.msk [tilespmem:v6+s13+$0x0], $0xffff;
	v6 =	vor.u32 $0x12, v1  }
0x372: {  	v44 =	vld.idx.msk [tilespmem:v40+s12+$0x0], $0xffff;
	v2 =	vadd.f32 v3, v2;
	v3 =	vmul.f32 v7, v39  }
0x373: {  	v45 =	vor.u32 $0x13, v1;
	v7 =	vld.idx.msk [tilespmem:v40+s13+$0x0], $0xffff  }
0x374: {  	v46 =	vld.idx.msk [tilespmem:v42+s12+$0x0], $0xffff;
	v2 =	vadd.f32 v3, v2;
	v3 =	vmul.f32 v4, v41  }
0x375: {  	v47 =	vor.u32 $0x14, v1;
	v4 =	vld.idx.msk [tilespmem:v42+s13+$0x0], $0xffff  }
0x376: {  	v48 =	vld.idx.msk [tilespmem:v6+s12+$0x0], $0xffff;
	v2 =	vadd.f32 v3, v2;
	v3 =	vmul.f32 v5, v43  }
0x377: {  	v5 =	vld.idx.msk [tilespmem:v6+s13+$0x0], $0xffff;
	v6 =	vor.u32 $0x15, v1  }
0x378: {  	v49 =	vld.idx.msk [tilespmem:v45+s12+$0x0], $0xffff;
	v2 =	vadd.f32 v3, v2;
	v3 =	vmul.f32 v7, v44  }
0x379: {  	v50 =	vor.u32 $0x16, v1;
	v7 =	vld.idx.msk [tilespmem:v45+s13+$0x0], $0xffff  }
0x37a: {  	v51 =	vld.idx.msk [tilespmem:v47+s12+$0x0], $0xffff;
	v2 =	vadd.f32 v3, v2;
	v3 =	vmul.f32 v4, v46  }
0x37b: {  	v52 =	vor.u32 $0x17, v1;
	v4 =	vld.idx.msk [tilespmem:v47+s13+$0x0], $0xffff  }
0x37c: {  	v53 =	vld.idx.msk [tilespmem:v6+s12+$0x0], $0xffff;
	v2 =	vadd.f32 v3, v2;
	v3 =	vmul.f32 v5, v48  }
0x37d: {  	v5 =	vld.idx.msk [tilespmem:v6+s13+$0x0], $0xffff;
	v6 =	vor.u32 $0x18, v1  }
0x37e: {  	v54 =	vld.idx.msk [tilespmem:v50+s12+$0x0], $0xffff;
	v2 =	vadd.f32 v3, v2;
	v3 =	vmul.f32 v7, v49  }
0x37f: {  	v55 =	vor.u32 $0x19, v1;
	v7 =	vld.idx.msk [tilespmem:v50+s13+$0x0], $0xffff  }
0x380: {  	v56 =	vld.idx.msk [tilespmem:v52+s12+$0x0], $0xffff;
	v2 =	vadd.f32 v3, v2;
	v3 =	vmul.f32 v4, v51  }
0x381: {  	v57 =	vor.u32 $0x1A, v1;
	v4 =	vld.idx.msk [tilespmem:v52+s13+$0x0], $0xffff  }
0x382: {  	v58 =	vld.idx.msk [tilespmem:v6+s12+$0x0], $0xffff;
	v2 =	vadd.f32 v3, v2;
	v3 =	vmul.f32 v5, v53  }
0x383: {  	v5 =	vld.idx.msk [tilespmem:v6+s13+$0x0], $0xffff;
	v6 =	vor.u32 $0x1B, v1  }
0x384: {  	v59 =	vld.idx.msk [tilespmem:v55+s12+$0x0], $0xffff;
	v2 =	vadd.f32 v3, v2;
	v3 =	vmul.f32 v7, v54  }
0x385: {  	v60 =	vor.u32 $0x1C, v1;
	v7 =	vld.idx.msk [tilespmem:v55+s13+$0x0], $0xffff  }
0x386: {  	v61 =	vld.idx.msk [tilespmem:v57+s12+$0x0], $0xffff;
	v2 =	vadd.f32 v3, v2;
	v3 =	vmul.f32 v4, v56  }
0x387: {  	v62 =	vor.u32 $0x1D, v1;
	v4 =	vld.idx.msk [tilespmem:v57+s13+$0x0], $0xffff  }
0x388: {  	v63 =	vld.idx.msk [tilespmem:v6+s12+$0x0], $0xffff;
	v2 =	vadd.f32 v3, v2;
	v3 =	vmul.f32 v5, v58  }
0x389: {  	v5 =	vld.idx.msk [tilespmem:v6+s13+$0x0], $0xffff;
	v6 =	vor.u32 $0x1E, v1  }
0x38a: {  	v16 =	vld.idx.msk [tilespmem:v60+s12+$0x0], $0xffff;
	v2 =	vadd.f32 v3, v2;
	v3 =	vmul.f32 v7, v59  }
0x38b: {  	v1 =	vor.u32 $0x1F, v1;
	v7 =	vld.idx.msk [tilespmem:v60+s13+$0x0], $0xffff  }
0x38c: {  	v17 =	vld.idx.msk [tilespmem:v62+s12+$0x0], $0xffff;
	v2 =	vadd.f32 v3, v2;
	v3 =	vmul.f32 v4, v61  }
0x38d: {  	v4 =	vld.idx.msk [tilespmem:v62+s13+$0x0], $0xffff  }
0x38e: {  	v18 =	vld.idx.msk [tilespmem:v6+s12+$0x0], $0xffff;
	v2 =	vadd.f32 v3, v2;
	v3 =	vmul.f32 v5, v63  }
0x38f: {  	v5 =	vld.idx.msk [tilespmem:v6+s13+$0x0], $0xffff  }
0x390: {  	v6 =	vld.idx.msk [tilespmem:v1+s12+$0x0], $0xffff;
	v2 =	vadd.f32 v3, v2;
	v3 =	vmul.f32 v7, v16  }
0x391: {  	v1 =	vld.idx.msk [tilespmem:v1+s13+$0x0], $0xffff  }
0x392: {  	v2 =	vadd.f32 v3, v2;
	v3 =	vmul.f32 v4, v17;
	_ =	sdelay $0x1  }
0x393: {  	v2 =	vadd.f32 v3, v2;
	v3 =	vmul.f32 v5, v18;
	_ =	sdelay $0x1  }
0x394: {  	v1 =	vmul.f32 v1, v6;
	v2 =	vadd.f32 v3, v2;
	_ =	sdelay $0x1  }
0x395: {  	v1 =	vadd.f32 v1, v2  }
0x396: {  	s31 =	simm.s32 $0x180;
	s30 =	sadd.s32 $0x10, s30  }
0x397: {  	[tilespmem:s30+$0x0] =	vst v1;
	v1 =	vmov s31  }
0x398: {  	_ =	swait.ge [sflag:s25], $0x1000;
	v1 =	vshll.u32 v1, $0x5  }
0x399: {  	[sflag:s25] =	ssyncset.done $0x0;
	v1 =	vor.u32 v0, v1  }
0x39a: {  	[sflag:s25] =	ssyncadd.s32 $0xFFFFF000  }
0x39b: {  	v2 =	vor.u32 $0x1, v1;
	_ =	swait.ge [sflag:s26], $0x1000  }
0x39c: {  	[sflag:s26] =	ssyncset.done $0x0  }
0x39d: {  	v3 =	vor.u32 $0x2, v1;
	[sflag:s26] =	ssyncadd.s32 $0xFFFFF000  }
0x39e: {  	v4 =	vld.idx.msk [tilespmem:v1+s13+$0x0], $0xffff  }
0x39f: {  	v6 =	vor.u32 $0x3, v1;
	v5 =	vld.idx.msk [tilespmem:v1+s12+$0x0], $0xffff  }
0x3a0: {  	v7 =	vld.idx.msk [tilespmem:v2+s12+$0x0], $0xffff  }
0x3a1: {  	v19 =	vor.u32 $0x4, v1;
	v2 =	vld.idx.msk [tilespmem:v2+s13+$0x0], $0xffff  }
0x3a2: {  	v20 =	vld.idx.msk [tilespmem:v3+s12+$0x0], $0xffff  }
0x3a3: {  	v21 =	vor.u32 $0x5, v1;
	v3 =	vld.idx.msk [tilespmem:v3+s13+$0x0], $0xffff  }
0x3a4: {  	v22 =	vld.idx.msk [tilespmem:v6+s12+$0x0], $0xffff;
	v4 =	vmul.f32 v4, v5  }
0x3a5: {  	v5 =	vld.idx.msk [tilespmem:v6+s13+$0x0], $0xffff;
	v6 =	vor.u32 $0x6, v1  }
0x3a6: {  	v23 =	vld.idx.msk [tilespmem:v19+s12+$0x0], $0xffff;
	v2 =	vmul.f32 v2, v7;
	v4 =	vadd.f32 $0.0e+00, v4  }
0x3a7: {  	v24 =	vor.u32 $0x7, v1;
	v7 =	vld.idx.msk [tilespmem:v19+s13+$0x0], $0xffff  }
0x3a8: {  	v25 =	vld.idx.msk [tilespmem:v21+s12+$0x0], $0xffff;
	v3 =	vmul.f32 v3, v20;
	v2 =	vadd.f32 v2, v4  }
0x3a9: {  	v26 =	vor.u32 $0x8, v1;
	v4 =	vld.idx.msk [tilespmem:v21+s13+$0x0], $0xffff  }
0x3aa: {  	v27 =	vld.idx.msk [tilespmem:v6+s12+$0x0], $0xffff;
	v2 =	vadd.f32 v3, v2;
	v3 =	vmul.f32 v5, v22  }
0x3ab: {  	v5 =	vld.idx.msk [tilespmem:v6+s13+$0x0], $0xffff;
	v6 =	vor.u32 $0x9, v1  }
0x3ac: {  	v28 =	vld.idx.msk [tilespmem:v24+s12+$0x0], $0xffff;
	v2 =	vadd.f32 v3, v2;
	v3 =	vmul.f32 v7, v23  }
0x3ad: {  	v29 =	vor.u32 $0xA, v1;
	v7 =	vld.idx.msk [tilespmem:v24+s13+$0x0], $0xffff  }
0x3ae: {  	v30 =	vld.idx.msk [tilespmem:v26+s12+$0x0], $0xffff;
	v2 =	vadd.f32 v3, v2;
	v3 =	vmul.f32 v4, v25  }
0x3af: {  	v31 =	vor.u32 $0xB, v1;
	v4 =	vld.idx.msk [tilespmem:v26+s13+$0x0], $0xffff  }
0x3b0: {  	v32 =	vld.idx.msk [tilespmem:v6+s12+$0x0], $0xffff;
	v2 =	vadd.f32 v3, v2;
	v3 =	vmul.f32 v5, v27  }
0x3b1: {  	v5 =	vld.idx.msk [tilespmem:v6+s13+$0x0], $0xffff;
	v6 =	vor.u32 $0xC, v1  }
0x3b2: {  	v33 =	vld.idx.msk [tilespmem:v29+s12+$0x0], $0xffff;
	v2 =	vadd.f32 v3, v2;
	v3 =	vmul.f32 v7, v28  }
0x3b3: {  	v34 =	vor.u32 $0xD, v1;
	v7 =	vld.idx.msk [tilespmem:v29+s13+$0x0], $0xffff  }
0x3b4: {  	v35 =	vld.idx.msk [tilespmem:v31+s12+$0x0], $0xffff;
	v2 =	vadd.f32 v3, v2;
	v3 =	vmul.f32 v4, v30  }
0x3b5: {  	v36 =	vor.u32 $0xE, v1;
	v4 =	vld.idx.msk [tilespmem:v31+s13+$0x0], $0xffff  }
0x3b6: {  	v37 =	vld.idx.msk [tilespmem:v6+s12+$0x0], $0xffff;
	v2 =	vadd.f32 v3, v2;
	v3 =	vmul.f32 v5, v32  }
0x3b7: {  	v5 =	vld.idx.msk [tilespmem:v6+s13+$0x0], $0xffff;
	v6 =	vor.u32 $0xF, v1  }
0x3b8: {  	v38 =	vld.idx.msk [tilespmem:v34+s12+$0x0], $0xffff;
	v2 =	vadd.f32 v3, v2;
	v3 =	vmul.f32 v7, v33  }
0x3b9: {  	v39 =	vor.u32 $0x10, v1;
	v7 =	vld.idx.msk [tilespmem:v34+s13+$0x0], $0xffff  }
0x3ba: {  	v40 =	vld.idx.msk [tilespmem:v36+s12+$0x0], $0xffff;
	v2 =	vadd.f32 v3, v2;
	v3 =	vmul.f32 v4, v35  }
0x3bb: {  	v41 =	vor.u32 $0x11, v1;
	v4 =	vld.idx.msk [tilespmem:v36+s13+$0x0], $0xffff  }
0x3bc: {  	v42 =	vld.idx.msk [tilespmem:v6+s12+$0x0], $0xffff;
	v2 =	vadd.f32 v3, v2;
	v3 =	vmul.f32 v5, v37  }
0x3bd: {  	v5 =	vld.idx.msk [tilespmem:v6+s13+$0x0], $0xffff;
	v6 =	vor.u32 $0x12, v1  }
0x3be: {  	v43 =	vld.idx.msk [tilespmem:v39+s12+$0x0], $0xffff;
	v2 =	vadd.f32 v3, v2;
	v3 =	vmul.f32 v7, v38  }
0x3bf: {  	v44 =	vor.u32 $0x13, v1;
	v7 =	vld.idx.msk [tilespmem:v39+s13+$0x0], $0xffff  }
0x3c0: {  	v45 =	vld.idx.msk [tilespmem:v41+s12+$0x0], $0xffff;
	v2 =	vadd.f32 v3, v2;
	v3 =	vmul.f32 v4, v40  }
0x3c1: {  	v46 =	vor.u32 $0x14, v1;
	v4 =	vld.idx.msk [tilespmem:v41+s13+$0x0], $0xffff  }
0x3c2: {  	v47 =	vld.idx.msk [tilespmem:v6+s12+$0x0], $0xffff;
	v2 =	vadd.f32 v3, v2;
	v3 =	vmul.f32 v5, v42  }
0x3c3: {  	v5 =	vld.idx.msk [tilespmem:v6+s13+$0x0], $0xffff;
	v6 =	vor.u32 $0x15, v1  }
0x3c4: {  	v48 =	vld.idx.msk [tilespmem:v44+s12+$0x0], $0xffff;
	v2 =	vadd.f32 v3, v2;
	v3 =	vmul.f32 v7, v43  }
0x3c5: {  	v49 =	vor.u32 $0x16, v1;
	v7 =	vld.idx.msk [tilespmem:v44+s13+$0x0], $0xffff  }
0x3c6: {  	v50 =	vld.idx.msk [tilespmem:v46+s12+$0x0], $0xffff;
	v2 =	vadd.f32 v3, v2;
	v3 =	vmul.f32 v4, v45  }
0x3c7: {  	v51 =	vor.u32 $0x17, v1;
	v4 =	vld.idx.msk [tilespmem:v46+s13+$0x0], $0xffff  }
0x3c8: {  	v52 =	vld.idx.msk [tilespmem:v6+s12+$0x0], $0xffff;
	v2 =	vadd.f32 v3, v2;
	v3 =	vmul.f32 v5, v47  }
0x3c9: {  	v5 =	vld.idx.msk [tilespmem:v6+s13+$0x0], $0xffff;
	v6 =	vor.u32 $0x18, v1  }
0x3ca: {  	v53 =	vld.idx.msk [tilespmem:v49+s12+$0x0], $0xffff;
	v2 =	vadd.f32 v3, v2;
	v3 =	vmul.f32 v7, v48  }
0x3cb: {  	v54 =	vor.u32 $0x19, v1;
	v7 =	vld.idx.msk [tilespmem:v49+s13+$0x0], $0xffff  }
0x3cc: {  	v55 =	vld.idx.msk [tilespmem:v51+s12+$0x0], $0xffff;
	v2 =	vadd.f32 v3, v2;
	v3 =	vmul.f32 v4, v50  }
0x3cd: {  	v56 =	vor.u32 $0x1A, v1;
	v4 =	vld.idx.msk [tilespmem:v51+s13+$0x0], $0xffff  }
0x3ce: {  	v57 =	vld.idx.msk [tilespmem:v6+s12+$0x0], $0xffff;
	v2 =	vadd.f32 v3, v2;
	v3 =	vmul.f32 v5, v52  }
0x3cf: {  	v5 =	vld.idx.msk [tilespmem:v6+s13+$0x0], $0xffff;
	v6 =	vor.u32 $0x1B, v1  }
0x3d0: {  	v58 =	vld.idx.msk [tilespmem:v54+s12+$0x0], $0xffff;
	v2 =	vadd.f32 v3, v2;
	v3 =	vmul.f32 v7, v53  }
0x3d1: {  	v59 =	vor.u32 $0x1C, v1;
	v7 =	vld.idx.msk [tilespmem:v54+s13+$0x0], $0xffff  }
0x3d2: {  	v60 =	vld.idx.msk [tilespmem:v56+s12+$0x0], $0xffff;
	v2 =	vadd.f32 v3, v2;
	v3 =	vmul.f32 v4, v55  }
0x3d3: {  	v61 =	vor.u32 $0x1D, v1;
	v4 =	vld.idx.msk [tilespmem:v56+s13+$0x0], $0xffff  }
0x3d4: {  	v62 =	vld.idx.msk [tilespmem:v6+s12+$0x0], $0xffff;
	v2 =	vadd.f32 v3, v2;
	v3 =	vmul.f32 v5, v57  }
0x3d5: {  	v5 =	vld.idx.msk [tilespmem:v6+s13+$0x0], $0xffff;
	v6 =	vor.u32 $0x1E, v1  }
0x3d6: {  	v63 =	vld.idx.msk [tilespmem:v59+s12+$0x0], $0xffff;
	v2 =	vadd.f32 v3, v2;
	v3 =	vmul.f32 v7, v58  }
0x3d7: {  	v1 =	vor.u32 $0x1F, v1;
	v7 =	vld.idx.msk [tilespmem:v59+s13+$0x0], $0xffff  }
0x3d8: {  	v15 =	vld.idx.msk [tilespmem:v61+s12+$0x0], $0xffff;
	v2 =	vadd.f32 v3, v2;
	v3 =	vmul.f32 v4, v60  }
0x3d9: {  	v4 =	vld.idx.msk [tilespmem:v61+s13+$0x0], $0xffff  }
0x3da: {  	v16 =	vld.idx.msk [tilespmem:v6+s12+$0x0], $0xffff;
	v2 =	vadd.f32 v3, v2;
	v3 =	vmul.f32 v5, v62  }
0x3db: {  	v5 =	vld.idx.msk [tilespmem:v6+s13+$0x0], $0xffff  }
0x3dc: {  	v6 =	vld.idx.msk [tilespmem:v1+s12+$0x0], $0xffff;
	v2 =	vadd.f32 v3, v2;
	v3 =	vmul.f32 v7, v63  }
0x3dd: {  	v7 =	vld.idx.msk [tilespmem:v1+s13+$0x0], $0xffff  }
0x3de: {  	v1 =	vadd.f32 v3, v2;
	v2 =	vmul.f32 v4, v15  }
0x3df: {  	s30 =	simm.s32 $0x190  }
0x3e0: {  	v3 =	vmov s30;
	v4 =	vmul.f32 v5, v16;
	v2 =	vadd.f32 v2, v1  }
0x3e1: {  	v1 =	vshll.u32 v3, $0x5  }
0x3e2: {  	v1 =	vor.u32 v0, v1;
	v3 =	vmul.f32 v7, v6;
	v2 =	vadd.f32 v4, v2;
	_ =	sdelay $0x1  }
0x3e3: {  	v4 =	vor.u32 $0x1, v1;
	v2 =	vadd.f32 v3, v2  }
0x3e4: {  	s30 =	simm.s32 $0x8580  }
0x3e5: {  	v3 =	vor.u32 $0x2, v1;
	[tilespmem:s30+$0x0] =	vst v2  }
0x3e6: {  	v2 =	vld.idx.msk [tilespmem:v1+s13+$0x0], $0xffff  }
0x3e7: {  	v6 =	vor.u32 $0x3, v1;
	v5 =	vld.idx.msk [tilespmem:v1+s12+$0x0], $0xffff  }
0x3e8: {  	v7 =	vld.idx.msk [tilespmem:v4+s12+$0x0], $0xffff  }
0x3e9: {  	v17 =	vor.u32 $0x4, v1;
	v4 =	vld.idx.msk [tilespmem:v4+s13+$0x0], $0xffff  }
0x3ea: {  	v18 =	vld.idx.msk [tilespmem:v3+s12+$0x0], $0xffff  }
0x3eb: {  	v19 =	vor.u32 $0x5, v1;
	v3 =	vld.idx.msk [tilespmem:v3+s13+$0x0], $0xffff  }
0x3ec: {  	v20 =	vld.idx.msk [tilespmem:v6+s12+$0x0], $0xffff;
	v2 =	vmul.f32 v2, v5  }
0x3ed: {  	v5 =	vld.idx.msk [tilespmem:v6+s13+$0x0], $0xffff;
	v6 =	vor.u32 $0x6, v1  }
0x3ee: {  	v21 =	vld.idx.msk [tilespmem:v17+s12+$0x0], $0xffff;
	v4 =	vmul.f32 v4, v7;
	v2 =	vadd.f32 $0.0e+00, v2  }
0x3ef: {  	v22 =	vor.u32 $0x7, v1;
	v7 =	vld.idx.msk [tilespmem:v17+s13+$0x0], $0xffff  }
0x3f0: {  	v23 =	vld.idx.msk [tilespmem:v19+s12+$0x0], $0xffff;
	v3 =	vmul.f32 v3, v18;
	v2 =	vadd.f32 v4, v2  }
0x3f1: {  	v24 =	vor.u32 $0x8, v1;
	v4 =	vld.idx.msk [tilespmem:v19+s13+$0x0], $0xffff  }
0x3f2: {  	v25 =	vld.idx.msk [tilespmem:v6+s12+$0x0], $0xffff;
	v2 =	vadd.f32 v3, v2;
	v3 =	vmul.f32 v5, v20  }
0x3f3: {  	v5 =	vld.idx.msk [tilespmem:v6+s13+$0x0], $0xffff;
	v6 =	vor.u32 $0x9, v1  }
0x3f4: {  	v26 =	vld.idx.msk [tilespmem:v22+s12+$0x0], $0xffff;
	v2 =	vadd.f32 v3, v2;
	v3 =	vmul.f32 v7, v21  }
0x3f5: {  	v27 =	vor.u32 $0xA, v1;
	v7 =	vld.idx.msk [tilespmem:v22+s13+$0x0], $0xffff  }
0x3f6: {  	v28 =	vld.idx.msk [tilespmem:v24+s12+$0x0], $0xffff;
	v2 =	vadd.f32 v3, v2;
	v3 =	vmul.f32 v4, v23  }
0x3f7: {  	v29 =	vor.u32 $0xB, v1;
	v4 =	vld.idx.msk [tilespmem:v24+s13+$0x0], $0xffff  }
0x3f8: {  	v30 =	vld.idx.msk [tilespmem:v6+s12+$0x0], $0xffff;
	v2 =	vadd.f32 v3, v2;
	v3 =	vmul.f32 v5, v25  }
0x3f9: {  	v5 =	vld.idx.msk [tilespmem:v6+s13+$0x0], $0xffff;
	v6 =	vor.u32 $0xC, v1  }
0x3fa: {  	v31 =	vld.idx.msk [tilespmem:v27+s12+$0x0], $0xffff;
	v2 =	vadd.f32 v3, v2;
	v3 =	vmul.f32 v7, v26  }
0x3fb: {  	v32 =	vor.u32 $0xD, v1;
	v7 =	vld.idx.msk [tilespmem:v27+s13+$0x0], $0xffff  }
0x3fc: {  	v33 =	vld.idx.msk [tilespmem:v29+s12+$0x0], $0xffff;
	v2 =	vadd.f32 v3, v2;
	v3 =	vmul.f32 v4, v28  }
0x3fd: {  	v34 =	vor.u32 $0xE, v1;
	v4 =	vld.idx.msk [tilespmem:v29+s13+$0x0], $0xffff  }
0x3fe: {  	v35 =	vld.idx.msk [tilespmem:v6+s12+$0x0], $0xffff;
	v2 =	vadd.f32 v3, v2;
	v3 =	vmul.f32 v5, v30  }
0x3ff: {  	v5 =	vld.idx.msk [tilespmem:v6+s13+$0x0], $0xffff;
	v6 =	vor.u32 $0xF, v1  }
0x400: {  	v36 =	vld.idx.msk [tilespmem:v32+s12+$0x0], $0xffff;
	v2 =	vadd.f32 v3, v2;
	v3 =	vmul.f32 v7, v31  }
0x401: {  	v37 =	vor.u32 $0x10, v1;
	v7 =	vld.idx.msk [tilespmem:v32+s13+$0x0], $0xffff  }
0x402: {  	v38 =	vld.idx.msk [tilespmem:v34+s12+$0x0], $0xffff;
	v2 =	vadd.f32 v3, v2;
	v3 =	vmul.f32 v4, v33  }
0x403: {  	v39 =	vor.u32 $0x11, v1;
	v4 =	vld.idx.msk [tilespmem:v34+s13+$0x0], $0xffff  }
0x404: {  	v40 =	vld.idx.msk [tilespmem:v6+s12+$0x0], $0xffff;
	v2 =	vadd.f32 v3, v2;
	v3 =	vmul.f32 v5, v35  }
0x405: {  	v5 =	vld.idx.msk [tilespmem:v6+s13+$0x0], $0xffff;
	v6 =	vor.u32 $0x12, v1  }
0x406: {  	v41 =	vld.idx.msk [tilespmem:v37+s12+$0x0], $0xffff;
	v2 =	vadd.f32 v3, v2;
	v3 =	vmul.f32 v7, v36  }
0x407: {  	v42 =	vor.u32 $0x13, v1;
	v7 =	vld.idx.msk [tilespmem:v37+s13+$0x0], $0xffff  }
0x408: {  	v43 =	vld.idx.msk [tilespmem:v39+s12+$0x0], $0xffff;
	v2 =	vadd.f32 v3, v2;
	v3 =	vmul.f32 v4, v38  }
0x409: {  	v44 =	vor.u32 $0x14, v1;
	v4 =	vld.idx.msk [tilespmem:v39+s13+$0x0], $0xffff  }
0x40a: {  	v45 =	vld.idx.msk [tilespmem:v6+s12+$0x0], $0xffff;
	v2 =	vadd.f32 v3, v2;
	v3 =	vmul.f32 v5, v40  }
0x40b: {  	v5 =	vld.idx.msk [tilespmem:v6+s13+$0x0], $0xffff;
	v6 =	vor.u32 $0x15, v1  }
0x40c: {  	v46 =	vld.idx.msk [tilespmem:v42+s12+$0x0], $0xffff;
	v2 =	vadd.f32 v3, v2;
	v3 =	vmul.f32 v7, v41  }
0x40d: {  	v47 =	vor.u32 $0x16, v1;
	v7 =	vld.idx.msk [tilespmem:v42+s13+$0x0], $0xffff  }
0x40e: {  	v48 =	vld.idx.msk [tilespmem:v44+s12+$0x0], $0xffff;
	v2 =	vadd.f32 v3, v2;
	v3 =	vmul.f32 v4, v43  }
0x40f: {  	v49 =	vor.u32 $0x17, v1;
	v4 =	vld.idx.msk [tilespmem:v44+s13+$0x0], $0xffff  }
0x410: {  	v50 =	vld.idx.msk [tilespmem:v6+s12+$0x0], $0xffff;
	v2 =	vadd.f32 v3, v2;
	v3 =	vmul.f32 v5, v45  }
0x411: {  	v5 =	vld.idx.msk [tilespmem:v6+s13+$0x0], $0xffff;
	v6 =	vor.u32 $0x18, v1  }
0x412: {  	v51 =	vld.idx.msk [tilespmem:v47+s12+$0x0], $0xffff;
	v2 =	vadd.f32 v3, v2;
	v3 =	vmul.f32 v7, v46  }
0x413: {  	v52 =	vor.u32 $0x19, v1;
	v7 =	vld.idx.msk [tilespmem:v47+s13+$0x0], $0xffff  }
0x414: {  	v53 =	vld.idx.msk [tilespmem:v49+s12+$0x0], $0xffff;
	v2 =	vadd.f32 v3, v2;
	v3 =	vmul.f32 v4, v48  }
0x415: {  	v54 =	vor.u32 $0x1A, v1;
	v4 =	vld.idx.msk [tilespmem:v49+s13+$0x0], $0xffff  }
0x416: {  	v55 =	vld.idx.msk [tilespmem:v6+s12+$0x0], $0xffff;
	v2 =	vadd.f32 v3, v2;
	v3 =	vmul.f32 v5, v50  }
0x417: {  	v5 =	vld.idx.msk [tilespmem:v6+s13+$0x0], $0xffff;
	v6 =	vor.u32 $0x1B, v1  }
0x418: {  	v56 =	vld.idx.msk [tilespmem:v52+s12+$0x0], $0xffff;
	v2 =	vadd.f32 v3, v2;
	v3 =	vmul.f32 v7, v51  }
0x419: {  	v57 =	vor.u32 $0x1C, v1;
	v7 =	vld.idx.msk [tilespmem:v52+s13+$0x0], $0xffff  }
0x41a: {  	v58 =	vld.idx.msk [tilespmem:v54+s12+$0x0], $0xffff;
	v2 =	vadd.f32 v3, v2;
	v3 =	vmul.f32 v4, v53  }
0x41b: {  	v4 =	vld.idx.msk [tilespmem:v54+s13+$0x0], $0xffff  }
0x41c: {  	v60 =	vld.idx.msk [tilespmem:v6+s12+$0x0], $0xffff;
	v2 =	vadd.f32 v3, v2;
	v3 =	vmul.f32 v5, v55  }
0x41d: {  	v59 =	vor.u32 $0x1D, v1;
	v5 =	vld.idx.msk [tilespmem:v6+s13+$0x0], $0xffff  }
0x41e: {  	v61 =	vld.idx.msk [tilespmem:v57+s12+$0x0], $0xffff;
	v2 =	vadd.f32 v3, v2;
	v3 =	vmul.f32 v7, v56  }
0x41f: {  	v6 =	vor.u32 $0x1E, v1;
	v7 =	vld.idx.msk [tilespmem:v57+s13+$0x0], $0xffff  }
0x420: {  	v2 =	vadd.f32 v3, v2;
	v3 =	vmul.f32 v4, v58  }
0x421: {  	v1 =	vor.u32 $0x1F, v1  }
0x422: {  	v62 =	vld.idx.msk [tilespmem:v59+s12+$0x0], $0xffff;
	v2 =	vadd.f32 v3, v2;
	v3 =	vmul.f32 v5, v60  }
0x423: {  	v4 =	vld.idx.msk [tilespmem:v59+s13+$0x0], $0xffff  }
0x424: {  	v63 =	vld.idx.msk [tilespmem:v6+s12+$0x0], $0xffff;
	v2 =	vadd.f32 v3, v2;
	v3 =	vmul.f32 v7, v61  }
0x425: {  	v5 =	vld.idx.msk [tilespmem:v6+s13+$0x0], $0xffff  }
0x426: {  	v6 =	vadd.f32 v3, v2;
	v2 =	vld.idx.msk [tilespmem:v1+s12+$0x0], $0xffff  }
0x427: {  	v3 =	vld.idx.msk [tilespmem:v1+s13+$0x0], $0xffff  }
0x428: {  	v4 =	vmul.f32 v4, v62  }
0x429: {  	s31 =	simm.s32 $0x1A0  }
0x42a: {  	v7 =	vmov s31;
	v5 =	vmul.f32 v5, v63;
	v4 =	vadd.f32 v4, v6  }
0x42b: {  	s31 =	simm.s32 $0x1B0;
	v1 =	vshll.u32 v7, $0x5  }
.LBB2_8:
0x42c: {  	p0 =	sne.s32 s31, $0x1F0;
	v1 =	vor.u32 v0, v1;
	v4 =	vadd.f32 v5, v4;
	v2 =	vmul.f32 v3, v2;
	_ =	sdelay $0x1  }
0x42d: {  	v3 =	vor.u32 $0x1, v1;
	v2 =	vadd.f32 v2, v4  }
0x42e: {  	s30 =	sadd.s32 $0x10, s30  }
0x42f: {  	v4 =	vor.u32 $0x2, v1;
	[tilespmem:s30+$0x0] =	vst v2  }
0x430: {  	v2 =	vld.idx.msk [tilespmem:v1+s13+$0x0], $0xffff  }
0x431: {  	v6 =	vor.u32 $0x3, v1;
	v5 =	vld.idx.msk [tilespmem:v1+s12+$0x0], $0xffff  }
0x432: {  	v7 =	vld.idx.msk [tilespmem:v3+s12+$0x0], $0xffff  }
0x433: {  	v8 =	vor.u32 $0x4, v1;
	v3 =	vld.idx.msk [tilespmem:v3+s13+$0x0], $0xffff  }
0x434: {  	v9 =	vld.idx.msk [tilespmem:v4+s12+$0x0], $0xffff  }
0x435: {  	v10 =	vor.u32 $0x5, v1;
	v4 =	vld.idx.msk [tilespmem:v4+s13+$0x0], $0xffff  }
0x436: {  	v11 =	vld.idx.msk [tilespmem:v6+s12+$0x0], $0xffff  }
0x437: {  	v2 =	vmul.f32 v2, v5;
	v5 =	vld.idx.msk [tilespmem:v6+s13+$0x0], $0xffff;
	v6 =	vor.u32 $0x6, v1  }
0x438: {  	v12 =	vld.idx.msk [tilespmem:v8+s12+$0x0], $0xffff  }
0x439: {  	v2 =	vadd.f32 $0.0e+00, v2;
	v3 =	vmul.f32 v3, v7;
	v7 =	vld.idx.msk [tilespmem:v8+s13+$0x0], $0xffff;
	v8 =	vor.u32 $0x7, v1  }
0x43a: {  	v13 =	vld.idx.msk [tilespmem:v10+s12+$0x0], $0xffff  }
0x43b: {  	v2 =	vadd.f32 v3, v2;
	v3 =	vmul.f32 v4, v9;
	v9 =	vor.u32 $0x8, v1;
	v4 =	vld.idx.msk [tilespmem:v10+s13+$0x0], $0xffff  }
0x43c: {  	v10 =	vld.idx.msk [tilespmem:v6+s12+$0x0], $0xffff  }
0x43d: {  	v2 =	vadd.f32 v3, v2;
	v3 =	vmul.f32 v5, v11;
	v5 =	vld.idx.msk [tilespmem:v6+s13+$0x0], $0xffff;
	v6 =	vor.u32 $0x9, v1  }
0x43e: {  	v11 =	vld.idx.msk [tilespmem:v8+s12+$0x0], $0xffff  }
0x43f: {  	v2 =	vadd.f32 v3, v2;
	v3 =	vmul.f32 v7, v12;
	v7 =	vld.idx.msk [tilespmem:v8+s13+$0x0], $0xffff;
	v8 =	vor.u32 $0xA, v1  }
0x440: {  	v12 =	vld.idx.msk [tilespmem:v9+s12+$0x0], $0xffff  }
0x441: {  	v2 =	vadd.f32 v3, v2;
	v3 =	vmul.f32 v4, v13;
	v4 =	vld.idx.msk [tilespmem:v9+s13+$0x0], $0xffff;
	v9 =	vor.u32 $0xB, v1  }
0x442: {  	v13 =	vld.idx.msk [tilespmem:v6+s12+$0x0], $0xffff  }
0x443: {  	v2 =	vadd.f32 v3, v2;
	v3 =	vmul.f32 v5, v10;
	v5 =	vld.idx.msk [tilespmem:v6+s13+$0x0], $0xffff;
	v6 =	vor.u32 $0xC, v1  }
0x444: {  	v10 =	vld.idx.msk [tilespmem:v8+s12+$0x0], $0xffff  }
0x445: {  	v2 =	vadd.f32 v3, v2;
	v3 =	vmul.f32 v7, v11;
	v7 =	vld.idx.msk [tilespmem:v8+s13+$0x0], $0xffff;
	v8 =	vor.u32 $0xD, v1  }
0x446: {  	v11 =	vld.idx.msk [tilespmem:v9+s12+$0x0], $0xffff  }
0x447: {  	v2 =	vadd.f32 v3, v2;
	v3 =	vmul.f32 v4, v12;
	v4 =	vld.idx.msk [tilespmem:v9+s13+$0x0], $0xffff;
	v9 =	vor.u32 $0xE, v1  }
0x448: {  	v12 =	vld.idx.msk [tilespmem:v6+s12+$0x0], $0xffff  }
0x449: {  	v2 =	vadd.f32 v3, v2;
	v3 =	vmul.f32 v5, v13;
	v5 =	vld.idx.msk [tilespmem:v6+s13+$0x0], $0xffff;
	v6 =	vor.u32 $0xF, v1  }
0x44a: {  	v13 =	vld.idx.msk [tilespmem:v8+s12+$0x0], $0xffff  }
0x44b: {  	v2 =	vadd.f32 v3, v2;
	v3 =	vmul.f32 v7, v10;
	v7 =	vld.idx.msk [tilespmem:v8+s13+$0x0], $0xffff;
	v8 =	vor.u32 $0x10, v1  }
0x44c: {  	v10 =	vld.idx.msk [tilespmem:v9+s12+$0x0], $0xffff  }
0x44d: {  	v2 =	vadd.f32 v3, v2;
	v3 =	vmul.f32 v4, v11;
	v4 =	vld.idx.msk [tilespmem:v9+s13+$0x0], $0xffff;
	v9 =	vor.u32 $0x11, v1  }
0x44e: {  	v11 =	vld.idx.msk [tilespmem:v6+s12+$0x0], $0xffff  }
0x44f: {  	v2 =	vadd.f32 v3, v2;
	v3 =	vmul.f32 v5, v12;
	v5 =	vld.idx.msk [tilespmem:v6+s13+$0x0], $0xffff;
	v6 =	vor.u32 $0x12, v1  }
0x450: {  	v12 =	vld.idx.msk [tilespmem:v8+s12+$0x0], $0xffff  }
0x451: {  	v2 =	vadd.f32 v3, v2;
	v3 =	vmul.f32 v7, v13;
	v7 =	vld.idx.msk [tilespmem:v8+s13+$0x0], $0xffff;
	v8 =	vor.u32 $0x13, v1  }
0x452: {  	v13 =	vld.idx.msk [tilespmem:v9+s12+$0x0], $0xffff  }
0x453: {  	v2 =	vadd.f32 v3, v2;
	v3 =	vmul.f32 v4, v10;
	v4 =	vld.idx.msk [tilespmem:v9+s13+$0x0], $0xffff;
	v9 =	vor.u32 $0x14, v1  }
0x454: {  	v10 =	vld.idx.msk [tilespmem:v6+s12+$0x0], $0xffff  }
0x455: {  	v2 =	vadd.f32 v3, v2;
	v3 =	vmul.f32 v5, v11;
	v5 =	vld.idx.msk [tilespmem:v6+s13+$0x0], $0xffff;
	v6 =	vor.u32 $0x15, v1  }
0x456: {  	v11 =	vld.idx.msk [tilespmem:v8+s12+$0x0], $0xffff  }
0x457: {  	v2 =	vadd.f32 v3, v2;
	v3 =	vmul.f32 v7, v12;
	v7 =	vld.idx.msk [tilespmem:v8+s13+$0x0], $0xffff;
	v8 =	vor.u32 $0x16, v1  }
0x458: {  	v12 =	vld.idx.msk [tilespmem:v9+s12+$0x0], $0xffff  }
0x459: {  	v2 =	vadd.f32 v3, v2;
	v3 =	vmul.f32 v4, v13;
	v4 =	vld.idx.msk [tilespmem:v9+s13+$0x0], $0xffff;
	v9 =	vor.u32 $0x17, v1  }
0x45a: {  	v13 =	vld.idx.msk [tilespmem:v6+s12+$0x0], $0xffff  }
0x45b: {  	v2 =	vadd.f32 v3, v2;
	v3 =	vmul.f32 v5, v10;
	v5 =	vld.idx.msk [tilespmem:v6+s13+$0x0], $0xffff;
	v6 =	vor.u32 $0x18, v1  }
0x45c: {  	v10 =	vld.idx.msk [tilespmem:v8+s12+$0x0], $0xffff  }
0x45d: {  	v2 =	vadd.f32 v3, v2;
	v3 =	vmul.f32 v7, v11;
	v7 =	vld.idx.msk [tilespmem:v8+s13+$0x0], $0xffff;
	v8 =	vor.u32 $0x19, v1  }
0x45e: {  	v11 =	vld.idx.msk [tilespmem:v9+s12+$0x0], $0xffff  }
0x45f: {  	v2 =	vadd.f32 v3, v2;
	v3 =	vmul.f32 v4, v12;
	v4 =	vld.idx.msk [tilespmem:v9+s13+$0x0], $0xffff;
	v9 =	vor.u32 $0x1A, v1  }
0x460: {  	v12 =	vld.idx.msk [tilespmem:v6+s12+$0x0], $0xffff  }
0x461: {  	v2 =	vadd.f32 v3, v2;
	v3 =	vmul.f32 v5, v13;
	v5 =	vld.idx.msk [tilespmem:v6+s13+$0x0], $0xffff;
	v6 =	vor.u32 $0x1B, v1  }
0x462: {  	v13 =	vld.idx.msk [tilespmem:v8+s12+$0x0], $0xffff  }
0x463: {  	v2 =	vadd.f32 v3, v2;
	v3 =	vmul.f32 v7, v10;
	v7 =	vld.idx.msk [tilespmem:v8+s13+$0x0], $0xffff;
	v8 =	vor.u32 $0x1C, v1  }
0x464: {  	v10 =	vld.idx.msk [tilespmem:v9+s12+$0x0], $0xffff  }
0x465: {  	v2 =	vadd.f32 v3, v2;
	v3 =	vmul.f32 v4, v11;
	v4 =	vld.idx.msk [tilespmem:v9+s13+$0x0], $0xffff;
	v9 =	vor.u32 $0x1D, v1  }
0x466: {  	v11 =	vld.idx.msk [tilespmem:v6+s12+$0x0], $0xffff  }
0x467: {  	v2 =	vadd.f32 v3, v2;
	v3 =	vmul.f32 v5, v12;
	v5 =	vld.idx.msk [tilespmem:v6+s13+$0x0], $0xffff;
	v6 =	vor.u32 $0x1E, v1  }
0x468: {  	v12 =	vld.idx.msk [tilespmem:v8+s12+$0x0], $0xffff  }
0x469: {  	v1 =	vor.u32 $0x1F, v1;
	v2 =	vadd.f32 v3, v2;
	v3 =	vmul.f32 v7, v13;
	v7 =	vld.idx.msk [tilespmem:v8+s13+$0x0], $0xffff  }
0x46a: {  	v8 =	vld.idx.msk [tilespmem:v9+s12+$0x0], $0xffff  }
0x46b: {  	v2 =	vadd.f32 v3, v2;
	v3 =	vmul.f32 v4, v10;
	v4 =	vld.idx.msk [tilespmem:v9+s13+$0x0], $0xffff  }
0x46c: {  	v9 =	vld.idx.msk [tilespmem:v6+s12+$0x0], $0xffff  }
0x46d: {  	v3 =	vadd.f32 v3, v2;
	v5 =	vmul.f32 v5, v11;
	v6 =	vld.idx.msk [tilespmem:v6+s13+$0x0], $0xffff  }
0x46e: {  	v2 =	vld.idx.msk [tilespmem:v1+s12+$0x0], $0xffff  }
0x46f: {  	v5 =	vadd.f32 v5, v3;
	v7 =	vmul.f32 v7, v12;
	v3 =	vld.idx.msk [tilespmem:v1+s13+$0x0], $0xffff  }
.Ltmp3:
0x470: {  	(pc) =	sbr.rel @p0 .LBB2_8-.Ltmp3, $3  }
0x471: {  	v1 =	vadd.f32 v7, v5;
	v4 =	vmul.f32 v4, v8;
	_ =	sdelay $0x1  }
0x472: {  	v7 =	vmov s31;
	v4 =	vadd.f32 v4, v1;
	v5 =	vmul.f32 v6, v9  }
0x473: {  	s31 =	sadd.s32 $0x10, s31;
	v1 =	vshll.u32 v7, $0x5  }
0x474: {  	v1 =	vor.u32 v0, v1;
	v4 =	vadd.f32 v5, v4;
	v2 =	vmul.f32 v3, v2;
	_ =	sdelay $0x1  }
0x475: {  	v3 =	vor.u32 $0x1, v1;
	v2 =	vadd.f32 v2, v4  }
0x476: {  	s30 =	sadd.s32 $0x10, s30  }
0x477: {  	v31 =	vor.u32 $0x2, v1;
	[tilespmem:s30+$0x0] =	vst v2  }
0x478: {  	v2 =	vld.idx.msk [tilespmem:v1+s13+$0x0], $0xffff  }
0x479: {  	v6 =	vor.u32 $0x3, v1;
	v32 =	vld.idx.msk [tilespmem:v1+s12+$0x0], $0xffff  }
0x47a: {  	v7 =	vld.idx.msk [tilespmem:v3+s12+$0x0], $0xffff  }
0x47b: {  	v8 =	vor.u32 $0x4, v1;
	v3 =	vld.idx.msk [tilespmem:v3+s13+$0x0], $0xffff  }
0x47c: {  	v9 =	vld.idx.msk [tilespmem:v31+s12+$0x0], $0xffff  }
0x47d: {  	v10 =	vor.u32 $0x5, v1;
	v4 =	vld.idx.msk [tilespmem:v31+s13+$0x0], $0xffff  }
0x47e: {  	v11 =	vld.idx.msk [tilespmem:v6+s12+$0x0], $0xffff;
	v2 =	vmul.f32 v2, v32  }
0x47f: {  	v34 =	vor.u32 $0x6, v1;
	v33 =	vld.idx.msk [tilespmem:v6+s13+$0x0], $0xffff  }
0x480: {  	v12 =	vld.idx.msk [tilespmem:v8+s12+$0x0], $0xffff;
	v3 =	vmul.f32 v3, v7;
	v2 =	vadd.f32 $0.0e+00, v2  }
0x481: {  	v36 =	vor.u32 $0x7, v1;
	v35 =	vld.idx.msk [tilespmem:v8+s13+$0x0], $0xffff  }
0x482: {  	v13 =	vld.idx.msk [tilespmem:v10+s12+$0x0], $0xffff;
	v2 =	vadd.f32 v3, v2;
	v3 =	vmul.f32 v4, v9  }
0x483: {  	v38 =	vor.u32 $0x8, v1;
	v37 =	vld.idx.msk [tilespmem:v10+s13+$0x0], $0xffff  }
0x484: {  	v39 =	vld.idx.msk [tilespmem:v34+s12+$0x0], $0xffff;
	v2 =	vadd.f32 v3, v2;
	v3 =	vmul.f32 v33, v11  }
0x485: {  	v41 =	vor.u32 $0x9, v1;
	v40 =	vld.idx.msk [tilespmem:v34+s13+$0x0], $0xffff  }
0x486: {  	v42 =	vld.idx.msk [tilespmem:v36+s12+$0x0], $0xffff;
	v2 =	vadd.f32 v3, v2;
	v3 =	vmul.f32 v35, v12  }
0x487: {  	v44 =	vor.u32 $0xA, v1;
	v43 =	vld.idx.msk [tilespmem:v36+s13+$0x0], $0xffff  }
0x488: {  	v45 =	vld.idx.msk [tilespmem:v38+s12+$0x0], $0xffff;
	v2 =	vadd.f32 v3, v2;
	v3 =	vmul.f32 v37, v13  }
0x489: {  	v47 =	vor.u32 $0xB, v1;
	v46 =	vld.idx.msk [tilespmem:v38+s13+$0x0], $0xffff  }
0x48a: {  	v48 =	vld.idx.msk [tilespmem:v41+s12+$0x0], $0xffff;
	v2 =	vadd.f32 v3, v2;
	v3 =	vmul.f32 v40, v39  }
0x48b: {  	v50 =	vor.u32 $0xC, v1;
	v49 =	vld.idx.msk [tilespmem:v41+s13+$0x0], $0xffff  }
0x48c: {  	v51 =	vld.idx.msk [tilespmem:v44+s12+$0x0], $0xffff;
	v2 =	vadd.f32 v3, v2;
	v3 =	vmul.f32 v43, v42  }
0x48d: {  	v53 =	vor.u32 $0xD, v1;
	v52 =	vld.idx.msk [tilespmem:v44+s13+$0x0], $0xffff  }
0x48e: {  	v54 =	vld.idx.msk [tilespmem:v47+s12+$0x0], $0xffff;
	v2 =	vadd.f32 v3, v2;
	v3 =	vmul.f32 v46, v45  }
0x48f: {  	v56 =	vor.u32 $0xE, v1;
	v55 =	vld.idx.msk [tilespmem:v47+s13+$0x0], $0xffff  }
0x490: {  	v57 =	vld.idx.msk [tilespmem:v50+s12+$0x0], $0xffff;
	v2 =	vadd.f32 v3, v2;
	v3 =	vmul.f32 v49, v48  }
0x491: {  	v59 =	vor.u32 $0xF, v1;
	v58 =	vld.idx.msk [tilespmem:v50+s13+$0x0], $0xffff  }
0x492: {  	v60 =	vld.idx.msk [tilespmem:v53+s12+$0x0], $0xffff;
	v2 =	vadd.f32 v3, v2;
	v3 =	vmul.f32 v52, v51  }
0x493: {  	v62 =	vor.u32 $0x10, v1;
	v61 =	vld.idx.msk [tilespmem:v53+s13+$0x0], $0xffff  }
0x494: {  	v63 =	vld.idx.msk [tilespmem:v56+s12+$0x0], $0xffff;
	v2 =	vadd.f32 v3, v2;
	v3 =	vmul.f32 v55, v54  }
0x495: {  	v17 =	vor.u32 $0x11, v1;
	v16 =	vld.idx.msk [tilespmem:v56+s13+$0x0], $0xffff  }
0x496: {  	v18 =	vld.idx.msk [tilespmem:v59+s12+$0x0], $0xffff;
	v2 =	vadd.f32 v3, v2;
	v3 =	vmul.f32 v58, v57  }
0x497: {  	v20 =	vor.u32 $0x12, v1;
	v19 =	vld.idx.msk [tilespmem:v59+s13+$0x0], $0xffff  }
0x498: {  	v21 =	vld.idx.msk [tilespmem:v62+s12+$0x0], $0xffff;
	v2 =	vadd.f32 v3, v2;
	v3 =	vmul.f32 v61, v60  }
0x499: {  	v23 =	vor.u32 $0x13, v1;
	v22 =	vld.idx.msk [tilespmem:v62+s13+$0x0], $0xffff  }
0x49a: {  	v24 =	vld.idx.msk [tilespmem:v17+s12+$0x0], $0xffff;
	v2 =	vadd.f32 v3, v2;
	v3 =	vmul.f32 v16, v63  }
0x49b: {  	v26 =	vor.u32 $0x14, v1;
	v25 =	vld.idx.msk [tilespmem:v17+s13+$0x0], $0xffff  }
0x49c: {  	v27 =	vld.idx.msk [tilespmem:v20+s12+$0x0], $0xffff;
	v2 =	vadd.f32 v3, v2;
	v3 =	vmul.f32 v19, v18  }
0x49d: {  	v29 =	vor.u32 $0x15, v1;
	v28 =	vld.idx.msk [tilespmem:v20+s13+$0x0], $0xffff  }
0x49e: {  	v30 =	vld.idx.msk [tilespmem:v23+s12+$0x0], $0xffff;
	v2 =	vadd.f32 v3, v2;
	v3 =	vmul.f32 v22, v21  }
0x49f: {  	v31 =	vld.idx.msk [tilespmem:v23+s13+$0x0], $0xffff;
	v32 =	vor.u32 $0x16, v1  }
0x4a0: {  	v34 =	vld.idx.msk [tilespmem:v26+s13+$0x0], $0xffff;
	v2 =	vadd.f32 v3, v2;
	v3 =	vmul.f32 v25, v24  }
0x4a1: {  	v33 =	vld.idx.msk [tilespmem:v26+s12+$0x0], $0xffff;
	v35 =	vor.u32 $0x17, v1  }
0x4a2: {  	v36 =	vld.idx.msk [tilespmem:v29+s12+$0x0], $0xffff;
	v2 =	vadd.f32 v3, v2;
	v3 =	vmul.f32 v28, v27  }
0x4a3: {  	v38 =	vor.u32 $0x18, v1;
	v37 =	vld.idx.msk [tilespmem:v29+s13+$0x0], $0xffff  }
0x4a4: {  	v39 =	vld.idx.msk [tilespmem:v32+s12+$0x0], $0xffff;
	v2 =	vadd.f32 v3, v2;
	v3 =	vmul.f32 v31, v30  }
0x4a5: {  	v41 =	vor.u32 $0x19, v1;
	v40 =	vld.idx.msk [tilespmem:v32+s13+$0x0], $0xffff  }
0x4a6: {  	v42 =	vld.idx.msk [tilespmem:v35+s12+$0x0], $0xffff;
	v2 =	vadd.f32 v3, v2;
	v3 =	vmul.f32 v34, v33  }
0x4a7: {  	v44 =	vor.u32 $0x1A, v1;
	v43 =	vld.idx.msk [tilespmem:v35+s13+$0x0], $0xffff  }
0x4a8: {  	v45 =	vld.idx.msk [tilespmem:v38+s12+$0x0], $0xffff;
	v2 =	vadd.f32 v3, v2;
	v3 =	vmul.f32 v37, v36  }
0x4a9: {  	v47 =	vor.u32 $0x1B, v1;
	v46 =	vld.idx.msk [tilespmem:v38+s13+$0x0], $0xffff  }
0x4aa: {  	v48 =	vld.idx.msk [tilespmem:v41+s12+$0x0], $0xffff;
	v2 =	vadd.f32 v3, v2;
	v3 =	vmul.f32 v40, v39  }
0x4ab: {  	v50 =	vor.u32 $0x1C, v1;
	v49 =	vld.idx.msk [tilespmem:v41+s13+$0x0], $0xffff  }
0x4ac: {  	v51 =	vld.idx.msk [tilespmem:v44+s12+$0x0], $0xffff;
	v2 =	vadd.f32 v3, v2;
	v3 =	vmul.f32 v43, v42  }
0x4ad: {  	v53 =	vor.u32 $0x1D, v1;
	v52 =	vld.idx.msk [tilespmem:v44+s13+$0x0], $0xffff  }
0x4ae: {  	v54 =	vld.idx.msk [tilespmem:v47+s12+$0x0], $0xffff;
	v2 =	vadd.f32 v3, v2;
	v3 =	vmul.f32 v46, v45  }
0x4af: {  	v56 =	vor.u32 $0x1E, v1;
	v55 =	vld.idx.msk [tilespmem:v47+s13+$0x0], $0xffff  }
0x4b0: {  	v57 =	vld.idx.msk [tilespmem:v50+s12+$0x0], $0xffff;
	v2 =	vadd.f32 v3, v2;
	v3 =	vmul.f32 v49, v48  }
0x4b1: {  	v1 =	vor.u32 $0x1F, v1;
	v58 =	vld.idx.msk [tilespmem:v50+s13+$0x0], $0xffff  }
0x4b2: {  	v59 =	vld.idx.msk [tilespmem:v53+s12+$0x0], $0xffff;
	v2 =	vadd.f32 v3, v2;
	v3 =	vmul.f32 v52, v51  }
0x4b3: {  	v60 =	vld.idx.msk [tilespmem:v53+s13+$0x0], $0xffff  }
0x4b4: {  	v62 =	vld.idx.msk [tilespmem:v56+s13+$0x0], $0xffff;
	v2 =	vadd.f32 v3, v2;
	v3 =	vmul.f32 v55, v54  }
0x4b5: {  	v61 =	vld.idx.msk [tilespmem:v56+s12+$0x0], $0xffff  }
0x4b6: {  	v63 =	vld.idx.msk [tilespmem:v1+s12+$0x0], $0xffff;
	v2 =	vadd.f32 v3, v2;
	v3 =	vmul.f32 v58, v57  }
0x4b7: {  	v1 =	vld.idx.msk [tilespmem:v1+s13+$0x0], $0xffff  }
0x4b8: {  	v2 =	vadd.f32 v3, v2;
	v3 =	vmul.f32 v60, v59;
	_ =	sdelay $0x1  }
0x4b9: {  	v2 =	vadd.f32 v3, v2;
	v3 =	vmul.f32 v62, v61;
	_ =	sdelay $0x1  }
0x4ba: {  	v1 =	vmul.f32 v1, v63;
	v2 =	vadd.f32 v3, v2;
	_ =	sdelay $0x1  }
0x4bb: {  	s29 =	sadd.s32 $0x1, s29;
	v1 =	vadd.f32 v1, v2  }
0x4bc: {  	p0 =	sne.s32 s29, s8;
	s30 =	sadd.s32 $0x10, s30  }
.Ltmp4:
0x4bd: {  	[tilespmem:s30+$0x0] =	vst v1;
	(pc) =	sbr.rel @p0 .LBB2_1-.Ltmp4, $4  }
0x4be: {  	[hbm4b:s7+s2] =	stream.linear.scatter [tilespmem:s28], [sflag:$0x3], $0x200, $0x38;
	[tilespmem:$0x8600] =	vst v63  }
0x4bf: {  	_ =	swait.ge [sflag:s9], $0x200  }
0x4c0: {  	[sflag:s9] =	ssyncset.done $0x0  }
0x4c1: {  	[sflag:s9] =	ssyncadd.s32 $0xFFFFFE00  }
0x4c2: {  	_ =	sfence.sel $0x180000  }
0x4c3: {  	[bflag:$0x0] =	sbarrier.arrive $0xFFFF  }
0x4c4: {  	p0 =	sne.s32 s1, $0x0;
	_ =	strace $0x90000047  }
0x4c5: {  	s0 =	sadd.s32 @!p0 $0x100000, s0;
	[bflag:$0x2] =	sbarrier.arrive $0xFFFF  }
0x4c6: {  	[sflag:s0] =	ssyncadd.tile.s32 @!p0 $0x1;
	_ =	shalt  }
.Lfunc_end2:
_tile_overlayer_lowered:
.L_overlay_start_2:
0x4c7: {  	(tag) =	ssettag $0x2  }
0x4c8: {  	s0 =	rddreg [dreg:$0x0];
	s2 =	stileid.u32  }
0x4c9: {  	s1 =	rddreg [dreg:$0x1];
	p0 =	sne.s32 s2, $0x0  }
0x4ca: {  	s3 =	rddreg [dreg:$0x2];
	[bflag:$0x3] =	sbarrier.arrive $0xFFFF;
	s2 =	simm.s32 @!p0 $0x1C03  }
0x4cb: {  	[timem:s3], [sflag:s2] =	dma.local @!p0 [hbm:s0], s1  }
0x4cc: {  	s0 =	simm.s32 @!p0 $0x3  }
0x4cd: {  	_ =	swait.ge @!p0 [sflag:s0], s1  }
0x4ce: {  	s1 =	ssub.s32 @!p0 $0x0, s1;
	[sflag:s0] =	ssyncset.done @!p0 $0x0  }
0x4cf: {  	[sflag:s0] =	ssyncadd.s32 @!p0 s1  }
0x4d0: {  	[bflag:$0x3] =	sbarrier.arrive $0xFFFF  }
0x4d1: {  	_ =	shalt  }

</sc_bundles>
